<compile_context>
chip_gen: v7x
topology: tpu7x:2x2x1
jax: 0.10.2.dev20260603
libtpu: 0.0.44.dev20260713+nightly
codegen_flags: <defaults>
</compile_context>

<pallas_src>
import dataclasses
import functools

import jax
import jax.numpy as jnp
from jax import lax
from jax.experimental import pallas as pl
from jax.experimental.pallas import tpu as pltpu
from jax.experimental.pallas import tpu_sc as plsc

N_ROIS = 1000
C = 64
POOL = 7
RATIO = 2
D_HEAD = 1024
N_CLASSES = 21
THRESH = 0.05
SCALE = 1.0 / 16.0
NPAD = 1024
K_POST = 100
MB = 256


H_FEAT = 50
W_FEAT = 75
ROI_GROUPS = 8
CH_GROUPS = 4
ROIS_PER_TILE = NPAD // ROI_GROUPS
CH_PER_TILE = C // CH_GROUPS

_SC_MESH = plsc.VectorSubcoreMesh(core_axis_name="c", subcore_axis_name="s")

_SC_PARAMS = pltpu.CompilerParams()
if "needs_layout_passes" in pltpu.CompilerParams.__dataclass_fields__:
    _SC_PARAMS = dataclasses.replace(_SC_PARAMS, needs_layout_passes=False)


def _sc_roi_align_body(feat_hbm, rois_hbm, out_hbm,
                       feat_v, rois_v, y0_b, y1_b, wy_b, x0_b, x1_b, wx_b,
                       pooled_v):
    cidx = lax.axis_index("c")
    sidx = lax.axis_index("s")
    wid = sidx * 2 + cidx
    cg = lax.rem(wid, CH_GROUPS)
    rg = lax.div(wid, CH_GROUPS)
    c0 = cg * CH_PER_TILE
    r0 = rg * ROIS_PER_TILE
    pltpu.sync_copy(feat_hbm.at[pl.ds(c0, CH_PER_TILE), :], feat_v)
    pltpu.sync_copy(rois_hbm.at[pl.ds(r0, ROIS_PER_TILE), :], rois_v)

    lane = lax.iota(jnp.int32, 16)
    off = lane.astype(jnp.float32) * 0.5 + 0.25

    @pl.loop(0, ROIS_PER_TILE)
    def _roi_loop(ri):
        riv = jnp.full((16,), ri, jnp.int32)

        def splat_col(col):
            return plsc.load_gather(rois_v, [riv, jnp.full((16,), col, jnp.int32)])

        x1 = splat_col(1) * SCALE
        y1 = splat_col(2) * SCALE
        x2 = splat_col(3) * SCALE
        y2 = splat_col(4) * SCALE
        rw = jnp.maximum(x2 - x1, 1.0)
        rh = jnp.maximum(y2 - y1, 1.0)
        bw = rw / float(POOL)
        bh = rh / float(POOL)
        ys = y1 + bh * off
        xs = x1 + bw * off
        yc = jnp.clip(ys, 0.0, float(H_FEAT - 1))
        xc = jnp.clip(xs, 0.0, float(W_FEAT - 1))
        y0i = yc.astype(jnp.int32)
        x0i = xc.astype(jnp.int32)
        wy = yc - y0i.astype(jnp.float32)
        wx = xc - x0i.astype(jnp.float32)
        y0_b[...] = y0i
        y1_b[...] = jnp.minimum(y0i + 1, H_FEAT - 1)
        wy_b[...] = wy
        x0_b[...] = x0i
        x1_b[...] = jnp.minimum(x0i + 1, W_FEAT - 1)
        wx_b[...] = wx

        @pl.loop(0, 4)
        def _bin_loop(v):
            b = jnp.minimum(lane + v * 16, POOL * POOL - 1)
            by = lax.div(b, POOL)
            bx = lax.rem(b, POOL)
            def q_body(qy, qx, acc):
                i_idx = by * 2 + qy
                j_idx = bx * 2 + qx
                yy0 = plsc.load_gather(y0_b, [i_idx])
                yy1 = plsc.load_gather(y1_b, [i_idx])
                wyv = plsc.load_gather(wy_b, [i_idx])
                xx0 = plsc.load_gather(x0_b, [j_idx])
                xx1 = plsc.load_gather(x1_b, [j_idx])
                wxv = plsc.load_gather(wx_b, [j_idx])
                onemwy = 1.0 - wyv
                onemwx = 1.0 - wxv
                r00 = yy0 * 128 + xx0
                r01 = yy0 * 128 + xx1
                r10 = yy1 * 128 + xx0
                r11 = yy1 * 128 + xx1
                out = []
                for cc in range(CH_PER_TILE):
                    ccv = jnp.full((16,), cc, jnp.int32)
                    v00 = plsc.load_gather(feat_v, [ccv, r00])
                    v01 = plsc.load_gather(feat_v, [ccv, r01])
                    v10 = plsc.load_gather(feat_v, [ccv, r10])
                    v11 = plsc.load_gather(feat_v, [ccv, r11])
                    t = (((v00 * onemwy) * onemwx + (v01 * onemwy) * wxv)
                         + (v10 * wyv) * onemwx) + (v11 * wyv) * wxv
                    out.append(acc[cc] + t)
                return tuple(out)

            zero16 = jnp.zeros((16,), jnp.float32)
            acc = (zero16,) * CH_PER_TILE
            for qy, qx in ((0, 0), (1, 0), (0, 1), (1, 1)):
                acc = q_body(qy, qx, acc)
            for cc in range(CH_PER_TILE):
                plsc.store_scatter(pooled_v, [b, jnp.full((16,), cc, jnp.int32)],
                                   acc[cc] * 0.25)

        pltpu.sync_copy(pooled_v.at[pl.ds(0, POOL * POOL), :],
                        out_hbm.at[cg, r0 + ri, :, :])


_sc_roi_align = functools.partial(
    pl.kernel,
    mesh=_SC_MESH,
    compiler_params=_SC_PARAMS,
    out_type=jax.ShapeDtypeStruct((CH_GROUPS, NPAD, POOL * POOL, CH_PER_TILE),
                                  jnp.float32),
    scratch_types=[
        pltpu.VMEM((CH_PER_TILE, H_FEAT * 128), jnp.float32),
        pltpu.VMEM((ROIS_PER_TILE, 5), jnp.float32),
        pltpu.VMEM((16,), jnp.int32),
        pltpu.VMEM((16,), jnp.int32),
        pltpu.VMEM((16,), jnp.float32),
        pltpu.VMEM((16,), jnp.int32),
        pltpu.VMEM((16,), jnp.int32),
        pltpu.VMEM((16,), jnp.float32),
        pltpu.VMEM((POOL * POOL + 15, CH_PER_TILE), jnp.float32),
    ],
)(_sc_roi_align_body)


def _head_body(flat_ref, wh_ref, bh_ref, wc_ref, bc_ref,
               head_out, prob_out, sel_out):
    flat = flat_ref[...]
    head = jnp.dot(flat, wh_ref[...], preferred_element_type=jnp.float32)
    head = jnp.maximum(head + bh_ref[...], 0.0)
    head_out[...] = head
    cls_score = jnp.dot(head, wc_ref[...], preferred_element_type=jnp.float32)
    cls_score = cls_score + bc_ref[...]
    xm = jnp.max(cls_score, axis=1, keepdims=True)
    e = jnp.exp(cls_score - xm)
    ssum = jnp.sum(e, axis=1, keepdims=True)
    prob = e / ssum
    prob_out[...] = prob
    maxp = jnp.max(prob, axis=1, keepdims=True)
    keep = (prob[:, 0:1] < maxp) & (maxp > THRESH)
    sel_out[...] = jnp.where(keep, maxp, -1.0)


_head_call = pl.pallas_call(
    _head_body,
    grid=(NPAD // MB,),
    in_specs=[
        pl.BlockSpec((MB, POOL * POOL * C), lambda i: (i, 0)),
        pl.BlockSpec((POOL * POOL * C, D_HEAD), lambda i: (0, 0)),
        pl.BlockSpec((1, D_HEAD), lambda i: (0, 0)),
        pl.BlockSpec((D_HEAD, N_CLASSES), lambda i: (0, 0)),
        pl.BlockSpec((1, N_CLASSES), lambda i: (0, 0)),
    ],
    out_specs=(
        pl.BlockSpec((MB, D_HEAD), lambda i: (i, 0)),
        pl.BlockSpec((MB, N_CLASSES), lambda i: (i, 0)),
        pl.BlockSpec((MB, 1), lambda i: (i, 0)),
    ),
    out_shape=(
        jax.ShapeDtypeStruct((NPAD, D_HEAD), jnp.float32),
        jax.ShapeDtypeStruct((NPAD, N_CLASSES), jnp.float32),
        jax.ShapeDtypeStruct((NPAD, 1), jnp.float32),
    ),
)


def _topk_body(sel_ref, rois_ref, head_ref, prob_ref,
               rois_out, feat_out, prob_out):
    s = jnp.transpose(sel_ref[...])
    lane = jax.lax.broadcasted_iota(jnp.int32, (1, NPAD), 1)

    def body(i, s):
        m = jnp.max(s)
        idx = jnp.min(jnp.where(s == m, lane, NPAD))
        rois_out[pl.ds(i, 1), :] = rois_ref[pl.ds(idx, 1), :]
        feat_out[pl.ds(i, 1), :] = head_ref[pl.ds(idx, 1), :]
        prob_out[pl.ds(i, 1), :] = prob_ref[pl.ds(idx, 1), :]
        return jnp.where(lane == idx, -2.0, s)

    jax.lax.fori_loop(0, K_POST, body, s)


_topk_call = pl.pallas_call(
    _topk_body,
    out_shape=(
        jax.ShapeDtypeStruct((K_POST, 5), jnp.float32),
        jax.ShapeDtypeStruct((K_POST, D_HEAD), jnp.float32),
        jax.ShapeDtypeStruct((K_POST, N_CLASSES), jnp.float32),
    ),
)


def kernel(base_feat, rois, W_head, b_head, W_cls, b_cls):
    rois_pad = jnp.zeros((NPAD, 5), jnp.float32).at[:N_ROIS].set(rois)
    feat_t = jnp.transpose(base_feat[0], (2, 0, 1))
    feat_r = jnp.pad(feat_t, ((0, 0), (0, 0), (0, 128 - W_FEAT))).reshape(C, -1)
    pooled4 = _sc_roi_align(feat_r, rois_pad)
    flat_pad = pooled4.transpose(1, 2, 0, 3).reshape(NPAD, POOL * POOL * C)
    row = jax.lax.broadcasted_iota(jnp.int32, (NPAD, 1), 0)
    flat_pad = jnp.where(row < N_ROIS, flat_pad, 0.0)
    head, prob, sel = _head_call(flat_pad, W_head, b_head.reshape(1, -1),
                                 W_cls, b_cls.reshape(1, -1))
    post_rois, post_feat, post_prob = _topk_call(sel, rois_pad, head, prob)
    return post_rois[None], post_feat, post_prob[None]

# --- scband reference (transcript-rebuilt; emitter-appended) ---
"""Pipeline reference for scband-faster-rcnn-37873021616767 (READ-ONLY COPY).

The authoritative reference and input builder live on the scoring server;
editing this copy changes nothing except your own understanding.
"""

import jax, jax.numpy as jnp
import numpy as np

N_ROIS = 1000
C = 64
POOL = 7
RATIO = 2
D_HEAD = 1024
N_CLASSES = 21
THRESH = 0.05
SCALE = 1.0 / 16.0


def setup_inputs(seed: int = 0):
    key = jax.random.key(seed)
    ks = jax.random.split(key, 8)
    base_feat = jax.random.normal(ks[0], (1, 50, 75, C), dtype=jnp.float32)
    x1 = jax.random.uniform(ks[1], (N_ROIS,), minval=0.0, maxval=1100.0)
    y1 = jax.random.uniform(ks[2], (N_ROIS,), minval=0.0, maxval=700.0)
    w = jax.random.uniform(ks[3], (N_ROIS,), minval=32.0, maxval=320.0)
    h = jax.random.uniform(ks[4], (N_ROIS,), minval=32.0, maxval=320.0)
    x2 = jnp.clip(x1 + w, 0.0, 1199.0)
    y2 = jnp.clip(y1 + h, 0.0, 799.0)
    rois = jnp.stack([jnp.zeros((N_ROIS,)), x1, y1, x2, y2], axis=1).astype(jnp.float32)
    W_head = 0.01 * jax.random.normal(ks[5], (POOL * POOL * C, D_HEAD), dtype=jnp.float32)
    b_head = jnp.zeros((D_HEAD,), jnp.float32)
    W_cls = 0.01 * jax.random.normal(ks[6], (D_HEAD, N_CLASSES), dtype=jnp.float32)
    b_cls = jnp.zeros((N_CLASSES,), jnp.float32)
    return {"base_feat": base_feat, "rois": rois, "W_head": W_head, "b_head": b_head, "W_cls": W_cls, "b_cls": b_cls}


def _roi_align(feat, rois):
    # feat: [H, W, C]; rois: [N, 5] (batch_idx, x1, y1, x2, y2) in image coords
    H, W, _ = feat.shape
    x1 = rois[:, 1] * SCALE
    y1 = rois[:, 2] * SCALE
    x2 = rois[:, 3] * SCALE
    y2 = rois[:, 4] * SCALE
    rw = jnp.maximum(x2 - x1, 1.0)
    rh = jnp.maximum(y2 - y1, 1.0)
    bw = rw / POOL
    bh = rh / POOL
    idx = jnp.arange(POOL, dtype=jnp.float32)
    s = (jnp.arange(RATIO, dtype=jnp.float32) + 0.5) / RATIO
    off = idx[:, None] + s[None, :]  # [POOL, RATIO]
    ys = y1[:, None, None] + bh[:, None, None] * off[None]  # [N, POOL, RATIO]
    xs = x1[:, None, None] + bw[:, None, None] * off[None]
    Y = ys[:, :, :, None, None]  # [N,P,R,1,1]
    X = xs[:, None, None, :, :]  # [N,1,1,P,R]
    Yc = jnp.clip(Y, 0.0, H - 1.0)
    Xc = jnp.clip(X, 0.0, W - 1.0)
    y0 = jnp.floor(Yc)
    x0 = jnp.floor(Xc)
    wy = Yc - y0
    wx = Xc - x0
    y0i = y0.astype(jnp.int32)
    x0i = x0.astype(jnp.int32)
    y1i = jnp.clip(y0i + 1, 0, H - 1)
    x1i = jnp.clip(x0i + 1, 0, W - 1)
    # broadcasted gathers -> [N,P,R,P,R,C]
    v00 = feat[y0i, x0i]
    v01 = feat[y0i, x1i]
    v10 = feat[y1i, x0i]
    v11 = feat[y1i, x1i]
    wy = wy[..., None]
    wx = wx[..., None]
    val = v00 * (1 - wy) * (1 - wx) + v01 * (1 - wy) * wx + v10 * wy * (1 - wx) + v11 * wy * wx
    pooled = val.mean(axis=(2, 4))  # [N, POOL, POOL, C]
    return pooled


def _forward(base_feat, rois, W_head, b_head, W_cls, b_cls):
    feat = base_feat[0]
    pooled = _roi_align(feat, rois)
    flat = pooled.reshape((rois.shape[0], -1))
    head = jax.nn.relu(flat @ W_head + b_head)  # _head_to_tail
    cls_score = head @ W_cls + b_cls
    cls_prob = jax.nn.softmax(cls_score, axis=1)
    # rois_filter: argmax != background and max prob > threshold, capped at 100
    max_prob = jnp.max(cls_prob, axis=1)
    arg_max = jnp.argmax(cls_prob, axis=1)
    keep = (arg_max != 0) & (max_prob > THRESH)
    sel_score = jnp.where(keep, max_prob, -1.0)
    _, post_inds = jax.lax.top_k(sel_score, 100)
    post_rois = rois[post_inds][None]            # [1, 100, 5]
    post_cls_prob = cls_prob[post_inds][None]    # [1, 100, 21]
    pooled_feat_post = head[post_inds]           # [100, D_HEAD]
    return post_rois, pooled_feat_post, post_cls_prob


def reference(base_feat, rois, W_head, b_head, W_cls, b_cls):
    return _forward(base_feat, rois, W_head, b_head, W_cls, b_cls)

if __name__ == "__main__":
    import jax
    _d = setup_inputs()
    print(jax.jit(kernel)(*tuple(_d.values())))

</pallas_src>

<mosaic_0001>
#map = affine_map<(d0, d1) -> (0, 0)>
#map1 = affine_map<(d0, d1) -> (0, 0, 0, 0)>
module attributes {stable_mosaic.version = 14 : i64} {
  func.func @_sc_roi_align_body(%arg0: i32, %arg1: i32, %arg2: memref<64x6400xf32, #tpu.memory_space<hbm>>, %arg3: memref<1024x5xf32, #tpu.memory_space<hbm>>, %arg4: memref<4x1024x49x16xf32, #tpu.memory_space<hbm>>, %arg5: memref<16x6400xf32, #tpu.memory_space<vmem>>, %arg6: memref<128x5xf32, #tpu.memory_space<vmem>>, %arg7: memref<16xi32, #tpu.memory_space<vmem>>, %arg8: memref<16xi32, #tpu.memory_space<vmem>>, %arg9: memref<16xf32, #tpu.memory_space<vmem>>, %arg10: memref<16xi32, #tpu.memory_space<vmem>>, %arg11: memref<16xi32, #tpu.memory_space<vmem>>, %arg12: memref<16xf32, #tpu.memory_space<vmem>>, %arg13: memref<64x16xf32, #tpu.memory_space<vmem>>) attributes {dimension_semantics = [#tpu.dimension_semantics<core_parallel>, #tpu.dimension_semantics<subcore_parallel>], iteration_bounds = array<i64: 2, 16>, scalar_prefetch = 0 : i64, scratch_operands = 9 : i64, tpu.core_type = #tpu.core_type<sc_vector_subcore>, window_params = [{transform_indices = #map}, {transform_indices = #map}, {transform_indices = #map1}]} {
    %mul3A = arith.constant 2 : i32
    %mul3A_0 = arith.muli %arg1, %mul3A : i32
    %add3A = arith.addi %mul3A_0, %arg0 : i32
    %rem3A = arith.constant 4 : i32
    %rem3A_1 = arith.remsi %add3A, %rem3A : i32
    %div3A = arith.constant 4 : i32
    %div3A_2 = arith.divsi %add3A, %div3A : i32
    %mul3A_3 = arith.constant 16 : i32
    %mul3A_4 = arith.muli %rem3A_1, %mul3A_3 : i32
    %mul3A_5 = arith.constant 128 : i32
    %mul3A_6 = arith.muli %div3A_2, %mul3A_5 : i32
    "tpu.region"() ({
      %run_scoped3A = tpu.sem_alloc : memref<!tpu.dma_semaphore, #tpu.memory_space<semaphore_mem>>
      %dma_start3A = arith.constant 0 : i32
      %dma_start3A_17 = tpu.memref_slice %arg2[%mul3A_4, %dma_start3A] : memref<64x6400xf32, #tpu.memory_space<hbm>> -> memref<16x6400xf32, #tpu.memory_space<hbm>>
      %dma_start3A_18 = arith.constant 0 : i32
      %dma_start3A_19 = tpu.memref_slice %arg2[%mul3A_4, %dma_start3A_18] : memref<64x6400xf32, #tpu.memory_space<hbm>> -> memref<16x6400xf32, #tpu.memory_space<hbm>>
      tpu.enqueue_dma source(%dma_start3A_19 : memref<16x6400xf32, #tpu.memory_space<hbm>>) target(%arg5 : memref<16x6400xf32, #tpu.memory_space<vmem>>) target_semaphore(%run_scoped3A : memref<!tpu.dma_semaphore, #tpu.memory_space<semaphore_mem>>)
      %dma_wait3A = arith.constant 0 : i32
      %dma_wait3A_20 = tpu.memref_slice %arg2[%mul3A_4, %dma_wait3A] : memref<64x6400xf32, #tpu.memory_space<hbm>> -> memref<16x6400xf32, #tpu.memory_space<hbm>>
      %dma_wait3A_21 = arith.constant 0 : i32
      %dma_wait3A_22 = tpu.memref_slice %arg2[%mul3A_4, %dma_wait3A_21] : memref<64x6400xf32, #tpu.memory_space<hbm>> -> memref<16x6400xf32, #tpu.memory_space<hbm>>
      tpu.wait_dma2 semaphore(%run_scoped3A : memref<!tpu.dma_semaphore, #tpu.memory_space<semaphore_mem>>) src(%dma_wait3A_22 : memref<16x6400xf32, #tpu.memory_space<hbm>>) dst(%arg5 : memref<16x6400xf32, #tpu.memory_space<vmem>>)
      tpu.yield
    }) : () -> ()
    "tpu.region"() ({
      %run_scoped3A = tpu.sem_alloc : memref<!tpu.dma_semaphore, #tpu.memory_space<semaphore_mem>>
      %dma_start3A = arith.constant 0 : i32
      %dma_start3A_17 = tpu.memref_slice %arg3[%mul3A_6, %dma_start3A] : memref<1024x5xf32, #tpu.memory_space<hbm>> -> memref<128x5xf32, #tpu.memory_space<hbm>>
      %dma_start3A_18 = arith.constant 0 : i32
      %dma_start3A_19 = tpu.memref_slice %arg3[%mul3A_6, %dma_start3A_18] : memref<1024x5xf32, #tpu.memory_space<hbm>> -> memref<128x5xf32, #tpu.memory_space<hbm>>
      tpu.enqueue_dma source(%dma_start3A_19 : memref<128x5xf32, #tpu.memory_space<hbm>>) target(%arg6 : memref<128x5xf32, #tpu.memory_space<vmem>>) target_semaphore(%run_scoped3A : memref<!tpu.dma_semaphore, #tpu.memory_space<semaphore_mem>>)
      %dma_wait3A = arith.constant 0 : i32
      %dma_wait3A_20 = tpu.memref_slice %arg3[%mul3A_6, %dma_wait3A] : memref<1024x5xf32, #tpu.memory_space<hbm>> -> memref<128x5xf32, #tpu.memory_space<hbm>>
      %dma_wait3A_21 = arith.constant 0 : i32
      %dma_wait3A_22 = tpu.memref_slice %arg3[%mul3A_6, %dma_wait3A_21] : memref<1024x5xf32, #tpu.memory_space<hbm>> -> memref<128x5xf32, #tpu.memory_space<hbm>>
      tpu.wait_dma2 semaphore(%run_scoped3A : memref<!tpu.dma_semaphore, #tpu.memory_space<semaphore_mem>>) src(%dma_wait3A_22 : memref<128x5xf32, #tpu.memory_space<hbm>>) dst(%arg6 : memref<128x5xf32, #tpu.memory_space<vmem>>)
      tpu.yield
    }) : () -> ()
    %iota3A = tpu.iota {dimensions = array<i32: 0>} : vector<16xi32>
    %convert_element_type3A = arith.sitofp %iota3A : vector<16xi32> to vector<16xf32>
    %mul3A_7 = arith.constant 5.000000e-01 : f32
    %mul3A_8 = vector.broadcast %mul3A_7 : f32 to vector<16xf32>
    %mul3A_9 = arith.mulf %convert_element_type3A, %mul3A_8 : vector<16xf32>
    %add3A_10 = arith.constant 2.500000e-01 : f32
    %add3A_11 = vector.broadcast %add3A_10 : f32 to vector<16xf32>
    %add3A_12 = arith.addf %mul3A_9, %add3A_11 : vector<16xf32>
    %scan3A = arith.constant 0 : i32
    %scan3A_13 = arith.constant 128 : i32
    %scan3A_14 = arith.addi %scan3A, %scan3A_13 : i32
    %scan3A_15 = arith.constant 1 : i32
    scf.for %scan3A_17 = %scan3A to %scan3A_14 step %scan3A_15  : i32 {
      %mul3A_18 = arith.constant 1 : i32
      %mul3A_19 = arith.muli %scan3A_17, %mul3A_18 : i32
      %add3A_20 = arith.constant 0 : i32
      %add3A_21 = arith.addi %add3A_20, %mul3A_19 : i32
      %broadcast_in_dim3A = vector.broadcast %add3A_21 : i32 to vector<16xi32>
      %broadcast_in_dim3A_22 = arith.constant 1 : i32
      %broadcast_in_dim3A_23 = vector.broadcast %broadcast_in_dim3A_22 : i32 to vector<16xi32>
      %gather3A = tpu.vector_load_idx %arg6[%broadcast_in_dim3A, %broadcast_in_dim3A_23] : memref<128x5xf32, #tpu.memory_space<vmem>>[vector<16xi32>, vector<16xi32>], vector<16xf32>,
      %mul3A_24 = arith.constant 6.250000e-02 : f32
      %mul3A_25 = vector.broadcast %mul3A_24 : f32 to vector<16xf32>
      %mul3A_26 = arith.mulf %gather3A, %mul3A_25 : vector<16xf32>
      %broadcast_in_dim3A_27 = arith.constant 2 : i32
      %broadcast_in_dim3A_28 = vector.broadcast %broadcast_in_dim3A_27 : i32 to vector<16xi32>
      %gather3A_29 = tpu.vector_load_idx %arg6[%broadcast_in_dim3A, %broadcast_in_dim3A_28] : memref<128x5xf32, #tpu.memory_space<vmem>>[vector<16xi32>, vector<16xi32>], vector<16xf32>,
      %mul3A_30 = arith.constant 6.250000e-02 : f32
      %mul3A_31 = vector.broadcast %mul3A_30 : f32 to vector<16xf32>
      %mul3A_32 = arith.mulf %gather3A_29, %mul3A_31 : vector<16xf32>
      %broadcast_in_dim3A_33 = arith.constant 3 : i32
      %broadcast_in_dim3A_34 = vector.broadcast %broadcast_in_dim3A_33 : i32 to vector<16xi32>
      %gather3A_35 = tpu.vector_load_idx %arg6[%broadcast_in_dim3A, %broadcast_in_dim3A_34] : memref<128x5xf32, #tpu.memory_space<vmem>>[vector<16xi32>, vector<16xi32>], vector<16xf32>,
      %mul3A_36 = arith.constant 6.250000e-02 : f32
      %mul3A_37 = vector.broadcast %mul3A_36 : f32 to vector<16xf32>
      %mul3A_38 = arith.mulf %gather3A_35, %mul3A_37 : vector<16xf32>
      %broadcast_in_dim3A_39 = arith.constant 4 : i32
      %broadcast_in_dim3A_40 = vector.broadcast %broadcast_in_dim3A_39 : i32 to vector<16xi32>
      %gather3A_41 = tpu.vector_load_idx %arg6[%broadcast_in_dim3A, %broadcast_in_dim3A_40] : memref<128x5xf32, #tpu.memory_space<vmem>>[vector<16xi32>, vector<16xi32>], vector<16xf32>,
      %mul3A_42 = arith.constant 6.250000e-02 : f32
      %mul3A_43 = vector.broadcast %mul3A_42 : f32 to vector<16xf32>
      %mul3A_44 = arith.mulf %gather3A_41, %mul3A_43 : vector<16xf32>
      %sub3A = arith.subf %mul3A_38, %mul3A_26 : vector<16xf32>
      %max3A = arith.constant 1.000000e+00 : f32
      %max3A_45 = vector.broadcast %max3A : f32 to vector<16xf32>
      %max3A_46 = arith.maximumf %sub3A, %max3A_45 : vector<16xf32>
      %sub3A_47 = arith.subf %mul3A_44, %mul3A_32 : vector<16xf32>
      %max3A_48 = arith.constant 1.000000e+00 : f32
      %max3A_49 = vector.broadcast %max3A_48 : f32 to vector<16xf32>
      %max3A_50 = arith.maximumf %sub3A_47, %max3A_49 : vector<16xf32>
      %div3A_51 = arith.constant 7.000000e+00 : f32
      %div3A_52 = vector.broadcast %div3A_51 : f32 to vector<16xf32>
      %div3A_53 = arith.divf %max3A_46, %div3A_52 : vector<16xf32>
      %div3A_54 = arith.constant 7.000000e+00 : f32
      %div3A_55 = vector.broadcast %div3A_54 : f32 to vector<16xf32>
      %div3A_56 = arith.divf %max3A_50, %div3A_55 : vector<16xf32>
      %mul3A_57 = arith.mulf %div3A_56, %add3A_12 : vector<16xf32>
      %add3A_58 = arith.addf %mul3A_32, %mul3A_57 : vector<16xf32>
      %mul3A_59 = arith.mulf %div3A_53, %add3A_12 : vector<16xf32>
      %add3A_60 = arith.addf %mul3A_26, %mul3A_59 : vector<16xf32>
      %jit3A = arith.constant 0.000000e+00 : f32
      %jit3A_61 = arith.constant 4.900000e+01 : f32
      %max3A_62 = vector.broadcast %jit3A : f32 to vector<16xf32>
      %max3A_63 = arith.maximumf %max3A_62, %add3A_58 : vector<16xf32>
      %min3A = vector.broadcast %jit3A_61 : f32 to vector<16xf32>
      %min3A_64 = arith.minimumf %min3A, %max3A_63 : vector<16xf32>
      %jit3A_65 = arith.constant 0.000000e+00 : f32
      %jit3A_66 = arith.constant 7.400000e+01 : f32
      %max3A_67 = vector.broadcast %jit3A_65 : f32 to vector<16xf32>
      %max3A_68 = arith.maximumf %max3A_67, %add3A_60 : vector<16xf32>
      %min3A_69 = vector.broadcast %jit3A_66 : f32 to vector<16xf32>
      %min3A_70 = arith.minimumf %min3A_69, %max3A_68 : vector<16xf32>
      %convert_element_type3A_71 = arith.fptosi %min3A_64 : vector<16xf32> to vector<16xi32>
      %convert_element_type3A_72 = arith.fptosi %min3A_70 : vector<16xf32> to vector<16xi32>
      %convert_element_type3A_73 = arith.sitofp %convert_element_type3A_71 : vector<16xi32> to vector<16xf32>
      %sub3A_74 = arith.subf %min3A_64, %convert_element_type3A_73 : vector<16xf32>
      %convert_element_type3A_75 = arith.sitofp %convert_element_type3A_72 : vector<16xi32> to vector<16xf32>
      %sub3A_76 = arith.subf %min3A_70, %convert_element_type3A_75 : vector<16xf32>
      %swap3A = arith.constant 0 : index
      %swap3A_77 = tpu.vector_load %arg7[%swap3A] {strides = array<i32>} : memref<16xi32, #tpu.memory_space<vmem>>, vector<16xi32>,
      tpu.vector_store %arg7[%swap3A], %convert_element_type3A_71 {strides = array<i32>} : memref<16xi32, #tpu.memory_space<vmem>>, vector<16xi32>,
      %add3A_78 = arith.constant 1 : i32
      %add3A_79 = vector.broadcast %add3A_78 : i32 to vector<16xi32>
      %add3A_80 = arith.addi %convert_element_type3A_71, %add3A_79 : vector<16xi32>
      %min3A_81 = arith.constant 49 : i32
      %min3A_82 = vector.broadcast %min3A_81 : i32 to vector<16xi32>
      %min3A_83 = arith.minsi %add3A_80, %min3A_82 : vector<16xi32>
      %swap3A_84 = arith.constant 0 : index
      %swap3A_85 = tpu.vector_load %arg8[%swap3A_84] {strides = array<i32>} : memref<16xi32, #tpu.memory_space<vmem>>, vector<16xi32>,
      tpu.vector_store %arg8[%swap3A_84], %min3A_83 {strides = array<i32>} : memref<16xi32, #tpu.memory_space<vmem>>, vector<16xi32>,
      %swap3A_86 = arith.constant 0 : index
      %swap3A_87 = tpu.vector_load %arg9[%swap3A_86] {strides = array<i32>} : memref<16xf32, #tpu.memory_space<vmem>>, vector<16xf32>,
      tpu.vector_store %arg9[%swap3A_86], %sub3A_74 {strides = array<i32>} : memref<16xf32, #tpu.memory_space<vmem>>, vector<16xf32>,
      %swap3A_88 = arith.constant 0 : index
      %swap3A_89 = tpu.vector_load %arg10[%swap3A_88] {strides = array<i32>} : memref<16xi32, #tpu.memory_space<vmem>>, vector<16xi32>,
      tpu.vector_store %arg10[%swap3A_88], %convert_element_type3A_72 {strides = array<i32>} : memref<16xi32, #tpu.memory_space<vmem>>, vector<16xi32>,
      %add3A_90 = arith.constant 1 : i32
      %add3A_91 = vector.broadcast %add3A_90 : i32 to vector<16xi32>
      %add3A_92 = arith.addi %convert_element_type3A_72, %add3A_91 : vector<16xi32>
      %min3A_93 = arith.constant 74 : i32
      %min3A_94 = vector.broadcast %min3A_93 : i32 to vector<16xi32>
      %min3A_95 = arith.minsi %add3A_92, %min3A_94 : vector<16xi32>
      %swap3A_96 = arith.constant 0 : index
      %swap3A_97 = tpu.vector_load %arg11[%swap3A_96] {strides = array<i32>} : memref<16xi32, #tpu.memory_space<vmem>>, vector<16xi32>,
      tpu.vector_store %arg11[%swap3A_96], %min3A_95 {strides = array<i32>} : memref<16xi32, #tpu.memory_space<vmem>>, vector<16xi32>,
      %swap3A_98 = arith.constant 0 : index
      %swap3A_99 = tpu.vector_load %arg12[%swap3A_98] {strides = array<i32>} : memref<16xf32, #tpu.memory_space<vmem>>, vector<16xf32>,
      tpu.vector_store %arg12[%swap3A_98], %sub3A_76 {strides = array<i32>} : memref<16xf32, #tpu.memory_space<vmem>>, vector<16xf32>,
      %scan3A_100 = arith.constant 0 : i32
      %scan3A_101 = arith.constant 4 : i32
      %scan3A_102 = arith.addi %scan3A_100, %scan3A_101 : i32
      %scan3A_103 = arith.constant 1 : i32
      scf.for %scan3A_106 = %scan3A_100 to %scan3A_102 step %scan3A_103  : i32 {
        %mul3A_107 = arith.constant 1 : i32
        %mul3A_108 = arith.muli %scan3A_106, %mul3A_107 : i32
        %add3A_109 = arith.constant 0 : i32
        %add3A_110 = arith.addi %add3A_109, %mul3A_108 : i32
        %mul3A_111 = arith.constant 16 : i32
        %mul3A_112 = arith.muli %add3A_110, %mul3A_111 : i32
        %add3A_113 = vector.broadcast %mul3A_112 : i32 to vector<16xi32>
        %add3A_114 = arith.addi %iota3A, %add3A_113 : vector<16xi32>
        %min3A_115 = arith.constant 48 : i32
        %min3A_116 = vector.broadcast %min3A_115 : i32 to vector<16xi32>
        %min3A_117 = arith.minsi %add3A_114, %min3A_116 : vector<16xi32>
        %div3A_118 = arith.constant 7 : i32
        %div3A_119 = vector.broadcast %div3A_118 : i32 to vector<16xi32>
        %div3A_120 = arith.divsi %min3A_117, %div3A_119 : vector<16xi32>
        %rem3A_121 = arith.constant 7 : i32
        %rem3A_122 = vector.broadcast %rem3A_121 : i32 to vector<16xi32>
        %rem3A_123 = arith.remsi %min3A_117, %rem3A_122 : vector<16xi32>
        %broadcast_in_dim3A_124 = arith.constant 0.000000e+00 : f32
        %broadcast_in_dim3A_125 = vector.broadcast %broadcast_in_dim3A_124 : f32 to vector<16xf32>
        %mul3A_126 = arith.constant 2 : i32
        %mul3A_127 = vector.broadcast %mul3A_126 : i32 to vector<16xi32>
        %mul3A_128 = arith.muli %div3A_120, %mul3A_127 : vector<16xi32>
        %add3A_129 = arith.constant 0 : i32
        %add3A_130 = vector.broadcast %add3A_129 : i32 to vector<16xi32>
        %add3A_131 = arith.addi %mul3A_128, %add3A_130 : vector<16xi32>
        %mul3A_132 = arith.constant 2 : i32
        %mul3A_133 = vector.broadcast %mul3A_132 : i32 to vector<16xi32>
        %mul3A_134 = arith.muli %rem3A_123, %mul3A_133 : vector<16xi32>
        %add3A_135 = arith.constant 0 : i32
        %add3A_136 = vector.broadcast %add3A_135 : i32 to vector<16xi32>
        %add3A_137 = arith.addi %mul3A_134, %add3A_136 : vector<16xi32>
        %gather3A_138 = tpu.vector_load_idx %arg7[%add3A_131] : memref<16xi32, #tpu.memory_space<vmem>>[vector<16xi32>], vector<16xi32>,
        %gather3A_139 = tpu.vector_load_idx %arg8[%add3A_131] : memref<16xi32, #tpu.memory_space<vmem>>[vector<16xi32>], vector<16xi32>,
        %gather3A_140 = tpu.vector_load_idx %arg9[%add3A_131] : memref<16xf32, #tpu.memory_space<vmem>>[vector<16xi32>], vector<16xf32>,
        %gather3A_141 = tpu.vector_load_idx %arg10[%add3A_137] : memref<16xi32, #tpu.memory_space<vmem>>[vector<16xi32>], vector<16xi32>,
        %gather3A_142 = tpu.vector_load_idx %arg11[%add3A_137] : memref<16xi32, #tpu.memory_space<vmem>>[vector<16xi32>], vector<16xi32>,
        %gather3A_143 = tpu.vector_load_idx %arg12[%add3A_137] : memref<16xf32, #tpu.memory_space<vmem>>[vector<16xi32>], vector<16xf32>,
        %sub3A_144 = arith.constant 1.000000e+00 : f32
        %sub3A_145 = vector.broadcast %sub3A_144 : f32 to vector<16xf32>
        %sub3A_146 = arith.subf %sub3A_145, %gather3A_140 : vector<16xf32>
        %sub3A_147 = arith.constant 1.000000e+00 : f32
        %sub3A_148 = vector.broadcast %sub3A_147 : f32 to vector<16xf32>
        %sub3A_149 = arith.subf %sub3A_148, %gather3A_143 : vector<16xf32>
        %mul3A_150 = arith.constant 128 : i32
        %mul3A_151 = vector.broadcast %mul3A_150 : i32 to vector<16xi32>
        %mul3A_152 = arith.muli %gather3A_138, %mul3A_151 : vector<16xi32>
        %add3A_153 = arith.addi %mul3A_152, %gather3A_141 : vector<16xi32>
        %mul3A_154 = arith.constant 128 : i32
        %mul3A_155 = vector.broadcast %mul3A_154 : i32 to vector<16xi32>
        %mul3A_156 = arith.muli %gather3A_138, %mul3A_155 : vector<16xi32>
        %add3A_157 = arith.addi %mul3A_156, %gather3A_142 : vector<16xi32>
        %mul3A_158 = arith.constant 128 : i32
        %mul3A_159 = vector.broadcast %mul3A_158 : i32 to vector<16xi32>
        %mul3A_160 = arith.muli %gather3A_139, %mul3A_159 : vector<16xi32>
        %add3A_161 = arith.addi %mul3A_160, %gather3A_141 : vector<16xi32>
        %mul3A_162 = arith.constant 128 : i32
        %mul3A_163 = vector.broadcast %mul3A_162 : i32 to vector<16xi32>
        %mul3A_164 = arith.muli %gather3A_139, %mul3A_163 : vector<16xi32>
        %add3A_165 = arith.addi %mul3A_164, %gather3A_142 : vector<16xi32>
        %broadcast_in_dim3A_166 = arith.constant 0 : i32
        %broadcast_in_dim3A_167 = vector.broadcast %broadcast_in_dim3A_166 : i32 to vector<16xi32>
        %gather3A_168 = tpu.vector_load_idx %arg5[%broadcast_in_dim3A_167, %add3A_153] : memref<16x6400xf32, #tpu.memory_space<vmem>>[vector<16xi32>, vector<16xi32>], vector<16xf32>,
        %gather3A_169 = tpu.vector_load_idx %arg5[%broadcast_in_dim3A_167, %add3A_157] : memref<16x6400xf32, #tpu.memory_space<vmem>>[vector<16xi32>, vector<16xi32>], vector<16xf32>,
        %gather3A_170 = tpu.vector_load_idx %arg5[%broadcast_in_dim3A_167, %add3A_161] : memref<16x6400xf32, #tpu.memory_space<vmem>>[vector<16xi32>, vector<16xi32>], vector<16xf32>,
        %gather3A_171 = tpu.vector_load_idx %arg5[%broadcast_in_dim3A_167, %add3A_165] : memref<16x6400xf32, #tpu.memory_space<vmem>>[vector<16xi32>, vector<16xi32>], vector<16xf32>,
        %mul3A_172 = arith.mulf %gather3A_168, %sub3A_146 : vector<16xf32>
        %mul3A_173 = arith.mulf %mul3A_172, %sub3A_149 : vector<16xf32>
        %mul3A_174 = arith.mulf %gather3A_169, %sub3A_146 : vector<16xf32>
        %mul3A_175 = arith.mulf %mul3A_174, %gather3A_143 : vector<16xf32>
        %add3A_176 = arith.addf %mul3A_173, %mul3A_175 : vector<16xf32>
        %mul3A_177 = arith.mulf %gather3A_170, %gather3A_140 : vector<16xf32>
        %mul3A_178 = arith.mulf %mul3A_177, %sub3A_149 : vector<16xf32>
        %add3A_179 = arith.addf %add3A_176, %mul3A_178 : vector<16xf32>
        %mul3A_180 = arith.mulf %gather3A_171, %gather3A_140 : vector<16xf32>
        %mul3A_181 = arith.mulf %mul3A_180, %gather3A_143 : vector<16xf32>
        %add3A_182 = arith.addf %add3A_179, %mul3A_181 : vector<16xf32>
        %add3A_183 = arith.addf %broadcast_in_dim3A_125, %add3A_182 : vector<16xf32>
        %broadcast_in_dim3A_184 = arith.constant 1 : i32
        %broadcast_in_dim3A_185 = vector.broadcast %broadcast_in_dim3A_184 : i32 to vector<16xi32>
        %gather3A_186 = tpu.vector_load_idx %arg5[%broadcast_in_dim3A_185, %add3A_153] : memref<16x6400xf32, #tpu.memory_space<vmem>>[vector<16xi32>, vector<16xi32>], vector<16xf32>,
        %gather3A_187 = tpu.vector_load_idx %arg5[%broadcast_in_dim3A_185, %add3A_157] : memref<16x6400xf32, #tpu.memory_space<vmem>>[vector<16xi32>, vector<16xi32>], vector<16xf32>,
        %gather3A_188 = tpu.vector_load_idx %arg5[%broadcast_in_dim3A_185, %add3A_161] : memref<16x6400xf32, #tpu.memory_space<vmem>>[vector<16xi32>, vector<16xi32>], vector<16xf32>,
        %gather3A_189 = tpu.vector_load_idx %arg5[%broadcast_in_dim3A_185, %add3A_165] : memref<16x6400xf32, #tpu.memory_space<vmem>>[vector<16xi32>, vector<16xi32>], vector<16xf32>,
        %mul3A_190 = arith.mulf %gather3A_186, %sub3A_146 : vector<16xf32>
        %mul3A_191 = arith.mulf %mul3A_190, %sub3A_149 : vector<16xf32>
        %mul3A_192 = arith.mulf %gather3A_187, %sub3A_146 : vector<16xf32>
        %mul3A_193 = arith.mulf %mul3A_192, %gather3A_143 : vector<16xf32>
        %add3A_194 = arith.addf %mul3A_191, %mul3A_193 : vector<16xf32>
        %mul3A_195 = arith.mulf %gather3A_188, %gather3A_140 : vector<16xf32>
        %mul3A_196 = arith.mulf %mul3A_195, %sub3A_149 : vector<16xf32>
        %add3A_197 = arith.addf %add3A_194, %mul3A_196 : vector<16xf32>
        %mul3A_198 = arith.mulf %gather3A_189, %gather3A_140 : vector<16xf32>
        %mul3A_199 = arith.mulf %mul3A_198, %gather3A_143 : vector<16xf32>
        %add3A_200 = arith.addf %add3A_197, %mul3A_199 : vector<16xf32>
        %add3A_201 = arith.addf %broadcast_in_dim3A_125, %add3A_200 : vector<16xf32>
        %broadcast_in_dim3A_202 = arith.constant 2 : i32
        %broadcast_in_dim3A_203 = vector.broadcast %broadcast_in_dim3A_202 : i32 to vector<16xi32>
        %gather3A_204 = tpu.vector_load_idx %arg5[%broadcast_in_dim3A_203, %add3A_153] : memref<16x6400xf32, #tpu.memory_space<vmem>>[vector<16xi32>, vector<16xi32>], vector<16xf32>,
        %gather3A_205 = tpu.vector_load_idx %arg5[%broadcast_in_dim3A_203, %add3A_157] : memref<16x6400xf32, #tpu.memory_space<vmem>>[vector<16xi32>, vector<16xi32>], vector<16xf32>,
        %gather3A_206 = tpu.vector_load_idx %arg5[%broadcast_in_dim3A_203, %add3A_161] : memref<16x6400xf32, #tpu.memory_space<vmem>>[vector<16xi32>, vector<16xi32>], vector<16xf32>,
        %gather3A_207 = tpu.vector_load_idx %arg5[%broadcast_in_dim3A_203, %add3A_165] : memref<16x6400xf32, #tpu.memory_space<vmem>>[vector<16xi32>, vector<16xi32>], vector<16xf32>,
        %mul3A_208 = arith.mulf %gather3A_204, %sub3A_146 : vector<16xf32>
        %mul3A_209 = arith.mulf %mul3A_208, %sub3A_149 : vector<16xf32>
        %mul3A_210 = arith.mulf %gather3A_205, %sub3A_146 : vector<16xf32>
        %mul3A_211 = arith.mulf %mul3A_210, %gather3A_143 : vector<16xf32>
        %add3A_212 = arith.addf %mul3A_209, %mul3A_211 : vector<16xf32>
        %mul3A_213 = arith.mulf %gather3A_206, %gather3A_140 : vector<16xf32>
        %mul3A_214 = arith.mulf %mul3A_213, %sub3A_149 : vector<16xf32>
        %add3A_215 = arith.addf %add3A_212, %mul3A_214 : vector<16xf32>
        %mul3A_216 = arith.mulf %gather3A_207, %gather3A_140 : vector<16xf32>
        %mul3A_217 = arith.mulf %mul3A_216, %gather3A_143 : vector<16xf32>
        %add3A_218 = arith.addf %add3A_215, %mul3A_217 : vector<16xf32>
        %add3A_219 = arith.addf %broadcast_in_dim3A_125, %add3A_218 : vector<16xf32>
        %broadcast_in_dim3A_220 = arith.constant 3 : i32
        %broadcast_in_dim3A_221 = vector.broadcast %broadcast_in_dim3A_220 : i32 to vector<16xi32>
        %gather3A_222 = tpu.vector_load_idx %arg5[%broadcast_in_dim3A_221, %add3A_153] : memref<16x6400xf32, #tpu.memory_space<vmem>>[vector<16xi32>, vector<16xi32>], vector<16xf32>,
        %gather3A_223 = tpu.vector_load_idx %arg5[%broadcast_in_dim3A_221, %add3A_157] : memref<16x6400xf32, #tpu.memory_space<vmem>>[vector<16xi32>, vector<16xi32>], vector<16xf32>,
        %gather3A_224 = tpu.vector_load_idx %arg5[%broadcast_in_dim3A_221, %add3A_161] : memref<16x6400xf32, #tpu.memory_space<vmem>>[vector<16xi32>, vector<16xi32>], vector<16xf32>,
        %gather3A_225 = tpu.vector_load_idx %arg5[%broadcast_in_dim3A_221, %add3A_165] : memref<16x6400xf32, #tpu.memory_space<vmem>>[vector<16xi32>, vector<16xi32>], vector<16xf32>,
        %mul3A_226 = arith.mulf %gather3A_222, %sub3A_146 : vector<16xf32>
        %mul3A_227 = arith.mulf %mul3A_226, %sub3A_149 : vector<16xf32>
        %mul3A_228 = arith.mulf %gather3A_223, %sub3A_146 : vector<16xf32>
        %mul3A_229 = arith.mulf %mul3A_228, %gather3A_143 : vector<16xf32>
        %add3A_230 = arith.addf %mul3A_227, %mul3A_229 : vector<16xf32>
        %mul3A_231 = arith.mulf %gather3A_224, %gather3A_140 : vector<16xf32>
        %mul3A_232 = arith.mulf %mul3A_231, %sub3A_149 : vector<16xf32>
        %add3A_233 = arith.addf %add3A_230, %mul3A_232 : vector<16xf32>
        %mul3A_234 = arith.mulf %gather3A_225, %gather3A_140 : vector<16xf32>
        %mul3A_235 = arith.mulf %mul3A_234, %gather3A_143 : vector<16xf32>
        %add3A_236 = arith.addf %add3A_233, %mul3A_235 : vector<16xf32>
        %add3A_237 = arith.addf %broadcast_in_dim3A_125, %add3A_236 : vector<16xf32>
        %broadcast_in_dim3A_238 = arith.constant 4 : i32
        %broadcast_in_dim3A_239 = vector.broadcast %broadcast_in_dim3A_238 : i32 to vector<16xi32>
        %gather3A_240 = tpu.vector_load_idx %arg5[%broadcast_in_dim3A_239, %add3A_153] : memref<16x6400xf32, #tpu.memory_space<vmem>>[vector<16xi32>, vector<16xi32>], vector<16xf32>,
        %gather3A_241 = tpu.vector_load_idx %arg5[%broadcast_in_dim3A_239, %add3A_157] : memref<16x6400xf32, #tpu.memory_space<vmem>>[vector<16xi32>, vector<16xi32>], vector<16xf32>,
        %gather3A_242 = tpu.vector_load_idx %arg5[%broadcast_in_dim3A_239, %add3A_161] : memref<16x6400xf32, #tpu.memory_space<vmem>>[vector<16xi32>, vector<16xi32>], vector<16xf32>,
        %gather3A_243 = tpu.vector_load_idx %arg5[%broadcast_in_dim3A_239, %add3A_165] : memref<16x6400xf32, #tpu.memory_space<vmem>>[vector<16xi32>, vector<16xi32>], vector<16xf32>,
        %mul3A_244 = arith.mulf %gather3A_240, %sub3A_146 : vector<16xf32>
        %mul3A_245 = arith.mulf %mul3A_244, %sub3A_149 : vector<16xf32>
        %mul3A_246 = arith.mulf %gather3A_241, %sub3A_146 : vector<16xf32>
        %mul3A_247 = arith.mulf %mul3A_246, %gather3A_143 : vector<16xf32>
        %add3A_248 = arith.addf %mul3A_245, %mul3A_247 : vector<16xf32>
        %mul3A_249 = arith.mulf %gather3A_242, %gather3A_140 : vector<16xf32>
        %mul3A_250 = arith.mulf %mul3A_249, %sub3A_149 : vector<16xf32>
        %add3A_251 = arith.addf %add3A_248, %mul3A_250 : vector<16xf32>
        %mul3A_252 = arith.mulf %gather3A_243, %gather3A_140 : vector<16xf32>
        %mul3A_253 = arith.mulf %mul3A_252, %gather3A_143 : vector<16xf32>
        %add3A_254 = arith.addf %add3A_251, %mul3A_253 : vector<16xf32>
        %add3A_255 = arith.addf %broadcast_in_dim3A_125, %add3A_254 : vector<16xf32>
        %broadcast_in_dim3A_256 = arith.constant 5 : i32
        %broadcast_in_dim3A_257 = vector.broadcast %broadcast_in_dim3A_256 : i32 to vector<16xi32>
        %gather3A_258 = tpu.vector_load_idx %arg5[%broadcast_in_dim3A_257, %add3A_153] : memref<16x6400xf32, #tpu.memory_space<vmem>>[vector<16xi32>, vector<16xi32>], vector<16xf32>,
        %gather3A_259 = tpu.vector_load_idx %arg5[%broadcast_in_dim3A_257, %add3A_157] : memref<16x6400xf32, #tpu.memory_space<vmem>>[vector<16xi32>, vector<16xi32>], vector<16xf32>,
        %gather3A_260 = tpu.vector_load_idx %arg5[%broadcast_in_dim3A_257, %add3A_161] : memref<16x6400xf32, #tpu.memory_space<vmem>>[vector<16xi32>, vector<16xi32>], vector<16xf32>,
        %gather3A_261 = tpu.vector_load_idx %arg5[%broadcast_in_dim3A_257, %add3A_165] : memref<16x6400xf32, #tpu.memory_space<vmem>>[vector<16xi32>, vector<16xi32>], vector<16xf32>,
        %mul3A_262 = arith.mulf %gather3A_258, %sub3A_146 : vector<16xf32>
        %mul3A_263 = arith.mulf %mul3A_262, %sub3A_149 : vector<16xf32>
        %mul3A_264 = arith.mulf %gather3A_259, %sub3A_146 : vector<16xf32>
        %mul3A_265 = arith.mulf %mul3A_264, %gather3A_143 : vector<16xf32>
        %add3A_266 = arith.addf %mul3A_263, %mul3A_265 : vector<16xf32>
        %mul3A_267 = arith.mulf %gather3A_260, %gather3A_140 : vector<16xf32>
        %mul3A_268 = arith.mulf %mul3A_267, %sub3A_149 : vector<16xf32>
        %add3A_269 = arith.addf %add3A_266, %mul3A_268 : vector<16xf32>
        %mul3A_270 = arith.mulf %gather3A_261, %gather3A_140 : vector<16xf32>
        %mul3A_271 = arith.mulf %mul3A_270, %gather3A_143 : vector<16xf32>
        %add3A_272 = arith.addf %add3A_269, %mul3A_271 : vector<16xf32>
        %add3A_273 = arith.addf %broadcast_in_dim3A_125, %add3A_272 : vector<16xf32>
        %broadcast_in_dim3A_274 = arith.constant 6 : i32
        %broadcast_in_dim3A_275 = vector.broadcast %broadcast_in_dim3A_274 : i32 to vector<16xi32>
        %gather3A_276 = tpu.vector_load_idx %arg5[%broadcast_in_dim3A_275, %add3A_153] : memref<16x6400xf32, #tpu.memory_space<vmem>>[vector<16xi32>, vector<16xi32>], vector<16xf32>,
        %gather3A_277 = tpu.vector_load_idx %arg5[%broadcast_in_dim3A_275, %add3A_157] : memref<16x6400xf32, #tpu.memory_space<vmem>>[vector<16xi32>, vector<16xi32>], vector<16xf32>,
        %gather3A_278 = tpu.vector_load_idx %arg5[%broadcast_in_dim3A_275, %add3A_161] : memref<16x6400xf32, #tpu.memory_space<vmem>>[vector<16xi32>, vector<16xi32>], vector<16xf32>,
        %gather3A_279 = tpu.vector_load_idx %arg5[%broadcast_in_dim3A_275, %add3A_165] : memref<16x6400xf32, #tpu.memory_space<vmem>>[vector<16xi32>, vector<16xi32>], vector<16xf32>,
        %mul3A_280 = arith.mulf %gather3A_276, %sub3A_146 : vector<16xf32>
        %mul3A_281 = arith.mulf %mul3A_280, %sub3A_149 : vector<16xf32>
        %mul3A_282 = arith.mulf %gather3A_277, %sub3A_146 : vector<16xf32>
        %mul3A_283 = arith.mulf %mul3A_282, %gather3A_143 : vector<16xf32>
        %add3A_284 = arith.addf %mul3A_281, %mul3A_283 : vector<16xf32>
        %mul3A_285 = arith.mulf %gather3A_278, %gather3A_140 : vector<16xf32>
        %mul3A_286 = arith.mulf %mul3A_285, %sub3A_149 : vector<16xf32>
        %add3A_287 = arith.addf %add3A_284, %mul3A_286 : vector<16xf32>
        %mul3A_288 = arith.mulf %gather3A_279, %gather3A_140 : vector<16xf32>
        %mul3A_289 = arith.mulf %mul3A_288, %gather3A_143 : vector<16xf32>
        %add3A_290 = arith.addf %add3A_287, %mul3A_289 : vector<16xf32>
        %add3A_291 = arith.addf %broadcast_in_dim3A_125, %add3A_290 : vector<16xf32>
        %broadcast_in_dim3A_292 = arith.constant 7 : i32
        %broadcast_in_dim3A_293 = vector.broadcast %broadcast_in_dim3A_292 : i32 to vector<16xi32>
        %gather3A_294 = tpu.vector_load_idx %arg5[%broadcast_in_dim3A_293, %add3A_153] : memref<16x6400xf32, #tpu.memory_space<vmem>>[vector<16xi32>, vector<16xi32>], vector<16xf32>,
        %gather3A_295 = tpu.vector_load_idx %arg5[%broadcast_in_dim3A_293, %add3A_157] : memref<16x6400xf32, #tpu.memory_space<vmem>>[vector<16xi32>, vector<16xi32>], vector<16xf32>,
        %gather3A_296 = tpu.vector_load_idx %arg5[%broadcast_in_dim3A_293, %add3A_161] : memref<16x6400xf32, #tpu.memory_space<vmem>>[vector<16xi32>, vector<16xi32>], vector<16xf32>,
        %gather3A_297 = tpu.vector_load_idx %arg5[%broadcast_in_dim3A_293, %add3A_165] : memref<16x6400xf32, #tpu.memory_space<vmem>>[vector<16xi32>, vector<16xi32>], vector<16xf32>,
        %mul3A_298 = arith.mulf %gather3A_294, %sub3A_146 : vector<16xf32>
        %mul3A_299 = arith.mulf %mul3A_298, %sub3A_149 : vector<16xf32>
        %mul3A_300 = arith.mulf %gather3A_295, %sub3A_146 : vector<16xf32>
        %mul3A_301 = arith.mulf %mul3A_300, %gather3A_143 : vector<16xf32>
        %add3A_302 = arith.addf %mul3A_299, %mul3A_301 : vector<16xf32>
        %mul3A_303 = arith.mulf %gather3A_296, %gather3A_140 : vector<16xf32>
        %mul3A_304 = arith.mulf %mul3A_303, %sub3A_149 : vector<16xf32>
        %add3A_305 = arith.addf %add3A_302, %mul3A_304 : vector<16xf32>
        %mul3A_306 = arith.mulf %gather3A_297, %gather3A_140 : vector<16xf32>
        %mul3A_307 = arith.mulf %mul3A_306, %gather3A_143 : vector<16xf32>
        %add3A_308 = arith.addf %add3A_305, %mul3A_307 : vector<16xf32>
        %add3A_309 = arith.addf %broadcast_in_dim3A_125, %add3A_308 : vector<16xf32>
        %broadcast_in_dim3A_310 = arith.constant 8 : i32
        %broadcast_in_dim3A_311 = vector.broadcast %broadcast_in_dim3A_310 : i32 to vector<16xi32>
        %gather3A_312 = tpu.vector_load_idx %arg5[%broadcast_in_dim3A_311, %add3A_153] : memref<16x6400xf32, #tpu.memory_space<vmem>>[vector<16xi32>, vector<16xi32>], vector<16xf32>,
        %gather3A_313 = tpu.vector_load_idx %arg5[%broadcast_in_dim3A_311, %add3A_157] : memref<16x6400xf32, #tpu.memory_space<vmem>>[vector<16xi32>, vector<16xi32>], vector<16xf32>,
        %gather3A_314 = tpu.vector_load_idx %arg5[%broadcast_in_dim3A_311, %add3A_161] : memref<16x6400xf32, #tpu.memory_space<vmem>>[vector<16xi32>, vector<16xi32>], vector<16xf32>,
        %gather3A_315 = tpu.vector_load_idx %arg5[%broadcast_in_dim3A_311, %add3A_165] : memref<16x6400xf32, #tpu.memory_space<vmem>>[vector<16xi32>, vector<16xi32>], vector<16xf32>,
        %mul3A_316 = arith.mulf %gather3A_312, %sub3A_146 : vector<16xf32>
        %mul3A_317 = arith.mulf %mul3A_316, %sub3A_149 : vector<16xf32>
        %mul3A_318 = arith.mulf %gather3A_313, %sub3A_146 : vector<16xf32>
        %mul3A_319 = arith.mulf %mul3A_318, %gather3A_143 : vector<16xf32>
        %add3A_320 = arith.addf %mul3A_317, %mul3A_319 : vector<16xf32>
        %mul3A_321 = arith.mulf %gather3A_314, %gather3A_140 : vector<16xf32>
        %mul3A_322 = arith.mulf %mul3A_321, %sub3A_149 : vector<16xf32>
        %add3A_323 = arith.addf %add3A_320, %mul3A_322 : vector<16xf32>
        %mul3A_324 = arith.mulf %gather3A_315, %gather3A_140 : vector<16xf32>
        %mul3A_325 = arith.mulf %mul3A_324, %gather3A_143 : vector<16xf32>
        %add3A_326 = arith.addf %add3A_323, %mul3A_325 : vector<16xf32>
        %add3A_327 = arith.addf %broadcast_in_dim3A_125, %add3A_326 : vector<16xf32>
        %broadcast_in_dim3A_328 = arith.constant 9 : i32
        %broadcast_in_dim3A_329 = vector.broadcast %broadcast_in_dim3A_328 : i32 to vector<16xi32>
        %gather3A_330 = tpu.vector_load_idx %arg5[%broadcast_in_dim3A_329, %add3A_153] : memref<16x6400xf32, #tpu.memory_space<vmem>>[vector<16xi32>, vector<16xi32>], vector<16xf32>,
        %gather3A_331 = tpu.vector_load_idx %arg5[%broadcast_in_dim3A_329, %add3A_157] : memref<16x6400xf32, #tpu.memory_space<vmem>>[vector<16xi32>, vector<16xi32>], vector<16xf32>,
        %gather3A_332 = tpu.vector_load_idx %arg5[%broadcast_in_dim3A_329, %add3A_161] : memref<16x6400xf32, #tpu.memory_space<vmem>>[vector<16xi32>, vector<16xi32>], vector<16xf32>,
        %gather3A_333 = tpu.vector_load_idx %arg5[%broadcast_in_dim3A_329, %add3A_165] : memref<16x6400xf32, #tpu.memory_space<vmem>>[vector<16xi32>, vector<16xi32>], vector<16xf32>,
        %mul3A_334 = arith.mulf %gather3A_330, %sub3A_146 : vector<16xf32>
        %mul3A_335 = arith.mulf %mul3A_334, %sub3A_149 : vector<16xf32>
        %mul3A_336 = arith.mulf %gather3A_331, %sub3A_146 : vector<16xf32>
        %mul3A_337 = arith.mulf %mul3A_336, %gather3A_143 : vector<16xf32>
        %add3A_338 = arith.addf %mul3A_335, %mul3A_337 : vector<16xf32>
        %mul3A_339 = arith.mulf %gather3A_332, %gather3A_140 : vector<16xf32>
        %mul3A_340 = arith.mulf %mul3A_339, %sub3A_149 : vector<16xf32>
        %add3A_341 = arith.addf %add3A_338, %mul3A_340 : vector<16xf32>
        %mul3A_342 = arith.mulf %gather3A_333, %gather3A_140 : vector<16xf32>
        %mul3A_343 = arith.mulf %mul3A_342, %gather3A_143 : vector<16xf32>
        %add3A_344 = arith.addf %add3A_341, %mul3A_343 : vector<16xf32>
        %add3A_345 = arith.addf %broadcast_in_dim3A_125, %add3A_344 : vector<16xf32>
        %broadcast_in_dim3A_346 = arith.constant 10 : i32
        %broadcast_in_dim3A_347 = vector.broadcast %broadcast_in_dim3A_346 : i32 to vector<16xi32>
        %gather3A_348 = tpu.vector_load_idx %arg5[%broadcast_in_dim3A_347, %add3A_153] : memref<16x6400xf32, #tpu.memory_space<vmem>>[vector<16xi32>, vector<16xi32>], vector<16xf32>,
        %gather3A_349 = tpu.vector_load_idx %arg5[%broadcast_in_dim3A_347, %add3A_157] : memref<16x6400xf32, #tpu.memory_space<vmem>>[vector<16xi32>, vector<16xi32>], vector<16xf32>,
        %gather3A_350 = tpu.vector_load_idx %arg5[%broadcast_in_dim3A_347, %add3A_161] : memref<16x6400xf32, #tpu.memory_space<vmem>>[vector<16xi32>, vector<16xi32>], vector<16xf32>,
        %gather3A_351 = tpu.vector_load_idx %arg5[%broadcast_in_dim3A_347, %add3A_165] : memref<16x6400xf32, #tpu.memory_space<vmem>>[vector<16xi32>, vector<16xi32>], vector<16xf32>,
        %mul3A_352 = arith.mulf %gather3A_348, %sub3A_146 : vector<16xf32>
        %mul3A_353 = arith.mulf %mul3A_352, %sub3A_149 : vector<16xf32>
        %mul3A_354 = arith.mulf %gather3A_349, %sub3A_146 : vector<16xf32>
        %mul3A_355 = arith.mulf %mul3A_354, %gather3A_143 : vector<16xf32>
        %add3A_356 = arith.addf %mul3A_353, %mul3A_355 : vector<16xf32>
        %mul3A_357 = arith.mulf %gather3A_350, %gather3A_140 : vector<16xf32>
        %mul3A_358 = arith.mulf %mul3A_357, %sub3A_149 : vector<16xf32>
        %add3A_359 = arith.addf %add3A_356, %mul3A_358 : vector<16xf32>
        %mul3A_360 = arith.mulf %gather3A_351, %gather3A_140 : vector<16xf32>
        %mul3A_361 = arith.mulf %mul3A_360, %gather3A_143 : vector<16xf32>
        %add3A_362 = arith.addf %add3A_359, %mul3A_361 : vector<16xf32>
        %add3A_363 = arith.addf %broadcast_in_dim3A_125, %add3A_362 : vector<16xf32>
        %broadcast_in_dim3A_364 = arith.constant 11 : i32
        %broadcast_in_dim3A_365 = vector.broadcast %broadcast_in_dim3A_364 : i32 to vector<16xi32>
        %gather3A_366 = tpu.vector_load_idx %arg5[%broadcast_in_dim3A_365, %add3A_153] : memref<16x6400xf32, #tpu.memory_space<vmem>>[vector<16xi32>, vector<16xi32>], vector<16xf32>,
        %gather3A_367 = tpu.vector_load_idx %arg5[%broadcast_in_dim3A_365, %add3A_157] : memref<16x6400xf32, #tpu.memory_space<vmem>>[vector<16xi32>, vector<16xi32>], vector<16xf32>,
        %gather3A_368 = tpu.vector_load_idx %arg5[%broadcast_in_dim3A_365, %add3A_161] : memref<16x6400xf32, #tpu.memory_space<vmem>>[vector<16xi32>, vector<16xi32>], vector<16xf32>,
        %gather3A_369 = tpu.vector_load_idx %arg5[%broadcast_in_dim3A_365, %add3A_165] : memref<16x6400xf32, #tpu.memory_space<vmem>>[vector<16xi32>, vector<16xi32>], vector<16xf32>,
        %mul3A_370 = arith.mulf %gather3A_366, %sub3A_146 : vector<16xf32>
        %mul3A_371 = arith.mulf %mul3A_370, %sub3A_149 : vector<16xf32>
        %mul3A_372 = arith.mulf %gather3A_367, %sub3A_146 : vector<16xf32>
        %mul3A_373 = arith.mulf %mul3A_372, %gather3A_143 : vector<16xf32>
        %add3A_374 = arith.addf %mul3A_371, %mul3A_373 : vector<16xf32>
        %mul3A_375 = arith.mulf %gather3A_368, %gather3A_140 : vector<16xf32>
        %mul3A_376 = arith.mulf %mul3A_375, %sub3A_149 : vector<16xf32>
        %add3A_377 = arith.addf %add3A_374, %mul3A_376 : vector<16xf32>
        %mul3A_378 = arith.mulf %gather3A_369, %gather3A_140 : vector<16xf32>
        %mul3A_379 = arith.mulf %mul3A_378, %gather3A_143 : vector<16xf32>
        %add3A_380 = arith.addf %add3A_377, %mul3A_379 : vector<16xf32>
        %add3A_381 = arith.addf %broadcast_in_dim3A_125, %add3A_380 : vector<16xf32>
        %broadcast_in_dim3A_382 = arith.constant 12 : i32
        %broadcast_in_dim3A_383 = vector.broadcast %broadcast_in_dim3A_382 : i32 to vector<16xi32>
        %gather3A_384 = tpu.vector_load_idx %arg5[%broadcast_in_dim3A_383, %add3A_153] : memref<16x6400xf32, #tpu.memory_space<vmem>>[vector<16xi32>, vector<16xi32>], vector<16xf32>,
        %gather3A_385 = tpu.vector_load_idx %arg5[%broadcast_in_dim3A_383, %add3A_157] : memref<16x6400xf32, #tpu.memory_space<vmem>>[vector<16xi32>, vector<16xi32>], vector<16xf32>,
        %gather3A_386 = tpu.vector_load_idx %arg5[%broadcast_in_dim3A_383, %add3A_161] : memref<16x6400xf32, #tpu.memory_space<vmem>>[vector<16xi32>, vector<16xi32>], vector<16xf32>,
        %gather3A_387 = tpu.vector_load_idx %arg5[%broadcast_in_dim3A_383, %add3A_165] : memref<16x6400xf32, #tpu.memory_space<vmem>>[vector<16xi32>, vector<16xi32>], vector<16xf32>,
        %mul3A_388 = arith.mulf %gather3A_384, %sub3A_146 : vector<16xf32>
        %mul3A_389 = arith.mulf %mul3A_388, %sub3A_149 : vector<16xf32>
        %mul3A_390 = arith.mulf %gather3A_385, %sub3A_146 : vector<16xf32>
        %mul3A_391 = arith.mulf %mul3A_390, %gather3A_143 : vector<16xf32>
        %add3A_392 = arith.addf %mul3A_389, %mul3A_391 : vector<16xf32>
        %mul3A_393 = arith.mulf %gather3A_386, %gather3A_140 : vector<16xf32>
        %mul3A_394 = arith.mulf %mul3A_393, %sub3A_149 : vector<16xf32>
        %add3A_395 = arith.addf %add3A_392, %mul3A_394 : vector<16xf32>
        %mul3A_396 = arith.mulf %gather3A_387, %gather3A_140 : vector<16xf32>
        %mul3A_397 = arith.mulf %mul3A_396, %gather3A_143 : vector<16xf32>
        %add3A_398 = arith.addf %add3A_395, %mul3A_397 : vector<16xf32>
        %add3A_399 = arith.addf %broadcast_in_dim3A_125, %add3A_398 : vector<16xf32>
        %broadcast_in_dim3A_400 = arith.constant 13 : i32
        %broadcast_in_dim3A_401 = vector.broadcast %broadcast_in_dim3A_400 : i32 to vector<16xi32>
        %gather3A_402 = tpu.vector_load_idx %arg5[%broadcast_in_dim3A_401, %add3A_153] : memref<16x6400xf32, #tpu.memory_space<vmem>>[vector<16xi32>, vector<16xi32>], vector<16xf32>,
        %gather3A_403 = tpu.vector_load_idx %arg5[%broadcast_in_dim3A_401, %add3A_157] : memref<16x6400xf32, #tpu.memory_space<vmem>>[vector<16xi32>, vector<16xi32>], vector<16xf32>,
        %gather3A_404 = tpu.vector_load_idx %arg5[%broadcast_in_dim3A_401, %add3A_161] : memref<16x6400xf32, #tpu.memory_space<vmem>>[vector<16xi32>, vector<16xi32>], vector<16xf32>,
        %gather3A_405 = tpu.vector_load_idx %arg5[%broadcast_in_dim3A_401, %add3A_165] : memref<16x6400xf32, #tpu.memory_space<vmem>>[vector<16xi32>, vector<16xi32>], vector<16xf32>,
        %mul3A_406 = arith.mulf %gather3A_402, %sub3A_146 : vector<16xf32>
        %mul3A_407 = arith.mulf %mul3A_406, %sub3A_149 : vector<16xf32>
        %mul3A_408 = arith.mulf %gather3A_403, %sub3A_146 : vector<16xf32>
        %mul3A_409 = arith.mulf %mul3A_408, %gather3A_143 : vector<16xf32>
        %add3A_410 = arith.addf %mul3A_407, %mul3A_409 : vector<16xf32>
        %mul3A_411 = arith.mulf %gather3A_404, %gather3A_140 : vector<16xf32>
        %mul3A_412 = arith.mulf %mul3A_411, %sub3A_149 : vector<16xf32>
        %add3A_413 = arith.addf %add3A_410, %mul3A_412 : vector<16xf32>
        %mul3A_414 = arith.mulf %gather3A_405, %gather3A_140 : vector<16xf32>
        %mul3A_415 = arith.mulf %mul3A_414, %gather3A_143 : vector<16xf32>
        %add3A_416 = arith.addf %add3A_413, %mul3A_415 : vector<16xf32>
        %add3A_417 = arith.addf %broadcast_in_dim3A_125, %add3A_416 : vector<16xf32>
        %broadcast_in_dim3A_418 = arith.constant 14 : i32
        %broadcast_in_dim3A_419 = vector.broadcast %broadcast_in_dim3A_418 : i32 to vector<16xi32>
        %gather3A_420 = tpu.vector_load_idx %arg5[%broadcast_in_dim3A_419, %add3A_153] : memref<16x6400xf32, #tpu.memory_space<vmem>>[vector<16xi32>, vector<16xi32>], vector<16xf32>,
        %gather3A_421 = tpu.vector_load_idx %arg5[%broadcast_in_dim3A_419, %add3A_157] : memref<16x6400xf32, #tpu.memory_space<vmem>>[vector<16xi32>, vector<16xi32>], vector<16xf32>,
        %gather3A_422 = tpu.vector_load_idx %arg5[%broadcast_in_dim3A_419, %add3A_161] : memref<16x6400xf32, #tpu.memory_space<vmem>>[vector<16xi32>, vector<16xi32>], vector<16xf32>,
        %gather3A_423 = tpu.vector_load_idx %arg5[%broadcast_in_dim3A_419, %add3A_165] : memref<16x6400xf32, #tpu.memory_space<vmem>>[vector<16xi32>, vector<16xi32>], vector<16xf32>,
        %mul3A_424 = arith.mulf %gather3A_420, %sub3A_146 : vector<16xf32>
        %mul3A_425 = arith.mulf %mul3A_424, %sub3A_149 : vector<16xf32>
        %mul3A_426 = arith.mulf %gather3A_421, %sub3A_146 : vector<16xf32>
        %mul3A_427 = arith.mulf %mul3A_426, %gather3A_143 : vector<16xf32>
        %add3A_428 = arith.addf %mul3A_425, %mul3A_427 : vector<16xf32>
        %mul3A_429 = arith.mulf %gather3A_422, %gather3A_140 : vector<16xf32>
        %mul3A_430 = arith.mulf %mul3A_429, %sub3A_149 : vector<16xf32>
        %add3A_431 = arith.addf %add3A_428, %mul3A_430 : vector<16xf32>
        %mul3A_432 = arith.mulf %gather3A_423, %gather3A_140 : vector<16xf32>
        %mul3A_433 = arith.mulf %mul3A_432, %gather3A_143 : vector<16xf32>
        %add3A_434 = arith.addf %add3A_431, %mul3A_433 : vector<16xf32>
        %add3A_435 = arith.addf %broadcast_in_dim3A_125, %add3A_434 : vector<16xf32>
        %broadcast_in_dim3A_436 = arith.constant 15 : i32
        %broadcast_in_dim3A_437 = vector.broadcast %broadcast_in_dim3A_436 : i32 to vector<16xi32>
        %gather3A_438 = tpu.vector_load_idx %arg5[%broadcast_in_dim3A_437, %add3A_153] : memref<16x6400xf32, #tpu.memory_space<vmem>>[vector<16xi32>, vector<16xi32>], vector<16xf32>,
        %gather3A_439 = tpu.vector_load_idx %arg5[%broadcast_in_dim3A_437, %add3A_157] : memref<16x6400xf32, #tpu.memory_space<vmem>>[vector<16xi32>, vector<16xi32>], vector<16xf32>,
        %gather3A_440 = tpu.vector_load_idx %arg5[%broadcast_in_dim3A_437, %add3A_161] : memref<16x6400xf32, #tpu.memory_space<vmem>>[vector<16xi32>, vector<16xi32>], vector<16xf32>,
        %gather3A_441 = tpu.vector_load_idx %arg5[%broadcast_in_dim3A_437, %add3A_165] : memref<16x6400xf32, #tpu.memory_space<vmem>>[vector<16xi32>, vector<16xi32>], vector<16xf32>,
        %mul3A_442 = arith.mulf %gather3A_438, %sub3A_146 : vector<16xf32>
        %mul3A_443 = arith.mulf %mul3A_442, %sub3A_149 : vector<16xf32>
        %mul3A_444 = arith.mulf %gather3A_439, %sub3A_146 : vector<16xf32>
        %mul3A_445 = arith.mulf %mul3A_444, %gather3A_143 : vector<16xf32>
        %add3A_446 = arith.addf %mul3A_443, %mul3A_445 : vector<16xf32>
        %mul3A_447 = arith.mulf %gather3A_440, %gather3A_140 : vector<16xf32>
        %mul3A_448 = arith.mulf %mul3A_447, %sub3A_149 : vector<16xf32>
        %add3A_449 = arith.addf %add3A_446, %mul3A_448 : vector<16xf32>
        %mul3A_450 = arith.mulf %gather3A_441, %gather3A_140 : vector<16xf32>
        %mul3A_451 = arith.mulf %mul3A_450, %gather3A_143 : vector<16xf32>
        %add3A_452 = arith.addf %add3A_449, %mul3A_451 : vector<16xf32>
        %add3A_453 = arith.addf %broadcast_in_dim3A_125, %add3A_452 : vector<16xf32>
        %mul3A_454 = arith.constant 2 : i32
        %mul3A_455 = vector.broadcast %mul3A_454 : i32 to vector<16xi32>
        %mul3A_456 = arith.muli %div3A_120, %mul3A_455 : vector<16xi32>
        %add3A_457 = arith.constant 1 : i32
        %add3A_458 = vector.broadcast %add3A_457 : i32 to vector<16xi32>
        %add3A_459 = arith.addi %mul3A_456, %add3A_458 : vector<16xi32>
        %mul3A_460 = arith.constant 2 : i32
        %mul3A_461 = vector.broadcast %mul3A_460 : i32 to vector<16xi32>
        %mul3A_462 = arith.muli %rem3A_123, %mul3A_461 : vector<16xi32>
        %add3A_463 = arith.constant 0 : i32
        %add3A_464 = vector.broadcast %add3A_463 : i32 to vector<16xi32>
        %add3A_465 = arith.addi %mul3A_462, %add3A_464 : vector<16xi32>
        %gather3A_466 = tpu.vector_load_idx %arg7[%add3A_459] : memref<16xi32, #tpu.memory_space<vmem>>[vector<16xi32>], vector<16xi32>,
        %gather3A_467 = tpu.vector_load_idx %arg8[%add3A_459] : memref<16xi32, #tpu.memory_space<vmem>>[vector<16xi32>], vector<16xi32>,
        %gather3A_468 = tpu.vector_load_idx %arg9[%add3A_459] : memref<16xf32, #tpu.memory_space<vmem>>[vector<16xi32>], vector<16xf32>,
        %gather3A_469 = tpu.vector_load_idx %arg10[%add3A_465] : memref<16xi32, #tpu.memory_space<vmem>>[vector<16xi32>], vector<16xi32>,
        %gather3A_470 = tpu.vector_load_idx %arg11[%add3A_465] : memref<16xi32, #tpu.memory_space<vmem>>[vector<16xi32>], vector<16xi32>,
        %gather3A_471 = tpu.vector_load_idx %arg12[%add3A_465] : memref<16xf32, #tpu.memory_space<vmem>>[vector<16xi32>], vector<16xf32>,
        %sub3A_472 = arith.constant 1.000000e+00 : f32
        %sub3A_473 = vector.broadcast %sub3A_472 : f32 to vector<16xf32>
        %sub3A_474 = arith.subf %sub3A_473, %gather3A_468 : vector<16xf32>
        %sub3A_475 = arith.constant 1.000000e+00 : f32
        %sub3A_476 = vector.broadcast %sub3A_475 : f32 to vector<16xf32>
        %sub3A_477 = arith.subf %sub3A_476, %gather3A_471 : vector<16xf32>
        %mul3A_478 = arith.constant 128 : i32
        %mul3A_479 = vector.broadcast %mul3A_478 : i32 to vector<16xi32>
        %mul3A_480 = arith.muli %gather3A_466, %mul3A_479 : vector<16xi32>
        %add3A_481 = arith.addi %mul3A_480, %gather3A_469 : vector<16xi32>
        %mul3A_482 = arith.constant 128 : i32
        %mul3A_483 = vector.broadcast %mul3A_482 : i32 to vector<16xi32>
        %mul3A_484 = arith.muli %gather3A_466, %mul3A_483 : vector<16xi32>
        %add3A_485 = arith.addi %mul3A_484, %gather3A_470 : vector<16xi32>
        %mul3A_486 = arith.constant 128 : i32
        %mul3A_487 = vector.broadcast %mul3A_486 : i32 to vector<16xi32>
        %mul3A_488 = arith.muli %gather3A_467, %mul3A_487 : vector<16xi32>
        %add3A_489 = arith.addi %mul3A_488, %gather3A_469 : vector<16xi32>
        %mul3A_490 = arith.constant 128 : i32
        %mul3A_491 = vector.broadcast %mul3A_490 : i32 to vector<16xi32>
        %mul3A_492 = arith.muli %gather3A_467, %mul3A_491 : vector<16xi32>
        %add3A_493 = arith.addi %mul3A_492, %gather3A_470 : vector<16xi32>
        %broadcast_in_dim3A_494 = arith.constant 0 : i32
        %broadcast_in_dim3A_495 = vector.broadcast %broadcast_in_dim3A_494 : i32 to vector<16xi32>
        %gather3A_496 = tpu.vector_load_idx %arg5[%broadcast_in_dim3A_495, %add3A_481] : memref<16x6400xf32, #tpu.memory_space<vmem>>[vector<16xi32>, vector<16xi32>], vector<16xf32>,
        %gather3A_497 = tpu.vector_load_idx %arg5[%broadcast_in_dim3A_495, %add3A_485] : memref<16x6400xf32, #tpu.memory_space<vmem>>[vector<16xi32>, vector<16xi32>], vector<16xf32>,
        %gather3A_498 = tpu.vector_load_idx %arg5[%broadcast_in_dim3A_495, %add3A_489] : memref<16x6400xf32, #tpu.memory_space<vmem>>[vector<16xi32>, vector<16xi32>], vector<16xf32>,
        %gather3A_499 = tpu.vector_load_idx %arg5[%broadcast_in_dim3A_495, %add3A_493] : memref<16x6400xf32, #tpu.memory_space<vmem>>[vector<16xi32>, vector<16xi32>], vector<16xf32>,
        %mul3A_500 = arith.mulf %gather3A_496, %sub3A_474 : vector<16xf32>
        %mul3A_501 = arith.mulf %mul3A_500, %sub3A_477 : vector<16xf32>
        %mul3A_502 = arith.mulf %gather3A_497, %sub3A_474 : vector<16xf32>
        %mul3A_503 = arith.mulf %mul3A_502, %gather3A_471 : vector<16xf32>
        %add3A_504 = arith.addf %mul3A_501, %mul3A_503 : vector<16xf32>
        %mul3A_505 = arith.mulf %gather3A_498, %gather3A_468 : vector<16xf32>
        %mul3A_506 = arith.mulf %mul3A_505, %sub3A_477 : vector<16xf32>
        %add3A_507 = arith.addf %add3A_504, %mul3A_506 : vector<16xf32>
        %mul3A_508 = arith.mulf %gather3A_499, %gather3A_468 : vector<16xf32>
        %mul3A_509 = arith.mulf %mul3A_508, %gather3A_471 : vector<16xf32>
        %add3A_510 = arith.addf %add3A_507, %mul3A_509 : vector<16xf32>
        %add3A_511 = arith.addf %add3A_183, %add3A_510 : vector<16xf32>
        %broadcast_in_dim3A_512 = arith.constant 1 : i32
        %broadcast_in_dim3A_513 = vector.broadcast %broadcast_in_dim3A_512 : i32 to vector<16xi32>
        %gather3A_514 = tpu.vector_load_idx %arg5[%broadcast_in_dim3A_513, %add3A_481] : memref<16x6400xf32, #tpu.memory_space<vmem>>[vector<16xi32>, vector<16xi32>], vector<16xf32>,
        %gather3A_515 = tpu.vector_load_idx %arg5[%broadcast_in_dim3A_513, %add3A_485] : memref<16x6400xf32, #tpu.memory_space<vmem>>[vector<16xi32>, vector<16xi32>], vector<16xf32>,
        %gather3A_516 = tpu.vector_load_idx %arg5[%broadcast_in_dim3A_513, %add3A_489] : memref<16x6400xf32, #tpu.memory_space<vmem>>[vector<16xi32>, vector<16xi32>], vector<16xf32>,
        %gather3A_517 = tpu.vector_load_idx %arg5[%broadcast_in_dim3A_513, %add3A_493] : memref<16x6400xf32, #tpu.memory_space<vmem>>[vector<16xi32>, vector<16xi32>], vector<16xf32>,
        %mul3A_518 = arith.mulf %gather3A_514, %sub3A_474 : vector<16xf32>
        %mul3A_519 = arith.mulf %mul3A_518, %sub3A_477 : vector<16xf32>
        %mul3A_520 = arith.mulf %gather3A_515, %sub3A_474 : vector<16xf32>
        %mul3A_521 = arith.mulf %mul3A_520, %gather3A_471 : vector<16xf32>
        %add3A_522 = arith.addf %mul3A_519, %mul3A_521 : vector<16xf32>
        %mul3A_523 = arith.mulf %gather3A_516, %gather3A_468 : vector<16xf32>
        %mul3A_524 = arith.mulf %mul3A_523, %sub3A_477 : vector<16xf32>
        %add3A_525 = arith.addf %add3A_522, %mul3A_524 : vector<16xf32>
        %mul3A_526 = arith.mulf %gather3A_517, %gather3A_468 : vector<16xf32>
        %mul3A_527 = arith.mulf %mul3A_526, %gather3A_471 : vector<16xf32>
        %add3A_528 = arith.addf %add3A_525, %mul3A_527 : vector<16xf32>
        %add3A_529 = arith.addf %add3A_201, %add3A_528 : vector<16xf32>
        %broadcast_in_dim3A_530 = arith.constant 2 : i32
        %broadcast_in_dim3A_531 = vector.broadcast %broadcast_in_dim3A_530 : i32 to vector<16xi32>
        %gather3A_532 = tpu.vector_load_idx %arg5[%broadcast_in_dim3A_531, %add3A_481] : memref<16x6400xf32, #tpu.memory_space<vmem>>[vector<16xi32>, vector<16xi32>], vector<16xf32>,
        %gather3A_533 = tpu.vector_load_idx %arg5[%broadcast_in_dim3A_531, %add3A_485] : memref<16x6400xf32, #tpu.memory_space<vmem>>[vector<16xi32>, vector<16xi32>], vector<16xf32>,
        %gather3A_534 = tpu.vector_load_idx %arg5[%broadcast_in_dim3A_531, %add3A_489] : memref<16x6400xf32, #tpu.memory_space<vmem>>[vector<16xi32>, vector<16xi32>], vector<16xf32>,
        %gather3A_535 = tpu.vector_load_idx %arg5[%broadcast_in_dim3A_531, %add3A_493] : memref<16x6400xf32, #tpu.memory_space<vmem>>[vector<16xi32>, vector<16xi32>], vector<16xf32>,
        %mul3A_536 = arith.mulf %gather3A_532, %sub3A_474 : vector<16xf32>
        %mul3A_537 = arith.mulf %mul3A_536, %sub3A_477 : vector<16xf32>
        %mul3A_538 = arith.mulf %gather3A_533, %sub3A_474 : vector<16xf32>
        %mul3A_539 = arith.mulf %mul3A_538, %gather3A_471 : vector<16xf32>
        %add3A_540 = arith.addf %mul3A_537, %mul3A_539 : vector<16xf32>
        %mul3A_541 = arith.mulf %gather3A_534, %gather3A_468 : vector<16xf32>
        %mul3A_542 = arith.mulf %mul3A_541, %sub3A_477 : vector<16xf32>
        %add3A_543 = arith.addf %add3A_540, %mul3A_542 : vector<16xf32>
        %mul3A_544 = arith.mulf %gather3A_535, %gather3A_468 : vector<16xf32>
        %mul3A_545 = arith.mulf %mul3A_544, %gather3A_471 : vector<16xf32>
        %add3A_546 = arith.addf %add3A_543, %mul3A_545 : vector<16xf32>
        %add3A_547 = arith.addf %add3A_219, %add3A_546 : vector<16xf32>
        %broadcast_in_dim3A_548 = arith.constant 3 : i32
        %broadcast_in_dim3A_549 = vector.broadcast %broadcast_in_dim3A_548 : i32 to vector<16xi32>
        %gather3A_550 = tpu.vector_load_idx %arg5[%broadcast_in_dim3A_549, %add3A_481] : memref<16x6400xf32, #tpu.memory_space<vmem>>[vector<16xi32>, vector<16xi32>], vector<16xf32>,
        %gather3A_551 = tpu.vector_load_idx %arg5[%broadcast_in_dim3A_549, %add3A_485] : memref<16x6400xf32, #tpu.memory_space<vmem>>[vector<16xi32>, vector<16xi32>], vector<16xf32>,
        %gather3A_552 = tpu.vector_load_idx %arg5[%broadcast_in_dim3A_549, %add3A_489] : memref<16x6400xf32, #tpu.memory_space<vmem>>[vector<16xi32>, vector<16xi32>], vector<16xf32>,
        %gather3A_553 = tpu.vector_load_idx %arg5[%broadcast_in_dim3A_549, %add3A_493] : memref<16x6400xf32, #tpu.memory_space<vmem>>[vector<16xi32>, vector<16xi32>], vector<16xf32>,
        %mul3A_554 = arith.mulf %gather3A_550, %sub3A_474 : vector<16xf32>
        %mul3A_555 = arith.mulf %mul3A_554, %sub3A_477 : vector<16xf32>
        %mul3A_556 = arith.mulf %gather3A_551, %sub3A_474 : vector<16xf32>
        %mul3A_557 = arith.mulf %mul3A_556, %gather3A_471 : vector<16xf32>
        %add3A_558 = arith.addf %mul3A_555, %mul3A_557 : vector<16xf32>
        %mul3A_559 = arith.mulf %gather3A_552, %gather3A_468 : vector<16xf32>
        %mul3A_560 = arith.mulf %mul3A_559, %sub3A_477 : vector<16xf32>
        %add3A_561 = arith.addf %add3A_558, %mul3A_560 : vector<16xf32>
        %mul3A_562 = arith.mulf %gather3A_553, %gather3A_468 : vector<16xf32>
        %mul3A_563 = arith.mulf %mul3A_562, %gather3A_471 : vector<16xf32>
        %add3A_564 = arith.addf %add3A_561, %mul3A_563 : vector<16xf32>
        %add3A_565 = arith.addf %add3A_237, %add3A_564 : vector<16xf32>
        %broadcast_in_dim3A_566 = arith.constant 4 : i32
        %broadcast_in_dim3A_567 = vector.broadcast %broadcast_in_dim3A_566 : i32 to vector<16xi32>
        %gather3A_568 = tpu.vector_load_idx %arg5[%broadcast_in_dim3A_567, %add3A_481] : memref<16x6400xf32, #tpu.memory_space<vmem>>[vector<16xi32>, vector<16xi32>], vector<16xf32>,
        %gather3A_569 = tpu.vector_load_idx %arg5[%broadcast_in_dim3A_567, %add3A_485] : memref<16x6400xf32, #tpu.memory_space<vmem>>[vector<16xi32>, vector<16xi32>], vector<16xf32>,
        %gather3A_570 = tpu.vector_load_idx %arg5[%broadcast_in_dim3A_567, %add3A_489] : memref<16x6400xf32, #tpu.memory_space<vmem>>[vector<16xi32>, vector<16xi32>], vector<16xf32>,
        %gather3A_571 = tpu.vector_load_idx %arg5[%broadcast_in_dim3A_567, %add3A_493] : memref<16x6400xf32, #tpu.memory_space<vmem>>[vector<16xi32>, vector<16xi32>], vector<16xf32>,
        %mul3A_572 = arith.mulf %gather3A_568, %sub3A_474 : vector<16xf32>
        %mul3A_573 = arith.mulf %mul3A_572, %sub3A_477 : vector<16xf32>
        %mul3A_574 = arith.mulf %gather3A_569, %sub3A_474 : vector<16xf32>
        %mul3A_575 = arith.mulf %mul3A_574, %gather3A_471 : vector<16xf32>
        %add3A_576 = arith.addf %mul3A_573, %mul3A_575 : vector<16xf32>
        %mul3A_577 = arith.mulf %gather3A_570, %gather3A_468 : vector<16xf32>
        %mul3A_578 = arith.mulf %mul3A_577, %sub3A_477 : vector<16xf32>
        %add3A_579 = arith.addf %add3A_576, %mul3A_578 : vector<16xf32>
        %mul3A_580 = arith.mulf %gather3A_571, %gather3A_468 : vector<16xf32>
        %mul3A_581 = arith.mulf %mul3A_580, %gather3A_471 : vector<16xf32>
        %add3A_582 = arith.addf %add3A_579, %mul3A_581 : vector<16xf32>
        %add3A_583 = arith.addf %add3A_255, %add3A_582 : vector<16xf32>
        %broadcast_in_dim3A_584 = arith.constant 5 : i32
        %broadcast_in_dim3A_585 = vector.broadcast %broadcast_in_dim3A_584 : i32 to vector<16xi32>
        %gather3A_586 = tpu.vector_load_idx %arg5[%broadcast_in_dim3A_585, %add3A_481] : memref<16x6400xf32, #tpu.memory_space<vmem>>[vector<16xi32>, vector<16xi32>], vector<16xf32>,
        %gather3A_587 = tpu.vector_load_idx %arg5[%broadcast_in_dim3A_585, %add3A_485] : memref<16x6400xf32, #tpu.memory_space<vmem>>[vector<16xi32>, vector<16xi32>], vector<16xf32>,
        %gather3A_588 = tpu.vector_load_idx %arg5[%broadcast_in_dim3A_585, %add3A_489] : memref<16x6400xf32, #tpu.memory_space<vmem>>[vector<16xi32>, vector<16xi32>], vector<16xf32>,
        %gather3A_589 = tpu.vector_load_idx %arg5[%broadcast_in_dim3A_585, %add3A_493] : memref<16x6400xf32, #tpu.memory_space<vmem>>[vector<16xi32>, vector<16xi32>], vector<16xf32>,
        %mul3A_590 = arith.mulf %gather3A_586, %sub3A_474 : vector<16xf32>
        %mul3A_591 = arith.mulf %mul3A_590, %sub3A_477 : vector<16xf32>
        %mul3A_592 = arith.mulf %gather3A_587, %sub3A_474 : vector<16xf32>
        %mul3A_593 = arith.mulf %mul3A_592, %gather3A_471 : vector<16xf32>
        %add3A_594 = arith.addf %mul3A_591, %mul3A_593 : vector<16xf32>
        %mul3A_595 = arith.mulf %gather3A_588, %gather3A_468 : vector<16xf32>
        %mul3A_596 = arith.mulf %mul3A_595, %sub3A_477 : vector<16xf32>
        %add3A_597 = arith.addf %add3A_594, %mul3A_596 : vector<16xf32>
        %mul3A_598 = arith.mulf %gather3A_589, %gather3A_468 : vector<16xf32>
        %mul3A_599 = arith.mulf %mul3A_598, %gather3A_471 : vector<16xf32>
        %add3A_600 = arith.addf %add3A_597, %mul3A_599 : vector<16xf32>
        %add3A_601 = arith.addf %add3A_273, %add3A_600 : vector<16xf32>
        %broadcast_in_dim3A_602 = arith.constant 6 : i32
        %broadcast_in_dim3A_603 = vector.broadcast %broadcast_in_dim3A_602 : i32 to vector<16xi32>
        %gather3A_604 = tpu.vector_load_idx %arg5[%broadcast_in_dim3A_603, %add3A_481] : memref<16x6400xf32, #tpu.memory_space<vmem>>[vector<16xi32>, vector<16xi32>], vector<16xf32>,
        %gather3A_605 = tpu.vector_load_idx %arg5[%broadcast_in_dim3A_603, %add3A_485] : memref<16x6400xf32, #tpu.memory_space<vmem>>[vector<16xi32>, vector<16xi32>], vector<16xf32>,
        %gather3A_606 = tpu.vector_load_idx %arg5[%broadcast_in_dim3A_603, %add3A_489] : memref<16x6400xf32, #tpu.memory_space<vmem>>[vector<16xi32>, vector<16xi32>], vector<16xf32>,
        %gather3A_607 = tpu.vector_load_idx %arg5[%broadcast_in_dim3A_603, %add3A_493] : memref<16x6400xf32, #tpu.memory_space<vmem>>[vector<16xi32>, vector<16xi32>], vector<16xf32>,
        %mul3A_608 = arith.mulf %gather3A_604, %sub3A_474 : vector<16xf32>
        %mul3A_609 = arith.mulf %mul3A_608, %sub3A_477 : vector<16xf32>
        %mul3A_610 = arith.mulf %gather3A_605, %sub3A_474 : vector<16xf32>
        %mul3A_611 = arith.mulf %mul3A_610, %gather3A_471 : vector<16xf32>
        %add3A_612 = arith.addf %mul3A_609, %mul3A_611 : vector<16xf32>
        %mul3A_613 = arith.mulf %gather3A_606, %gather3A_468 : vector<16xf32>
        %mul3A_614 = arith.mulf %mul3A_613, %sub3A_477 : vector<16xf32>
        %add3A_615 = arith.addf %add3A_612, %mul3A_614 : vector<16xf32>
        %mul3A_616 = arith.mulf %gather3A_607, %gather3A_468 : vector<16xf32>
        %mul3A_617 = arith.mulf %mul3A_616, %gather3A_471 : vector<16xf32>
        %add3A_618 = arith.addf %add3A_615, %mul3A_617 : vector<16xf32>
        %add3A_619 = arith.addf %add3A_291, %add3A_618 : vector<16xf32>
        %broadcast_in_dim3A_620 = arith.constant 7 : i32
        %broadcast_in_dim3A_621 = vector.broadcast %broadcast_in_dim3A_620 : i32 to vector<16xi32>
        %gather3A_622 = tpu.vector_load_idx %arg5[%broadcast_in_dim3A_621, %add3A_481] : memref<16x6400xf32, #tpu.memory_space<vmem>>[vector<16xi32>, vector<16xi32>], vector<16xf32>,
        %gather3A_623 = tpu.vector_load_idx %arg5[%broadcast_in_dim3A_621, %add3A_485] : memref<16x6400xf32, #tpu.memory_space<vmem>>[vector<16xi32>, vector<16xi32>], vector<16xf32>,
        %gather3A_624 = tpu.vector_load_idx %arg5[%broadcast_in_dim3A_621, %add3A_489] : memref<16x6400xf32, #tpu.memory_space<vmem>>[vector<16xi32>, vector<16xi32>], vector<16xf32>,
        %gather3A_625 = tpu.vector_load_idx %arg5[%broadcast_in_dim3A_621, %add3A_493] : memref<16x6400xf32, #tpu.memory_space<vmem>>[vector<16xi32>, vector<16xi32>], vector<16xf32>,
        %mul3A_626 = arith.mulf %gather3A_622, %sub3A_474 : vector<16xf32>
        %mul3A_627 = arith.mulf %mul3A_626, %sub3A_477 : vector<16xf32>
        %mul3A_628 = arith.mulf %gather3A_623, %sub3A_474 : vector<16xf32>
        %mul3A_629 = arith.mulf %mul3A_628, %gather3A_471 : vector<16xf32>
        %add3A_630 = arith.addf %mul3A_627, %mul3A_629 : vector<16xf32>
        %mul3A_631 = arith.mulf %gather3A_624, %gather3A_468 : vector<16xf32>
        %mul3A_632 = arith.mulf %mul3A_631, %sub3A_477 : vector<16xf32>
        %add3A_633 = arith.addf %add3A_630, %mul3A_632 : vector<16xf32>
        %mul3A_634 = arith.mulf %gather3A_625, %gather3A_468 : vector<16xf32>
        %mul3A_635 = arith.mulf %mul3A_634, %gather3A_471 : vector<16xf32>
        %add3A_636 = arith.addf %add3A_633, %mul3A_635 : vector<16xf32>
        %add3A_637 = arith.addf %add3A_309, %add3A_636 : vector<16xf32>
        %broadcast_in_dim3A_638 = arith.constant 8 : i32
        %broadcast_in_dim3A_639 = vector.broadcast %broadcast_in_dim3A_638 : i32 to vector<16xi32>
        %gather3A_640 = tpu.vector_load_idx %arg5[%broadcast_in_dim3A_639, %add3A_481] : memref<16x6400xf32, #tpu.memory_space<vmem>>[vector<16xi32>, vector<16xi32>], vector<16xf32>,
        %gather3A_641 = tpu.vector_load_idx %arg5[%broadcast_in_dim3A_639, %add3A_485] : memref<16x6400xf32, #tpu.memory_space<vmem>>[vector<16xi32>, vector<16xi32>], vector<16xf32>,
        %gather3A_642 = tpu.vector_load_idx %arg5[%broadcast_in_dim3A_639, %add3A_489] : memref<16x6400xf32, #tpu.memory_space<vmem>>[vector<16xi32>, vector<16xi32>], vector<16xf32>,
        %gather3A_643 = tpu.vector_load_idx %arg5[%broadcast_in_dim3A_639, %add3A_493] : memref<16x6400xf32, #tpu.memory_space<vmem>>[vector<16xi32>, vector<16xi32>], vector<16xf32>,
        %mul3A_644 = arith.mulf %gather3A_640, %sub3A_474 : vector<16xf32>
        %mul3A_645 = arith.mulf %mul3A_644, %sub3A_477 : vector<16xf32>
        %mul3A_646 = arith.mulf %gather3A_641, %sub3A_474 : vector<16xf32>
        %mul3A_647 = arith.mulf %mul3A_646, %gather3A_471 : vector<16xf32>
        %add3A_648 = arith.addf %mul3A_645, %mul3A_647 : vector<16xf32>
        %mul3A_649 = arith.mulf %gather3A_642, %gather3A_468 : vector<16xf32>
        %mul3A_650 = arith.mulf %mul3A_649, %sub3A_477 : vector<16xf32>
        %add3A_651 = arith.addf %add3A_648, %mul3A_650 : vector<16xf32>
        %mul3A_652 = arith.mulf %gather3A_643, %gather3A_468 : vector<16xf32>
        %mul3A_653 = arith.mulf %mul3A_652, %gather3A_471 : vector<16xf32>
        %add3A_654 = arith.addf %add3A_651, %mul3A_653 : vector<16xf32>
        %add3A_655 = arith.addf %add3A_327, %add3A_654 : vector<16xf32>
        %broadcast_in_dim3A_656 = arith.constant 9 : i32
        %broadcast_in_dim3A_657 = vector.broadcast %broadcast_in_dim3A_656 : i32 to vector<16xi32>
        %gather3A_658 = tpu.vector_load_idx %arg5[%broadcast_in_dim3A_657, %add3A_481] : memref<16x6400xf32, #tpu.memory_space<vmem>>[vector<16xi32>, vector<16xi32>], vector<16xf32>,
        %gather3A_659 = tpu.vector_load_idx %arg5[%broadcast_in_dim3A_657, %add3A_485] : memref<16x6400xf32, #tpu.memory_space<vmem>>[vector<16xi32>, vector<16xi32>], vector<16xf32>,
        %gather3A_660 = tpu.vector_load_idx %arg5[%broadcast_in_dim3A_657, %add3A_489] : memref<16x6400xf32, #tpu.memory_space<vmem>>[vector<16xi32>, vector<16xi32>], vector<16xf32>,
        %gather3A_661 = tpu.vector_load_idx %arg5[%broadcast_in_dim3A_657, %add3A_493] : memref<16x6400xf32, #tpu.memory_space<vmem>>[vector<16xi32>, vector<16xi32>], vector<16xf32>,
        %mul3A_662 = arith.mulf %gather3A_658, %sub3A_474 : vector<16xf32>
        %mul3A_663 = arith.mulf %mul3A_662, %sub3A_477 : vector<16xf32>
        %mul3A_664 = arith.mulf %gather3A_659, %sub3A_474 : vector<16xf32>
        %mul3A_665 = arith.mulf %mul3A_664, %gather3A_471 : vector<16xf32>
        %add3A_666 = arith.addf %mul3A_663, %mul3A_665 : vector<16xf32>
        %mul3A_667 = arith.mulf %gather3A_660, %gather3A_468 : vector<16xf32>
        %mul3A_668 = arith.mulf %mul3A_667, %sub3A_477 : vector<16xf32>
        %add3A_669 = arith.addf %add3A_666, %mul3A_668 : vector<16xf32>
        %mul3A_670 = arith.mulf %gather3A_661, %gather3A_468 : vector<16xf32>
        %mul3A_671 = arith.mulf %mul3A_670, %gather3A_471 : vector<16xf32>
        %add3A_672 = arith.addf %add3A_669, %mul3A_671 : vector<16xf32>
        %add3A_673 = arith.addf %add3A_345, %add3A_672 : vector<16xf32>
        %broadcast_in_dim3A_674 = arith.constant 10 : i32
        %broadcast_in_dim3A_675 = vector.broadcast %broadcast_in_dim3A_674 : i32 to vector<16xi32>
        %gather3A_676 = tpu.vector_load_idx %arg5[%broadcast_in_dim3A_675, %add3A_481] : memref<16x6400xf32, #tpu.memory_space<vmem>>[vector<16xi32>, vector<16xi32>], vector<16xf32>,
        %gather3A_677 = tpu.vector_load_idx %arg5[%broadcast_in_dim3A_675, %add3A_485] : memref<16x6400xf32, #tpu.memory_space<vmem>>[vector<16xi32>, vector<16xi32>], vector<16xf32>,
        %gather3A_678 = tpu.vector_load_idx %arg5[%broadcast_in_dim3A_675, %add3A_489] : memref<16x6400xf32, #tpu.memory_space<vmem>>[vector<16xi32>, vector<16xi32>], vector<16xf32>,
        %gather3A_679 = tpu.vector_load_idx %arg5[%broadcast_in_dim3A_675, %add3A_493] : memref<16x6400xf32, #tpu.memory_space<vmem>>[vector<16xi32>, vector<16xi32>], vector<16xf32>,
        %mul3A_680 = arith.mulf %gather3A_676, %sub3A_474 : vector<16xf32>
        %mul3A_681 = arith.mulf %mul3A_680, %sub3A_477 : vector<16xf32>
        %mul3A_682 = arith.mulf %gather3A_677, %sub3A_474 : vector<16xf32>
        %mul3A_683 = arith.mulf %mul3A_682, %gather3A_471 : vector<16xf32>
        %add3A_684 = arith.addf %mul3A_681, %mul3A_683 : vector<16xf32>
        %mul3A_685 = arith.mulf %gather3A_678, %gather3A_468 : vector<16xf32>
        %mul3A_686 = arith.mulf %mul3A_685, %sub3A_477 : vector<16xf32>
        %add3A_687 = arith.addf %add3A_684, %mul3A_686 : vector<16xf32>
        %mul3A_688 = arith.mulf %gather3A_679, %gather3A_468 : vector<16xf32>
        %mul3A_689 = arith.mulf %mul3A_688, %gather3A_471 : vector<16xf32>
        %add3A_690 = arith.addf %add3A_687, %mul3A_689 : vector<16xf32>
        %add3A_691 = arith.addf %add3A_363, %add3A_690 : vector<16xf32>
        %broadcast_in_dim3A_692 = arith.constant 11 : i32
        %broadcast_in_dim3A_693 = vector.broadcast %broadcast_in_dim3A_692 : i32 to vector<16xi32>
        %gather3A_694 = tpu.vector_load_idx %arg5[%broadcast_in_dim3A_693, %add3A_481] : memref<16x6400xf32, #tpu.memory_space<vmem>>[vector<16xi32>, vector<16xi32>], vector<16xf32>,
        %gather3A_695 = tpu.vector_load_idx %arg5[%broadcast_in_dim3A_693, %add3A_485] : memref<16x6400xf32, #tpu.memory_space<vmem>>[vector<16xi32>, vector<16xi32>], vector<16xf32>,
        %gather3A_696 = tpu.vector_load_idx %arg5[%broadcast_in_dim3A_693, %add3A_489] : memref<16x6400xf32, #tpu.memory_space<vmem>>[vector<16xi32>, vector<16xi32>], vector<16xf32>,
        %gather3A_697 = tpu.vector_load_idx %arg5[%broadcast_in_dim3A_693, %add3A_493] : memref<16x6400xf32, #tpu.memory_space<vmem>>[vector<16xi32>, vector<16xi32>], vector<16xf32>,
        %mul3A_698 = arith.mulf %gather3A_694, %sub3A_474 : vector<16xf32>
        %mul3A_699 = arith.mulf %mul3A_698, %sub3A_477 : vector<16xf32>
        %mul3A_700 = arith.mulf %gather3A_695, %sub3A_474 : vector<16xf32>
        %mul3A_701 = arith.mulf %mul3A_700, %gather3A_471 : vector<16xf32>
        %add3A_702 = arith.addf %mul3A_699, %mul3A_701 : vector<16xf32>
        %mul3A_703 = arith.mulf %gather3A_696, %gather3A_468 : vector<16xf32>
        %mul3A_704 = arith.mulf %mul3A_703, %sub3A_477 : vector<16xf32>
        %add3A_705 = arith.addf %add3A_702, %mul3A_704 : vector<16xf32>
        %mul3A_706 = arith.mulf %gather3A_697, %gather3A_468 : vector<16xf32>
        %mul3A_707 = arith.mulf %mul3A_706, %gather3A_471 : vector<16xf32>
        %add3A_708 = arith.addf %add3A_705, %mul3A_707 : vector<16xf32>
        %add3A_709 = arith.addf %add3A_381, %add3A_708 : vector<16xf32>
        %broadcast_in_dim3A_710 = arith.constant 12 : i32
        %broadcast_in_dim3A_711 = vector.broadcast %broadcast_in_dim3A_710 : i32 to vector<16xi32>
        %gather3A_712 = tpu.vector_load_idx %arg5[%broadcast_in_dim3A_711, %add3A_481] : memref<16x6400xf32, #tpu.memory_space<vmem>>[vector<16xi32>, vector<16xi32>], vector<16xf32>,
        %gather3A_713 = tpu.vector_load_idx %arg5[%broadcast_in_dim3A_711, %add3A_485] : memref<16x6400xf32, #tpu.memory_space<vmem>>[vector<16xi32>, vector<16xi32>], vector<16xf32>,
        %gather3A_714 = tpu.vector_load_idx %arg5[%broadcast_in_dim3A_711, %add3A_489] : memref<16x6400xf32, #tpu.memory_space<vmem>>[vector<16xi32>, vector<16xi32>], vector<16xf32>,
        %gather3A_715 = tpu.vector_load_idx %arg5[%broadcast_in_dim3A_711, %add3A_493] : memref<16x6400xf32, #tpu.memory_space<vmem>>[vector<16xi32>, vector<16xi32>], vector<16xf32>,
        %mul3A_716 = arith.mulf %gather3A_712, %sub3A_474 : vector<16xf32>
        %mul3A_717 = arith.mulf %mul3A_716, %sub3A_477 : vector<16xf32>
        %mul3A_718 = arith.mulf %gather3A_713, %sub3A_474 : vector<16xf32>
        %mul3A_719 = arith.mulf %mul3A_718, %gather3A_471 : vector<16xf32>
        %add3A_720 = arith.addf %mul3A_717, %mul3A_719 : vector<16xf32>
        %mul3A_721 = arith.mulf %gather3A_714, %gather3A_468 : vector<16xf32>
        %mul3A_722 = arith.mulf %mul3A_721, %sub3A_477 : vector<16xf32>
        %add3A_723 = arith.addf %add3A_720, %mul3A_722 : vector<16xf32>
        %mul3A_724 = arith.mulf %gather3A_715, %gather3A_468 : vector<16xf32>
        %mul3A_725 = arith.mulf %mul3A_724, %gather3A_471 : vector<16xf32>
        %add3A_726 = arith.addf %add3A_723, %mul3A_725 : vector<16xf32>
        %add3A_727 = arith.addf %add3A_399, %add3A_726 : vector<16xf32>
        %broadcast_in_dim3A_728 = arith.constant 13 : i32
        %broadcast_in_dim3A_729 = vector.broadcast %broadcast_in_dim3A_728 : i32 to vector<16xi32>
        %gather3A_730 = tpu.vector_load_idx %arg5[%broadcast_in_dim3A_729, %add3A_481] : memref<16x6400xf32, #tpu.memory_space<vmem>>[vector<16xi32>, vector<16xi32>], vector<16xf32>,
        %gather3A_731 = tpu.vector_load_idx %arg5[%broadcast_in_dim3A_729, %add3A_485] : memref<16x6400xf32, #tpu.memory_space<vmem>>[vector<16xi32>, vector<16xi32>], vector<16xf32>,
        %gather3A_732 = tpu.vector_load_idx %arg5[%broadcast_in_dim3A_729, %add3A_489] : memref<16x6400xf32, #tpu.memory_space<vmem>>[vector<16xi32>, vector<16xi32>], vector<16xf32>,
        %gather3A_733 = tpu.vector_load_idx %arg5[%broadcast_in_dim3A_729, %add3A_493] : memref<16x6400xf32, #tpu.memory_space<vmem>>[vector<16xi32>, vector<16xi32>], vector<16xf32>,
        %mul3A_734 = arith.mulf %gather3A_730, %sub3A_474 : vector<16xf32>
        %mul3A_735 = arith.mulf %mul3A_734, %sub3A_477 : vector<16xf32>
        %mul3A_736 = arith.mulf %gather3A_731, %sub3A_474 : vector<16xf32>
        %mul3A_737 = arith.mulf %mul3A_736, %gather3A_471 : vector<16xf32>
        %add3A_738 = arith.addf %mul3A_735, %mul3A_737 : vector<16xf32>
        %mul3A_739 = arith.mulf %gather3A_732, %gather3A_468 : vector<16xf32>
        %mul3A_740 = arith.mulf %mul3A_739, %sub3A_477 : vector<16xf32>
        %add3A_741 = arith.addf %add3A_738, %mul3A_740 : vector<16xf32>
        %mul3A_742 = arith.mulf %gather3A_733, %gather3A_468 : vector<16xf32>
        %mul3A_743 = arith.mulf %mul3A_742, %gather3A_471 : vector<16xf32>
        %add3A_744 = arith.addf %add3A_741, %mul3A_743 : vector<16xf32>
        %add3A_745 = arith.addf %add3A_417, %add3A_744 : vector<16xf32>
        %broadcast_in_dim3A_746 = arith.constant 14 : i32
        %broadcast_in_dim3A_747 = vector.broadcast %broadcast_in_dim3A_746 : i32 to vector<16xi32>
        %gather3A_748 = tpu.vector_load_idx %arg5[%broadcast_in_dim3A_747, %add3A_481] : memref<16x6400xf32, #tpu.memory_space<vmem>>[vector<16xi32>, vector<16xi32>], vector<16xf32>,
        %gather3A_749 = tpu.vector_load_idx %arg5[%broadcast_in_dim3A_747, %add3A_485] : memref<16x6400xf32, #tpu.memory_space<vmem>>[vector<16xi32>, vector<16xi32>], vector<16xf32>,
        %gather3A_750 = tpu.vector_load_idx %arg5[%broadcast_in_dim3A_747, %add3A_489] : memref<16x6400xf32, #tpu.memory_space<vmem>>[vector<16xi32>, vector<16xi32>], vector<16xf32>,
        %gather3A_751 = tpu.vector_load_idx %arg5[%broadcast_in_dim3A_747, %add3A_493] : memref<16x6400xf32, #tpu.memory_space<vmem>>[vector<16xi32>, vector<16xi32>], vector<16xf32>,
        %mul3A_752 = arith.mulf %gather3A_748, %sub3A_474 : vector<16xf32>
        %mul3A_753 = arith.mulf %mul3A_752, %sub3A_477 : vector<16xf32>
        %mul3A_754 = arith.mulf %gather3A_749, %sub3A_474 : vector<16xf32>
        %mul3A_755 = arith.mulf %mul3A_754, %gather3A_471 : vector<16xf32>
        %add3A_756 = arith.addf %mul3A_753, %mul3A_755 : vector<16xf32>
        %mul3A_757 = arith.mulf %gather3A_750, %gather3A_468 : vector<16xf32>
        %mul3A_758 = arith.mulf %mul3A_757, %sub3A_477 : vector<16xf32>
        %add3A_759 = arith.addf %add3A_756, %mul3A_758 : vector<16xf32>
        %mul3A_760 = arith.mulf %gather3A_751, %gather3A_468 : vector<16xf32>
        %mul3A_761 = arith.mulf %mul3A_760, %gather3A_471 : vector<16xf32>
        %add3A_762 = arith.addf %add3A_759, %mul3A_761 : vector<16xf32>
        %add3A_763 = arith.addf %add3A_435, %add3A_762 : vector<16xf32>
        %broadcast_in_dim3A_764 = arith.constant 15 : i32
        %broadcast_in_dim3A_765 = vector.broadcast %broadcast_in_dim3A_764 : i32 to vector<16xi32>
        %gather3A_766 = tpu.vector_load_idx %arg5[%broadcast_in_dim3A_765, %add3A_481] : memref<16x6400xf32, #tpu.memory_space<vmem>>[vector<16xi32>, vector<16xi32>], vector<16xf32>,
        %gather3A_767 = tpu.vector_load_idx %arg5[%broadcast_in_dim3A_765, %add3A_485] : memref<16x6400xf32, #tpu.memory_space<vmem>>[vector<16xi32>, vector<16xi32>], vector<16xf32>,
        %gather3A_768 = tpu.vector_load_idx %arg5[%broadcast_in_dim3A_765, %add3A_489] : memref<16x6400xf32, #tpu.memory_space<vmem>>[vector<16xi32>, vector<16xi32>], vector<16xf32>,
        %gather3A_769 = tpu.vector_load_idx %arg5[%broadcast_in_dim3A_765, %add3A_493] : memref<16x6400xf32, #tpu.memory_space<vmem>>[vector<16xi32>, vector<16xi32>], vector<16xf32>,
        %mul3A_770 = arith.mulf %gather3A_766, %sub3A_474 : vector<16xf32>
        %mul3A_771 = arith.mulf %mul3A_770, %sub3A_477 : vector<16xf32>
        %mul3A_772 = arith.mulf %gather3A_767, %sub3A_474 : vector<16xf32>
        %mul3A_773 = arith.mulf %mul3A_772, %gather3A_471 : vector<16xf32>
        %add3A_774 = arith.addf %mul3A_771, %mul3A_773 : vector<16xf32>
        %mul3A_775 = arith.mulf %gather3A_768, %gather3A_468 : vector<16xf32>
        %mul3A_776 = arith.mulf %mul3A_775, %sub3A_477 : vector<16xf32>
        %add3A_777 = arith.addf %add3A_774, %mul3A_776 : vector<16xf32>
        %mul3A_778 = arith.mulf %gather3A_769, %gather3A_468 : vector<16xf32>
        %mul3A_779 = arith.mulf %mul3A_778, %gather3A_471 : vector<16xf32>
        %add3A_780 = arith.addf %add3A_777, %mul3A_779 : vector<16xf32>
        %add3A_781 = arith.addf %add3A_453, %add3A_780 : vector<16xf32>
        %mul3A_782 = arith.constant 2 : i32
        %mul3A_783 = vector.broadcast %mul3A_782 : i32 to vector<16xi32>
        %mul3A_784 = arith.muli %div3A_120, %mul3A_783 : vector<16xi32>
        %add3A_785 = arith.constant 0 : i32
        %add3A_786 = vector.broadcast %add3A_785 : i32 to vector<16xi32>
        %add3A_787 = arith.addi %mul3A_784, %add3A_786 : vector<16xi32>
        %mul3A_788 = arith.constant 2 : i32
        %mul3A_789 = vector.broadcast %mul3A_788 : i32 to vector<16xi32>
        %mul3A_790 = arith.muli %rem3A_123, %mul3A_789 : vector<16xi32>
        %add3A_791 = arith.constant 1 : i32
        %add3A_792 = vector.broadcast %add3A_791 : i32 to vector<16xi32>
        %add3A_793 = arith.addi %mul3A_790, %add3A_792 : vector<16xi32>
        %gather3A_794 = tpu.vector_load_idx %arg7[%add3A_787] : memref<16xi32, #tpu.memory_space<vmem>>[vector<16xi32>], vector<16xi32>,
        %gather3A_795 = tpu.vector_load_idx %arg8[%add3A_787] : memref<16xi32, #tpu.memory_space<vmem>>[vector<16xi32>], vector<16xi32>,
        %gather3A_796 = tpu.vector_load_idx %arg9[%add3A_787] : memref<16xf32, #tpu.memory_space<vmem>>[vector<16xi32>], vector<16xf32>,
        %gather3A_797 = tpu.vector_load_idx %arg10[%add3A_793] : memref<16xi32, #tpu.memory_space<vmem>>[vector<16xi32>], vector<16xi32>,
        %gather3A_798 = tpu.vector_load_idx %arg11[%add3A_793] : memref<16xi32, #tpu.memory_space<vmem>>[vector<16xi32>], vector<16xi32>,
        %gather3A_799 = tpu.vector_load_idx %arg12[%add3A_793] : memref<16xf32, #tpu.memory_space<vmem>>[vector<16xi32>], vector<16xf32>,
        %sub3A_800 = arith.constant 1.000000e+00 : f32
        %sub3A_801 = vector.broadcast %sub3A_800 : f32 to vector<16xf32>
        %sub3A_802 = arith.subf %sub3A_801, %gather3A_796 : vector<16xf32>
        %sub3A_803 = arith.constant 1.000000e+00 : f32
        %sub3A_804 = vector.broadcast %sub3A_803 : f32 to vector<16xf32>
        %sub3A_805 = arith.subf %sub3A_804, %gather3A_799 : vector<16xf32>
        %mul3A_806 = arith.constant 128 : i32
        %mul3A_807 = vector.broadcast %mul3A_806 : i32 to vector<16xi32>
        %mul3A_808 = arith.muli %gather3A_794, %mul3A_807 : vector<16xi32>
        %add3A_809 = arith.addi %mul3A_808, %gather3A_797 : vector<16xi32>
        %mul3A_810 = arith.constant 128 : i32
        %mul3A_811 = vector.broadcast %mul3A_810 : i32 to vector<16xi32>
        %mul3A_812 = arith.muli %gather3A_794, %mul3A_811 : vector<16xi32>
        %add3A_813 = arith.addi %mul3A_812, %gather3A_798 : vector<16xi32>
        %mul3A_814 = arith.constant 128 : i32
        %mul3A_815 = vector.broadcast %mul3A_814 : i32 to vector<16xi32>
        %mul3A_816 = arith.muli %gather3A_795, %mul3A_815 : vector<16xi32>
        %add3A_817 = arith.addi %mul3A_816, %gather3A_797 : vector<16xi32>
        %mul3A_818 = arith.constant 128 : i32
        %mul3A_819 = vector.broadcast %mul3A_818 : i32 to vector<16xi32>
        %mul3A_820 = arith.muli %gather3A_795, %mul3A_819 : vector<16xi32>
        %add3A_821 = arith.addi %mul3A_820, %gather3A_798 : vector<16xi32>
        %broadcast_in_dim3A_822 = arith.constant 0 : i32
        %broadcast_in_dim3A_823 = vector.broadcast %broadcast_in_dim3A_822 : i32 to vector<16xi32>
        %gather3A_824 = tpu.vector_load_idx %arg5[%broadcast_in_dim3A_823, %add3A_809] : memref<16x6400xf32, #tpu.memory_space<vmem>>[vector<16xi32>, vector<16xi32>], vector<16xf32>,
        %gather3A_825 = tpu.vector_load_idx %arg5[%broadcast_in_dim3A_823, %add3A_813] : memref<16x6400xf32, #tpu.memory_space<vmem>>[vector<16xi32>, vector<16xi32>], vector<16xf32>,
        %gather3A_826 = tpu.vector_load_idx %arg5[%broadcast_in_dim3A_823, %add3A_817] : memref<16x6400xf32, #tpu.memory_space<vmem>>[vector<16xi32>, vector<16xi32>], vector<16xf32>,
        %gather3A_827 = tpu.vector_load_idx %arg5[%broadcast_in_dim3A_823, %add3A_821] : memref<16x6400xf32, #tpu.memory_space<vmem>>[vector<16xi32>, vector<16xi32>], vector<16xf32>,
        %mul3A_828 = arith.mulf %gather3A_824, %sub3A_802 : vector<16xf32>
        %mul3A_829 = arith.mulf %mul3A_828, %sub3A_805 : vector<16xf32>
        %mul3A_830 = arith.mulf %gather3A_825, %sub3A_802 : vector<16xf32>
        %mul3A_831 = arith.mulf %mul3A_830, %gather3A_799 : vector<16xf32>
        %add3A_832 = arith.addf %mul3A_829, %mul3A_831 : vector<16xf32>
        %mul3A_833 = arith.mulf %gather3A_826, %gather3A_796 : vector<16xf32>
        %mul3A_834 = arith.mulf %mul3A_833, %sub3A_805 : vector<16xf32>
        %add3A_835 = arith.addf %add3A_832, %mul3A_834 : vector<16xf32>
        %mul3A_836 = arith.mulf %gather3A_827, %gather3A_796 : vector<16xf32>
        %mul3A_837 = arith.mulf %mul3A_836, %gather3A_799 : vector<16xf32>
        %add3A_838 = arith.addf %add3A_835, %mul3A_837 : vector<16xf32>
        %add3A_839 = arith.addf %add3A_511, %add3A_838 : vector<16xf32>
        %broadcast_in_dim3A_840 = arith.constant 1 : i32
        %broadcast_in_dim3A_841 = vector.broadcast %broadcast_in_dim3A_840 : i32 to vector<16xi32>
        %gather3A_842 = tpu.vector_load_idx %arg5[%broadcast_in_dim3A_841, %add3A_809] : memref<16x6400xf32, #tpu.memory_space<vmem>>[vector<16xi32>, vector<16xi32>], vector<16xf32>,
        %gather3A_843 = tpu.vector_load_idx %arg5[%broadcast_in_dim3A_841, %add3A_813] : memref<16x6400xf32, #tpu.memory_space<vmem>>[vector<16xi32>, vector<16xi32>], vector<16xf32>,
        %gather3A_844 = tpu.vector_load_idx %arg5[%broadcast_in_dim3A_841, %add3A_817] : memref<16x6400xf32, #tpu.memory_space<vmem>>[vector<16xi32>, vector<16xi32>], vector<16xf32>,
        %gather3A_845 = tpu.vector_load_idx %arg5[%broadcast_in_dim3A_841, %add3A_821] : memref<16x6400xf32, #tpu.memory_space<vmem>>[vector<16xi32>, vector<16xi32>], vector<16xf32>,
        %mul3A_846 = arith.mulf %gather3A_842, %sub3A_802 : vector<16xf32>
        %mul3A_847 = arith.mulf %mul3A_846, %sub3A_805 : vector<16xf32>
        %mul3A_848 = arith.mulf %gather3A_843, %sub3A_802 : vector<16xf32>
        %mul3A_849 = arith.mulf %mul3A_848, %gather3A_799 : vector<16xf32>
        %add3A_850 = arith.addf %mul3A_847, %mul3A_849 : vector<16xf32>
        %mul3A_851 = arith.mulf %gather3A_844, %gather3A_796 : vector<16xf32>
        %mul3A_852 = arith.mulf %mul3A_851, %sub3A_805 : vector<16xf32>
        %add3A_853 = arith.addf %add3A_850, %mul3A_852 : vector<16xf32>
        %mul3A_854 = arith.mulf %gather3A_845, %gather3A_796 : vector<16xf32>
        %mul3A_855 = arith.mulf %mul3A_854, %gather3A_799 : vector<16xf32>
        %add3A_856 = arith.addf %add3A_853, %mul3A_855 : vector<16xf32>
        %add3A_857 = arith.addf %add3A_529, %add3A_856 : vector<16xf32>
        %broadcast_in_dim3A_858 = arith.constant 2 : i32
        %broadcast_in_dim3A_859 = vector.broadcast %broadcast_in_dim3A_858 : i32 to vector<16xi32>
        %gather3A_860 = tpu.vector_load_idx %arg5[%broadcast_in_dim3A_859, %add3A_809] : memref<16x6400xf32, #tpu.memory_space<vmem>>[vector<16xi32>, vector<16xi32>], vector<16xf32>,
        %gather3A_861 = tpu.vector_load_idx %arg5[%broadcast_in_dim3A_859, %add3A_813] : memref<16x6400xf32, #tpu.memory_space<vmem>>[vector<16xi32>, vector<16xi32>], vector<16xf32>,
        %gather3A_862 = tpu.vector_load_idx %arg5[%broadcast_in_dim3A_859, %add3A_817] : memref<16x6400xf32, #tpu.memory_space<vmem>>[vector<16xi32>, vector<16xi32>], vector<16xf32>,
        %gather3A_863 = tpu.vector_load_idx %arg5[%broadcast_in_dim3A_859, %add3A_821] : memref<16x6400xf32, #tpu.memory_space<vmem>>[vector<16xi32>, vector<16xi32>], vector<16xf32>,
        %mul3A_864 = arith.mulf %gather3A_860, %sub3A_802 : vector<16xf32>
        %mul3A_865 = arith.mulf %mul3A_864, %sub3A_805 : vector<16xf32>
        %mul3A_866 = arith.mulf %gather3A_861, %sub3A_802 : vector<16xf32>
        %mul3A_867 = arith.mulf %mul3A_866, %gather3A_799 : vector<16xf32>
        %add3A_868 = arith.addf %mul3A_865, %mul3A_867 : vector<16xf32>
        %mul3A_869 = arith.mulf %gather3A_862, %gather3A_796 : vector<16xf32>
        %mul3A_870 = arith.mulf %mul3A_869, %sub3A_805 : vector<16xf32>
        %add3A_871 = arith.addf %add3A_868, %mul3A_870 : vector<16xf32>
        %mul3A_872 = arith.mulf %gather3A_863, %gather3A_796 : vector<16xf32>
        %mul3A_873 = arith.mulf %mul3A_872, %gather3A_799 : vector<16xf32>
        %add3A_874 = arith.addf %add3A_871, %mul3A_873 : vector<16xf32>
        %add3A_875 = arith.addf %add3A_547, %add3A_874 : vector<16xf32>
        %broadcast_in_dim3A_876 = arith.constant 3 : i32
        %broadcast_in_dim3A_877 = vector.broadcast %broadcast_in_dim3A_876 : i32 to vector<16xi32>
        %gather3A_878 = tpu.vector_load_idx %arg5[%broadcast_in_dim3A_877, %add3A_809] : memref<16x6400xf32, #tpu.memory_space<vmem>>[vector<16xi32>, vector<16xi32>], vector<16xf32>,
        %gather3A_879 = tpu.vector_load_idx %arg5[%broadcast_in_dim3A_877, %add3A_813] : memref<16x6400xf32, #tpu.memory_space<vmem>>[vector<16xi32>, vector<16xi32>], vector<16xf32>,
        %gather3A_880 = tpu.vector_load_idx %arg5[%broadcast_in_dim3A_877, %add3A_817] : memref<16x6400xf32, #tpu.memory_space<vmem>>[vector<16xi32>, vector<16xi32>], vector<16xf32>,
        %gather3A_881 = tpu.vector_load_idx %arg5[%broadcast_in_dim3A_877, %add3A_821] : memref<16x6400xf32, #tpu.memory_space<vmem>>[vector<16xi32>, vector<16xi32>], vector<16xf32>,
        %mul3A_882 = arith.mulf %gather3A_878, %sub3A_802 : vector<16xf32>
        %mul3A_883 = arith.mulf %mul3A_882, %sub3A_805 : vector<16xf32>
        %mul3A_884 = arith.mulf %gather3A_879, %sub3A_802 : vector<16xf32>
        %mul3A_885 = arith.mulf %mul3A_884, %gather3A_799 : vector<16xf32>
        %add3A_886 = arith.addf %mul3A_883, %mul3A_885 : vector<16xf32>
        %mul3A_887 = arith.mulf %gather3A_880, %gather3A_796 : vector<16xf32>
        %mul3A_888 = arith.mulf %mul3A_887, %sub3A_805 : vector<16xf32>
        %add3A_889 = arith.addf %add3A_886, %mul3A_888 : vector<16xf32>
        %mul3A_890 = arith.mulf %gather3A_881, %gather3A_796 : vector<16xf32>
        %mul3A_891 = arith.mulf %mul3A_890, %gather3A_799 : vector<16xf32>
        %add3A_892 = arith.addf %add3A_889, %mul3A_891 : vector<16xf32>
        %add3A_893 = arith.addf %add3A_565, %add3A_892 : vector<16xf32>
        %broadcast_in_dim3A_894 = arith.constant 4 : i32
        %broadcast_in_dim3A_895 = vector.broadcast %broadcast_in_dim3A_894 : i32 to vector<16xi32>
        %gather3A_896 = tpu.vector_load_idx %arg5[%broadcast_in_dim3A_895, %add3A_809] : memref<16x6400xf32, #tpu.memory_space<vmem>>[vector<16xi32>, vector<16xi32>], vector<16xf32>,
        %gather3A_897 = tpu.vector_load_idx %arg5[%broadcast_in_dim3A_895, %add3A_813] : memref<16x6400xf32, #tpu.memory_space<vmem>>[vector<16xi32>, vector<16xi32>], vector<16xf32>,
        %gather3A_898 = tpu.vector_load_idx %arg5[%broadcast_in_dim3A_895, %add3A_817] : memref<16x6400xf32, #tpu.memory_space<vmem>>[vector<16xi32>, vector<16xi32>], vector<16xf32>,
        %gather3A_899 = tpu.vector_load_idx %arg5[%broadcast_in_dim3A_895, %add3A_821] : memref<16x6400xf32, #tpu.memory_space<vmem>>[vector<16xi32>, vector<16xi32>], vector<16xf32>,
        %mul3A_900 = arith.mulf %gather3A_896, %sub3A_802 : vector<16xf32>
        %mul3A_901 = arith.mulf %mul3A_900, %sub3A_805 : vector<16xf32>
        %mul3A_902 = arith.mulf %gather3A_897, %sub3A_802 : vector<16xf32>
        %mul3A_903 = arith.mulf %mul3A_902, %gather3A_799 : vector<16xf32>
        %add3A_904 = arith.addf %mul3A_901, %mul3A_903 : vector<16xf32>
        %mul3A_905 = arith.mulf %gather3A_898, %gather3A_796 : vector<16xf32>
        %mul3A_906 = arith.mulf %mul3A_905, %sub3A_805 : vector<16xf32>
        %add3A_907 = arith.addf %add3A_904, %mul3A_906 : vector<16xf32>
        %mul3A_908 = arith.mulf %gather3A_899, %gather3A_796 : vector<16xf32>
        %mul3A_909 = arith.mulf %mul3A_908, %gather3A_799 : vector<16xf32>
        %add3A_910 = arith.addf %add3A_907, %mul3A_909 : vector<16xf32>
        %add3A_911 = arith.addf %add3A_583, %add3A_910 : vector<16xf32>
        %broadcast_in_dim3A_912 = arith.constant 5 : i32
        %broadcast_in_dim3A_913 = vector.broadcast %broadcast_in_dim3A_912 : i32 to vector<16xi32>
        %gather3A_914 = tpu.vector_load_idx %arg5[%broadcast_in_dim3A_913, %add3A_809] : memref<16x6400xf32, #tpu.memory_space<vmem>>[vector<16xi32>, vector<16xi32>], vector<16xf32>,
        %gather3A_915 = tpu.vector_load_idx %arg5[%broadcast_in_dim3A_913, %add3A_813] : memref<16x6400xf32, #tpu.memory_space<vmem>>[vector<16xi32>, vector<16xi32>], vector<16xf32>,
        %gather3A_916 = tpu.vector_load_idx %arg5[%broadcast_in_dim3A_913, %add3A_817] : memref<16x6400xf32, #tpu.memory_space<vmem>>[vector<16xi32>, vector<16xi32>], vector<16xf32>,
        %gather3A_917 = tpu.vector_load_idx %arg5[%broadcast_in_dim3A_913, %add3A_821] : memref<16x6400xf32, #tpu.memory_space<vmem>>[vector<16xi32>, vector<16xi32>], vector<16xf32>,
        %mul3A_918 = arith.mulf %gather3A_914, %sub3A_802 : vector<16xf32>
        %mul3A_919 = arith.mulf %mul3A_918, %sub3A_805 : vector<16xf32>
        %mul3A_920 = arith.mulf %gather3A_915, %sub3A_802 : vector<16xf32>
        %mul3A_921 = arith.mulf %mul3A_920, %gather3A_799 : vector<16xf32>
        %add3A_922 = arith.addf %mul3A_919, %mul3A_921 : vector<16xf32>
        %mul3A_923 = arith.mulf %gather3A_916, %gather3A_796 : vector<16xf32>
        %mul3A_924 = arith.mulf %mul3A_923, %sub3A_805 : vector<16xf32>
        %add3A_925 = arith.addf %add3A_922, %mul3A_924 : vector<16xf32>
        %mul3A_926 = arith.mulf %gather3A_917, %gather3A_796 : vector<16xf32>
        %mul3A_927 = arith.mulf %mul3A_926, %gather3A_799 : vector<16xf32>
        %add3A_928 = arith.addf %add3A_925, %mul3A_927 : vector<16xf32>
        %add3A_929 = arith.addf %add3A_601, %add3A_928 : vector<16xf32>
        %broadcast_in_dim3A_930 = arith.constant 6 : i32
        %broadcast_in_dim3A_931 = vector.broadcast %broadcast_in_dim3A_930 : i32 to vector<16xi32>
        %gather3A_932 = tpu.vector_load_idx %arg5[%broadcast_in_dim3A_931, %add3A_809] : memref<16x6400xf32, #tpu.memory_space<vmem>>[vector<16xi32>, vector<16xi32>], vector<16xf32>,
        %gather3A_933 = tpu.vector_load_idx %arg5[%broadcast_in_dim3A_931, %add3A_813] : memref<16x6400xf32, #tpu.memory_space<vmem>>[vector<16xi32>, vector<16xi32>], vector<16xf32>,
        %gather3A_934 = tpu.vector_load_idx %arg5[%broadcast_in_dim3A_931, %add3A_817] : memref<16x6400xf32, #tpu.memory_space<vmem>>[vector<16xi32>, vector<16xi32>], vector<16xf32>,
        %gather3A_935 = tpu.vector_load_idx %arg5[%broadcast_in_dim3A_931, %add3A_821] : memref<16x6400xf32, #tpu.memory_space<vmem>>[vector<16xi32>, vector<16xi32>], vector<16xf32>,
        %mul3A_936 = arith.mulf %gather3A_932, %sub3A_802 : vector<16xf32>
        %mul3A_937 = arith.mulf %mul3A_936, %sub3A_805 : vector<16xf32>
        %mul3A_938 = arith.mulf %gather3A_933, %sub3A_802 : vector<16xf32>
        %mul3A_939 = arith.mulf %mul3A_938, %gather3A_799 : vector<16xf32>
        %add3A_940 = arith.addf %mul3A_937, %mul3A_939 : vector<16xf32>
        %mul3A_941 = arith.mulf %gather3A_934, %gather3A_796 : vector<16xf32>
        %mul3A_942 = arith.mulf %mul3A_941, %sub3A_805 : vector<16xf32>
        %add3A_943 = arith.addf %add3A_940, %mul3A_942 : vector<16xf32>
        %mul3A_944 = arith.mulf %gather3A_935, %gather3A_796 : vector<16xf32>
        %mul3A_945 = arith.mulf %mul3A_944, %gather3A_799 : vector<16xf32>
        %add3A_946 = arith.addf %add3A_943, %mul3A_945 : vector<16xf32>
        %add3A_947 = arith.addf %add3A_619, %add3A_946 : vector<16xf32>
        %broadcast_in_dim3A_948 = arith.constant 7 : i32
        %broadcast_in_dim3A_949 = vector.broadcast %broadcast_in_dim3A_948 : i32 to vector<16xi32>
        %gather3A_950 = tpu.vector_load_idx %arg5[%broadcast_in_dim3A_949, %add3A_809] : memref<16x6400xf32, #tpu.memory_space<vmem>>[vector<16xi32>, vector<16xi32>], vector<16xf32>,
        %gather3A_951 = tpu.vector_load_idx %arg5[%broadcast_in_dim3A_949, %add3A_813] : memref<16x6400xf32, #tpu.memory_space<vmem>>[vector<16xi32>, vector<16xi32>], vector<16xf32>,
        %gather3A_952 = tpu.vector_load_idx %arg5[%broadcast_in_dim3A_949, %add3A_817] : memref<16x6400xf32, #tpu.memory_space<vmem>>[vector<16xi32>, vector<16xi32>], vector<16xf32>,
        %gather3A_953 = tpu.vector_load_idx %arg5[%broadcast_in_dim3A_949, %add3A_821] : memref<16x6400xf32, #tpu.memory_space<vmem>>[vector<16xi32>, vector<16xi32>], vector<16xf32>,
        %mul3A_954 = arith.mulf %gather3A_950, %sub3A_802 : vector<16xf32>
        %mul3A_955 = arith.mulf %mul3A_954, %sub3A_805 : vector<16xf32>
        %mul3A_956 = arith.mulf %gather3A_951, %sub3A_802 : vector<16xf32>
        %mul3A_957 = arith.mulf %mul3A_956, %gather3A_799 : vector<16xf32>
        %add3A_958 = arith.addf %mul3A_955, %mul3A_957 : vector<16xf32>
        %mul3A_959 = arith.mulf %gather3A_952, %gather3A_796 : vector<16xf32>
        %mul3A_960 = arith.mulf %mul3A_959, %sub3A_805 : vector<16xf32>
        %add3A_961 = arith.addf %add3A_958, %mul3A_960 : vector<16xf32>
        %mul3A_962 = arith.mulf %gather3A_953, %gather3A_796 : vector<16xf32>
        %mul3A_963 = arith.mulf %mul3A_962, %gather3A_799 : vector<16xf32>
        %add3A_964 = arith.addf %add3A_961, %mul3A_963 : vector<16xf32>
        %add3A_965 = arith.addf %add3A_637, %add3A_964 : vector<16xf32>
        %broadcast_in_dim3A_966 = arith.constant 8 : i32
        %broadcast_in_dim3A_967 = vector.broadcast %broadcast_in_dim3A_966 : i32 to vector<16xi32>
        %gather3A_968 = tpu.vector_load_idx %arg5[%broadcast_in_dim3A_967, %add3A_809] : memref<16x6400xf32, #tpu.memory_space<vmem>>[vector<16xi32>, vector<16xi32>], vector<16xf32>,
        %gather3A_969 = tpu.vector_load_idx %arg5[%broadcast_in_dim3A_967, %add3A_813] : memref<16x6400xf32, #tpu.memory_space<vmem>>[vector<16xi32>, vector<16xi32>], vector<16xf32>,
        %gather3A_970 = tpu.vector_load_idx %arg5[%broadcast_in_dim3A_967, %add3A_817] : memref<16x6400xf32, #tpu.memory_space<vmem>>[vector<16xi32>, vector<16xi32>], vector<16xf32>,
        %gather3A_971 = tpu.vector_load_idx %arg5[%broadcast_in_dim3A_967, %add3A_821] : memref<16x6400xf32, #tpu.memory_space<vmem>>[vector<16xi32>, vector<16xi32>], vector<16xf32>,
        %mul3A_972 = arith.mulf %gather3A_968, %sub3A_802 : vector<16xf32>
        %mul3A_973 = arith.mulf %mul3A_972, %sub3A_805 : vector<16xf32>
        %mul3A_974 = arith.mulf %gather3A_969, %sub3A_802 : vector<16xf32>
        %mul3A_975 = arith.mulf %mul3A_974, %gather3A_799 : vector<16xf32>
        %add3A_976 = arith.addf %mul3A_973, %mul3A_975 : vector<16xf32>
        %mul3A_977 = arith.mulf %gather3A_970, %gather3A_796 : vector<16xf32>
        %mul3A_978 = arith.mulf %mul3A_977, %sub3A_805 : vector<16xf32>
        %add3A_979 = arith.addf %add3A_976, %mul3A_978 : vector<16xf32>
        %mul3A_980 = arith.mulf %gather3A_971, %gather3A_796 : vector<16xf32>
        %mul3A_981 = arith.mulf %mul3A_980, %gather3A_799 : vector<16xf32>
        %add3A_982 = arith.addf %add3A_979, %mul3A_981 : vector<16xf32>
        %add3A_983 = arith.addf %add3A_655, %add3A_982 : vector<16xf32>
        %broadcast_in_dim3A_984 = arith.constant 9 : i32
        %broadcast_in_dim3A_985 = vector.broadcast %broadcast_in_dim3A_984 : i32 to vector<16xi32>
        %gather3A_986 = tpu.vector_load_idx %arg5[%broadcast_in_dim3A_985, %add3A_809] : memref<16x6400xf32, #tpu.memory_space<vmem>>[vector<16xi32>, vector<16xi32>], vector<16xf32>,
        %gather3A_987 = tpu.vector_load_idx %arg5[%broadcast_in_dim3A_985, %add3A_813] : memref<16x6400xf32, #tpu.memory_space<vmem>>[vector<16xi32>, vector<16xi32>], vector<16xf32>,
        %gather3A_988 = tpu.vector_load_idx %arg5[%broadcast_in_dim3A_985, %add3A_817] : memref<16x6400xf32, #tpu.memory_space<vmem>>[vector<16xi32>, vector<16xi32>], vector<16xf32>,
        %gather3A_989 = tpu.vector_load_idx %arg5[%broadcast_in_dim3A_985, %add3A_821] : memref<16x6400xf32, #tpu.memory_space<vmem>>[vector<16xi32>, vector<16xi32>], vector<16xf32>,
        %mul3A_990 = arith.mulf %gather3A_986, %sub3A_802 : vector<16xf32>
        %mul3A_991 = arith.mulf %mul3A_990, %sub3A_805 : vector<16xf32>
        %mul3A_992 = arith.mulf %gather3A_987, %sub3A_802 : vector<16xf32>
        %mul3A_993 = arith.mulf %mul3A_992, %gather3A_799 : vector<16xf32>
        %add3A_994 = arith.addf %mul3A_991, %mul3A_993 : vector<16xf32>
        %mul3A_995 = arith.mulf %gather3A_988, %gather3A_796 : vector<16xf32>
        %mul3A_996 = arith.mulf %mul3A_995, %sub3A_805 : vector<16xf32>
        %add3A_997 = arith.addf %add3A_994, %mul3A_996 : vector<16xf32>
        %mul3A_998 = arith.mulf %gather3A_989, %gather3A_796 : vector<16xf32>
        %mul3A_999 = arith.mulf %mul3A_998, %gather3A_799 : vector<16xf32>
        %add3A_1000 = arith.addf %add3A_997, %mul3A_999 : vector<16xf32>
        %add3A_1001 = arith.addf %add3A_673, %add3A_1000 : vector<16xf32>
        %broadcast_in_dim3A_1002 = arith.constant 10 : i32
        %broadcast_in_dim3A_1003 = vector.broadcast %broadcast_in_dim3A_1002 : i32 to vector<16xi32>
        %gather3A_1004 = tpu.vector_load_idx %arg5[%broadcast_in_dim3A_1003, %add3A_809] : memref<16x6400xf32, #tpu.memory_space<vmem>>[vector<16xi32>, vector<16xi32>], vector<16xf32>,
        %gather3A_1005 = tpu.vector_load_idx %arg5[%broadcast_in_dim3A_1003, %add3A_813] : memref<16x6400xf32, #tpu.memory_space<vmem>>[vector<16xi32>, vector<16xi32>], vector<16xf32>,
        %gather3A_1006 = tpu.vector_load_idx %arg5[%broadcast_in_dim3A_1003, %add3A_817] : memref<16x6400xf32, #tpu.memory_space<vmem>>[vector<16xi32>, vector<16xi32>], vector<16xf32>,
        %gather3A_1007 = tpu.vector_load_idx %arg5[%broadcast_in_dim3A_1003, %add3A_821] : memref<16x6400xf32, #tpu.memory_space<vmem>>[vector<16xi32>, vector<16xi32>], vector<16xf32>,
        %mul3A_1008 = arith.mulf %gather3A_1004, %sub3A_802 : vector<16xf32>
        %mul3A_1009 = arith.mulf %mul3A_1008, %sub3A_805 : vector<16xf32>
        %mul3A_1010 = arith.mulf %gather3A_1005, %sub3A_802 : vector<16xf32>
        %mul3A_1011 = arith.mulf %mul3A_1010, %gather3A_799 : vector<16xf32>
        %add3A_1012 = arith.addf %mul3A_1009, %mul3A_1011 : vector<16xf32>
        %mul3A_1013 = arith.mulf %gather3A_1006, %gather3A_796 : vector<16xf32>
        %mul3A_1014 = arith.mulf %mul3A_1013, %sub3A_805 : vector<16xf32>
        %add3A_1015 = arith.addf %add3A_1012, %mul3A_1014 : vector<16xf32>
        %mul3A_1016 = arith.mulf %gather3A_1007, %gather3A_796 : vector<16xf32>
        %mul3A_1017 = arith.mulf %mul3A_1016, %gather3A_799 : vector<16xf32>
        %add3A_1018 = arith.addf %add3A_1015, %mul3A_1017 : vector<16xf32>
        %add3A_1019 = arith.addf %add3A_691, %add3A_1018 : vector<16xf32>
        %broadcast_in_dim3A_1020 = arith.constant 11 : i32
        %broadcast_in_dim3A_1021 = vector.broadcast %broadcast_in_dim3A_1020 : i32 to vector<16xi32>
        %gather3A_1022 = tpu.vector_load_idx %arg5[%broadcast_in_dim3A_1021, %add3A_809] : memref<16x6400xf32, #tpu.memory_space<vmem>>[vector<16xi32>, vector<16xi32>], vector<16xf32>,
        %gather3A_1023 = tpu.vector_load_idx %arg5[%broadcast_in_dim3A_1021, %add3A_813] : memref<16x6400xf32, #tpu.memory_space<vmem>>[vector<16xi32>, vector<16xi32>], vector<16xf32>,
        %gather3A_1024 = tpu.vector_load_idx %arg5[%broadcast_in_dim3A_1021, %add3A_817] : memref<16x6400xf32, #tpu.memory_space<vmem>>[vector<16xi32>, vector<16xi32>], vector<16xf32>,
        %gather3A_1025 = tpu.vector_load_idx %arg5[%broadcast_in_dim3A_1021, %add3A_821] : memref<16x6400xf32, #tpu.memory_space<vmem>>[vector<16xi32>, vector<16xi32>], vector<16xf32>,
        %mul3A_1026 = arith.mulf %gather3A_1022, %sub3A_802 : vector<16xf32>
        %mul3A_1027 = arith.mulf %mul3A_1026, %sub3A_805 : vector<16xf32>
        %mul3A_1028 = arith.mulf %gather3A_1023, %sub3A_802 : vector<16xf32>
        %mul3A_1029 = arith.mulf %mul3A_1028, %gather3A_799 : vector<16xf32>
        %add3A_1030 = arith.addf %mul3A_1027, %mul3A_1029 : vector<16xf32>
        %mul3A_1031 = arith.mulf %gather3A_1024, %gather3A_796 : vector<16xf32>
        %mul3A_1032 = arith.mulf %mul3A_1031, %sub3A_805 : vector<16xf32>
        %add3A_1033 = arith.addf %add3A_1030, %mul3A_1032 : vector<16xf32>
        %mul3A_1034 = arith.mulf %gather3A_1025, %gather3A_796 : vector<16xf32>
        %mul3A_1035 = arith.mulf %mul3A_1034, %gather3A_799 : vector<16xf32>
        %add3A_1036 = arith.addf %add3A_1033, %mul3A_1035 : vector<16xf32>
        %add3A_1037 = arith.addf %add3A_709, %add3A_1036 : vector<16xf32>
        %broadcast_in_dim3A_1038 = arith.constant 12 : i32
        %broadcast_in_dim3A_1039 = vector.broadcast %broadcast_in_dim3A_1038 : i32 to vector<16xi32>
        %gather3A_1040 = tpu.vector_load_idx %arg5[%broadcast_in_dim3A_1039, %add3A_809] : memref<16x6400xf32, #tpu.memory_space<vmem>>[vector<16xi32>, vector<16xi32>], vector<16xf32>,
        %gather3A_1041 = tpu.vector_load_idx %arg5[%broadcast_in_dim3A_1039, %add3A_813] : memref<16x6400xf32, #tpu.memory_space<vmem>>[vector<16xi32>, vector<16xi32>], vector<16xf32>,
        %gather3A_1042 = tpu.vector_load_idx %arg5[%broadcast_in_dim3A_1039, %add3A_817] : memref<16x6400xf32, #tpu.memory_space<vmem>>[vector<16xi32>, vector<16xi32>], vector<16xf32>,
        %gather3A_1043 = tpu.vector_load_idx %arg5[%broadcast_in_dim3A_1039, %add3A_821] : memref<16x6400xf32, #tpu.memory_space<vmem>>[vector<16xi32>, vector<16xi32>], vector<16xf32>,
        %mul3A_1044 = arith.mulf %gather3A_1040, %sub3A_802 : vector<16xf32>
        %mul3A_1045 = arith.mulf %mul3A_1044, %sub3A_805 : vector<16xf32>
        %mul3A_1046 = arith.mulf %gather3A_1041, %sub3A_802 : vector<16xf32>
        %mul3A_1047 = arith.mulf %mul3A_1046, %gather3A_799 : vector<16xf32>
        %add3A_1048 = arith.addf %mul3A_1045, %mul3A_1047 : vector<16xf32>
        %mul3A_1049 = arith.mulf %gather3A_1042, %gather3A_796 : vector<16xf32>
        %mul3A_1050 = arith.mulf %mul3A_1049, %sub3A_805 : vector<16xf32>
        %add3A_1051 = arith.addf %add3A_1048, %mul3A_1050 : vector<16xf32>
        %mul3A_1052 = arith.mulf %gather3A_1043, %gather3A_796 : vector<16xf32>
        %mul3A_1053 = arith.mulf %mul3A_1052, %gather3A_799 : vector<16xf32>
        %add3A_1054 = arith.addf %add3A_1051, %mul3A_1053 : vector<16xf32>
        %add3A_1055 = arith.addf %add3A_727, %add3A_1054 : vector<16xf32>
        %broadcast_in_dim3A_1056 = arith.constant 13 : i32
        %broadcast_in_dim3A_1057 = vector.broadcast %broadcast_in_dim3A_1056 : i32 to vector<16xi32>
        %gather3A_1058 = tpu.vector_load_idx %arg5[%broadcast_in_dim3A_1057, %add3A_809] : memref<16x6400xf32, #tpu.memory_space<vmem>>[vector<16xi32>, vector<16xi32>], vector<16xf32>,
        %gather3A_1059 = tpu.vector_load_idx %arg5[%broadcast_in_dim3A_1057, %add3A_813] : memref<16x6400xf32, #tpu.memory_space<vmem>>[vector<16xi32>, vector<16xi32>], vector<16xf32>,
        %gather3A_1060 = tpu.vector_load_idx %arg5[%broadcast_in_dim3A_1057, %add3A_817] : memref<16x6400xf32, #tpu.memory_space<vmem>>[vector<16xi32>, vector<16xi32>], vector<16xf32>,
        %gather3A_1061 = tpu.vector_load_idx %arg5[%broadcast_in_dim3A_1057, %add3A_821] : memref<16x6400xf32, #tpu.memory_space<vmem>>[vector<16xi32>, vector<16xi32>], vector<16xf32>,
        %mul3A_1062 = arith.mulf %gather3A_1058, %sub3A_802 : vector<16xf32>
        %mul3A_1063 = arith.mulf %mul3A_1062, %sub3A_805 : vector<16xf32>
        %mul3A_1064 = arith.mulf %gather3A_1059, %sub3A_802 : vector<16xf32>
        %mul3A_1065 = arith.mulf %mul3A_1064, %gather3A_799 : vector<16xf32>
        %add3A_1066 = arith.addf %mul3A_1063, %mul3A_1065 : vector<16xf32>
        %mul3A_1067 = arith.mulf %gather3A_1060, %gather3A_796 : vector<16xf32>
        %mul3A_1068 = arith.mulf %mul3A_1067, %sub3A_805 : vector<16xf32>
        %add3A_1069 = arith.addf %add3A_1066, %mul3A_1068 : vector<16xf32>
        %mul3A_1070 = arith.mulf %gather3A_1061, %gather3A_796 : vector<16xf32>
        %mul3A_1071 = arith.mulf %mul3A_1070, %gather3A_799 : vector<16xf32>
        %add3A_1072 = arith.addf %add3A_1069, %mul3A_1071 : vector<16xf32>
        %add3A_1073 = arith.addf %add3A_745, %add3A_1072 : vector<16xf32>
        %broadcast_in_dim3A_1074 = arith.constant 14 : i32
        %broadcast_in_dim3A_1075 = vector.broadcast %broadcast_in_dim3A_1074 : i32 to vector<16xi32>
        %gather3A_1076 = tpu.vector_load_idx %arg5[%broadcast_in_dim3A_1075, %add3A_809] : memref<16x6400xf32, #tpu.memory_space<vmem>>[vector<16xi32>, vector<16xi32>], vector<16xf32>,
        %gather3A_1077 = tpu.vector_load_idx %arg5[%broadcast_in_dim3A_1075, %add3A_813] : memref<16x6400xf32, #tpu.memory_space<vmem>>[vector<16xi32>, vector<16xi32>], vector<16xf32>,
        %gather3A_1078 = tpu.vector_load_idx %arg5[%broadcast_in_dim3A_1075, %add3A_817] : memref<16x6400xf32, #tpu.memory_space<vmem>>[vector<16xi32>, vector<16xi32>], vector<16xf32>,
        %gather3A_1079 = tpu.vector_load_idx %arg5[%broadcast_in_dim3A_1075, %add3A_821] : memref<16x6400xf32, #tpu.memory_space<vmem>>[vector<16xi32>, vector<16xi32>], vector<16xf32>,
        %mul3A_1080 = arith.mulf %gather3A_1076, %sub3A_802 : vector<16xf32>
        %mul3A_1081 = arith.mulf %mul3A_1080, %sub3A_805 : vector<16xf32>
        %mul3A_1082 = arith.mulf %gather3A_1077, %sub3A_802 : vector<16xf32>
        %mul3A_1083 = arith.mulf %mul3A_1082, %gather3A_799 : vector<16xf32>
        %add3A_1084 = arith.addf %mul3A_1081, %mul3A_1083 : vector<16xf32>
        %mul3A_1085 = arith.mulf %gather3A_1078, %gather3A_796 : vector<16xf32>
        %mul3A_1086 = arith.mulf %mul3A_1085, %sub3A_805 : vector<16xf32>
        %add3A_1087 = arith.addf %add3A_1084, %mul3A_1086 : vector<16xf32>
        %mul3A_1088 = arith.mulf %gather3A_1079, %gather3A_796 : vector<16xf32>
        %mul3A_1089 = arith.mulf %mul3A_1088, %gather3A_799 : vector<16xf32>
        %add3A_1090 = arith.addf %add3A_1087, %mul3A_1089 : vector<16xf32>
        %add3A_1091 = arith.addf %add3A_763, %add3A_1090 : vector<16xf32>
        %broadcast_in_dim3A_1092 = arith.constant 15 : i32
        %broadcast_in_dim3A_1093 = vector.broadcast %broadcast_in_dim3A_1092 : i32 to vector<16xi32>
        %gather3A_1094 = tpu.vector_load_idx %arg5[%broadcast_in_dim3A_1093, %add3A_809] : memref<16x6400xf32, #tpu.memory_space<vmem>>[vector<16xi32>, vector<16xi32>], vector<16xf32>,
        %gather3A_1095 = tpu.vector_load_idx %arg5[%broadcast_in_dim3A_1093, %add3A_813] : memref<16x6400xf32, #tpu.memory_space<vmem>>[vector<16xi32>, vector<16xi32>], vector<16xf32>,
        %gather3A_1096 = tpu.vector_load_idx %arg5[%broadcast_in_dim3A_1093, %add3A_817] : memref<16x6400xf32, #tpu.memory_space<vmem>>[vector<16xi32>, vector<16xi32>], vector<16xf32>,
        %gather3A_1097 = tpu.vector_load_idx %arg5[%broadcast_in_dim3A_1093, %add3A_821] : memref<16x6400xf32, #tpu.memory_space<vmem>>[vector<16xi32>, vector<16xi32>], vector<16xf32>,
        %mul3A_1098 = arith.mulf %gather3A_1094, %sub3A_802 : vector<16xf32>
        %mul3A_1099 = arith.mulf %mul3A_1098, %sub3A_805 : vector<16xf32>
        %mul3A_1100 = arith.mulf %gather3A_1095, %sub3A_802 : vector<16xf32>
        %mul3A_1101 = arith.mulf %mul3A_1100, %gather3A_799 : vector<16xf32>
        %add3A_1102 = arith.addf %mul3A_1099, %mul3A_1101 : vector<16xf32>
        %mul3A_1103 = arith.mulf %gather3A_1096, %gather3A_796 : vector<16xf32>
        %mul3A_1104 = arith.mulf %mul3A_1103, %sub3A_805 : vector<16xf32>
        %add3A_1105 = arith.addf %add3A_1102, %mul3A_1104 : vector<16xf32>
        %mul3A_1106 = arith.mulf %gather3A_1097, %gather3A_796 : vector<16xf32>
        %mul3A_1107 = arith.mulf %mul3A_1106, %gather3A_799 : vector<16xf32>
        %add3A_1108 = arith.addf %add3A_1105, %mul3A_1107 : vector<16xf32>
        %add3A_1109 = arith.addf %add3A_781, %add3A_1108 : vector<16xf32>
        %mul3A_1110 = arith.constant 2 : i32
        %mul3A_1111 = vector.broadcast %mul3A_1110 : i32 to vector<16xi32>
        %mul3A_1112 = arith.muli %div3A_120, %mul3A_1111 : vector<16xi32>
        %add3A_1113 = arith.constant 1 : i32
        %add3A_1114 = vector.broadcast %add3A_1113 : i32 to vector<16xi32>
        %add3A_1115 = arith.addi %mul3A_1112, %add3A_1114 : vector<16xi32>
        %mul3A_1116 = arith.constant 2 : i32
        %mul3A_1117 = vector.broadcast %mul3A_1116 : i32 to vector<16xi32>
        %mul3A_1118 = arith.muli %rem3A_123, %mul3A_1117 : vector<16xi32>
        %add3A_1119 = arith.constant 1 : i32
        %add3A_1120 = vector.broadcast %add3A_1119 : i32 to vector<16xi32>
        %add3A_1121 = arith.addi %mul3A_1118, %add3A_1120 : vector<16xi32>
        %gather3A_1122 = tpu.vector_load_idx %arg7[%add3A_1115] : memref<16xi32, #tpu.memory_space<vmem>>[vector<16xi32>], vector<16xi32>,
        %gather3A_1123 = tpu.vector_load_idx %arg8[%add3A_1115] : memref<16xi32, #tpu.memory_space<vmem>>[vector<16xi32>], vector<16xi32>,
        %gather3A_1124 = tpu.vector_load_idx %arg9[%add3A_1115] : memref<16xf32, #tpu.memory_space<vmem>>[vector<16xi32>], vector<16xf32>,
        %gather3A_1125 = tpu.vector_load_idx %arg10[%add3A_1121] : memref<16xi32, #tpu.memory_space<vmem>>[vector<16xi32>], vector<16xi32>,
        %gather3A_1126 = tpu.vector_load_idx %arg11[%add3A_1121] : memref<16xi32, #tpu.memory_space<vmem>>[vector<16xi32>], vector<16xi32>,
        %gather3A_1127 = tpu.vector_load_idx %arg12[%add3A_1121] : memref<16xf32, #tpu.memory_space<vmem>>[vector<16xi32>], vector<16xf32>,
        %sub3A_1128 = arith.constant 1.000000e+00 : f32
        %sub3A_1129 = vector.broadcast %sub3A_1128 : f32 to vector<16xf32>
        %sub3A_1130 = arith.subf %sub3A_1129, %gather3A_1124 : vector<16xf32>
        %sub3A_1131 = arith.constant 1.000000e+00 : f32
        %sub3A_1132 = vector.broadcast %sub3A_1131 : f32 to vector<16xf32>
        %sub3A_1133 = arith.subf %sub3A_1132, %gather3A_1127 : vector<16xf32>
        %mul3A_1134 = arith.constant 128 : i32
        %mul3A_1135 = vector.broadcast %mul3A_1134 : i32 to vector<16xi32>
        %mul3A_1136 = arith.muli %gather3A_1122, %mul3A_1135 : vector<16xi32>
        %add3A_1137 = arith.addi %mul3A_1136, %gather3A_1125 : vector<16xi32>
        %mul3A_1138 = arith.constant 128 : i32
        %mul3A_1139 = vector.broadcast %mul3A_1138 : i32 to vector<16xi32>
        %mul3A_1140 = arith.muli %gather3A_1122, %mul3A_1139 : vector<16xi32>
        %add3A_1141 = arith.addi %mul3A_1140, %gather3A_1126 : vector<16xi32>
        %mul3A_1142 = arith.constant 128 : i32
        %mul3A_1143 = vector.broadcast %mul3A_1142 : i32 to vector<16xi32>
        %mul3A_1144 = arith.muli %gather3A_1123, %mul3A_1143 : vector<16xi32>
        %add3A_1145 = arith.addi %mul3A_1144, %gather3A_1125 : vector<16xi32>
        %mul3A_1146 = arith.constant 128 : i32
        %mul3A_1147 = vector.broadcast %mul3A_1146 : i32 to vector<16xi32>
        %mul3A_1148 = arith.muli %gather3A_1123, %mul3A_1147 : vector<16xi32>
        %add3A_1149 = arith.addi %mul3A_1148, %gather3A_1126 : vector<16xi32>
        %broadcast_in_dim3A_1150 = arith.constant 0 : i32
        %broadcast_in_dim3A_1151 = vector.broadcast %broadcast_in_dim3A_1150 : i32 to vector<16xi32>
        %gather3A_1152 = tpu.vector_load_idx %arg5[%broadcast_in_dim3A_1151, %add3A_1137] : memref<16x6400xf32, #tpu.memory_space<vmem>>[vector<16xi32>, vector<16xi32>], vector<16xf32>,
        %gather3A_1153 = tpu.vector_load_idx %arg5[%broadcast_in_dim3A_1151, %add3A_1141] : memref<16x6400xf32, #tpu.memory_space<vmem>>[vector<16xi32>, vector<16xi32>], vector<16xf32>,
        %gather3A_1154 = tpu.vector_load_idx %arg5[%broadcast_in_dim3A_1151, %add3A_1145] : memref<16x6400xf32, #tpu.memory_space<vmem>>[vector<16xi32>, vector<16xi32>], vector<16xf32>,
        %gather3A_1155 = tpu.vector_load_idx %arg5[%broadcast_in_dim3A_1151, %add3A_1149] : memref<16x6400xf32, #tpu.memory_space<vmem>>[vector<16xi32>, vector<16xi32>], vector<16xf32>,
        %mul3A_1156 = arith.mulf %gather3A_1152, %sub3A_1130 : vector<16xf32>
        %mul3A_1157 = arith.mulf %mul3A_1156, %sub3A_1133 : vector<16xf32>
        %mul3A_1158 = arith.mulf %gather3A_1153, %sub3A_1130 : vector<16xf32>
        %mul3A_1159 = arith.mulf %mul3A_1158, %gather3A_1127 : vector<16xf32>
        %add3A_1160 = arith.addf %mul3A_1157, %mul3A_1159 : vector<16xf32>
        %mul3A_1161 = arith.mulf %gather3A_1154, %gather3A_1124 : vector<16xf32>
        %mul3A_1162 = arith.mulf %mul3A_1161, %sub3A_1133 : vector<16xf32>
        %add3A_1163 = arith.addf %add3A_1160, %mul3A_1162 : vector<16xf32>
        %mul3A_1164 = arith.mulf %gather3A_1155, %gather3A_1124 : vector<16xf32>
        %mul3A_1165 = arith.mulf %mul3A_1164, %gather3A_1127 : vector<16xf32>
        %add3A_1166 = arith.addf %add3A_1163, %mul3A_1165 : vector<16xf32>
        %add3A_1167 = arith.addf %add3A_839, %add3A_1166 : vector<16xf32>
        %broadcast_in_dim3A_1168 = arith.constant 1 : i32
        %broadcast_in_dim3A_1169 = vector.broadcast %broadcast_in_dim3A_1168 : i32 to vector<16xi32>
        %gather3A_1170 = tpu.vector_load_idx %arg5[%broadcast_in_dim3A_1169, %add3A_1137] : memref<16x6400xf32, #tpu.memory_space<vmem>>[vector<16xi32>, vector<16xi32>], vector<16xf32>,
        %gather3A_1171 = tpu.vector_load_idx %arg5[%broadcast_in_dim3A_1169, %add3A_1141] : memref<16x6400xf32, #tpu.memory_space<vmem>>[vector<16xi32>, vector<16xi32>], vector<16xf32>,
        %gather3A_1172 = tpu.vector_load_idx %arg5[%broadcast_in_dim3A_1169, %add3A_1145] : memref<16x6400xf32, #tpu.memory_space<vmem>>[vector<16xi32>, vector<16xi32>], vector<16xf32>,
        %gather3A_1173 = tpu.vector_load_idx %arg5[%broadcast_in_dim3A_1169, %add3A_1149] : memref<16x6400xf32, #tpu.memory_space<vmem>>[vector<16xi32>, vector<16xi32>], vector<16xf32>,
        %mul3A_1174 = arith.mulf %gather3A_1170, %sub3A_1130 : vector<16xf32>
        %mul3A_1175 = arith.mulf %mul3A_1174, %sub3A_1133 : vector<16xf32>
        %mul3A_1176 = arith.mulf %gather3A_1171, %sub3A_1130 : vector<16xf32>
        %mul3A_1177 = arith.mulf %mul3A_1176, %gather3A_1127 : vector<16xf32>
        %add3A_1178 = arith.addf %mul3A_1175, %mul3A_1177 : vector<16xf32>
        %mul3A_1179 = arith.mulf %gather3A_1172, %gather3A_1124 : vector<16xf32>
        %mul3A_1180 = arith.mulf %mul3A_1179, %sub3A_1133 : vector<16xf32>
        %add3A_1181 = arith.addf %add3A_1178, %mul3A_1180 : vector<16xf32>
        %mul3A_1182 = arith.mulf %gather3A_1173, %gather3A_1124 : vector<16xf32>
        %mul3A_1183 = arith.mulf %mul3A_1182, %gather3A_1127 : vector<16xf32>
        %add3A_1184 = arith.addf %add3A_1181, %mul3A_1183 : vector<16xf32>
        %add3A_1185 = arith.addf %add3A_857, %add3A_1184 : vector<16xf32>
        %broadcast_in_dim3A_1186 = arith.constant 2 : i32
        %broadcast_in_dim3A_1187 = vector.broadcast %broadcast_in_dim3A_1186 : i32 to vector<16xi32>
        %gather3A_1188 = tpu.vector_load_idx %arg5[%broadcast_in_dim3A_1187, %add3A_1137] : memref<16x6400xf32, #tpu.memory_space<vmem>>[vector<16xi32>, vector<16xi32>], vector<16xf32>,
        %gather3A_1189 = tpu.vector_load_idx %arg5[%broadcast_in_dim3A_1187, %add3A_1141] : memref<16x6400xf32, #tpu.memory_space<vmem>>[vector<16xi32>, vector<16xi32>], vector<16xf32>,
        %gather3A_1190 = tpu.vector_load_idx %arg5[%broadcast_in_dim3A_1187, %add3A_1145] : memref<16x6400xf32, #tpu.memory_space<vmem>>[vector<16xi32>, vector<16xi32>], vector<16xf32>,
        %gather3A_1191 = tpu.vector_load_idx %arg5[%broadcast_in_dim3A_1187, %add3A_1149] : memref<16x6400xf32, #tpu.memory_space<vmem>>[vector<16xi32>, vector<16xi32>], vector<16xf32>,
        %mul3A_1192 = arith.mulf %gather3A_1188, %sub3A_1130 : vector<16xf32>
        %mul3A_1193 = arith.mulf %mul3A_1192, %sub3A_1133 : vector<16xf32>
        %mul3A_1194 = arith.mulf %gather3A_1189, %sub3A_1130 : vector<16xf32>
        %mul3A_1195 = arith.mulf %mul3A_1194, %gather3A_1127 : vector<16xf32>
        %add3A_1196 = arith.addf %mul3A_1193, %mul3A_1195 : vector<16xf32>
        %mul3A_1197 = arith.mulf %gather3A_1190, %gather3A_1124 : vector<16xf32>
        %mul3A_1198 = arith.mulf %mul3A_1197, %sub3A_1133 : vector<16xf32>
        %add3A_1199 = arith.addf %add3A_1196, %mul3A_1198 : vector<16xf32>
        %mul3A_1200 = arith.mulf %gather3A_1191, %gather3A_1124 : vector<16xf32>
        %mul3A_1201 = arith.mulf %mul3A_1200, %gather3A_1127 : vector<16xf32>
        %add3A_1202 = arith.addf %add3A_1199, %mul3A_1201 : vector<16xf32>
        %add3A_1203 = arith.addf %add3A_875, %add3A_1202 : vector<16xf32>
        %broadcast_in_dim3A_1204 = arith.constant 3 : i32
        %broadcast_in_dim3A_1205 = vector.broadcast %broadcast_in_dim3A_1204 : i32 to vector<16xi32>
        %gather3A_1206 = tpu.vector_load_idx %arg5[%broadcast_in_dim3A_1205, %add3A_1137] : memref<16x6400xf32, #tpu.memory_space<vmem>>[vector<16xi32>, vector<16xi32>], vector<16xf32>,
        %gather3A_1207 = tpu.vector_load_idx %arg5[%broadcast_in_dim3A_1205, %add3A_1141] : memref<16x6400xf32, #tpu.memory_space<vmem>>[vector<16xi32>, vector<16xi32>], vector<16xf32>,
        %gather3A_1208 = tpu.vector_load_idx %arg5[%broadcast_in_dim3A_1205, %add3A_1145] : memref<16x6400xf32, #tpu.memory_space<vmem>>[vector<16xi32>, vector<16xi32>], vector<16xf32>,
        %gather3A_1209 = tpu.vector_load_idx %arg5[%broadcast_in_dim3A_1205, %add3A_1149] : memref<16x6400xf32, #tpu.memory_space<vmem>>[vector<16xi32>, vector<16xi32>], vector<16xf32>,
        %mul3A_1210 = arith.mulf %gather3A_1206, %sub3A_1130 : vector<16xf32>
        %mul3A_1211 = arith.mulf %mul3A_1210, %sub3A_1133 : vector<16xf32>
        %mul3A_1212 = arith.mulf %gather3A_1207, %sub3A_1130 : vector<16xf32>
        %mul3A_1213 = arith.mulf %mul3A_1212, %gather3A_1127 : vector<16xf32>
        %add3A_1214 = arith.addf %mul3A_1211, %mul3A_1213 : vector<16xf32>
        %mul3A_1215 = arith.mulf %gather3A_1208, %gather3A_1124 : vector<16xf32>
        %mul3A_1216 = arith.mulf %mul3A_1215, %sub3A_1133 : vector<16xf32>
        %add3A_1217 = arith.addf %add3A_1214, %mul3A_1216 : vector<16xf32>
        %mul3A_1218 = arith.mulf %gather3A_1209, %gather3A_1124 : vector<16xf32>
        %mul3A_1219 = arith.mulf %mul3A_1218, %gather3A_1127 : vector<16xf32>
        %add3A_1220 = arith.addf %add3A_1217, %mul3A_1219 : vector<16xf32>
        %add3A_1221 = arith.addf %add3A_893, %add3A_1220 : vector<16xf32>
        %broadcast_in_dim3A_1222 = arith.constant 4 : i32
        %broadcast_in_dim3A_1223 = vector.broadcast %broadcast_in_dim3A_1222 : i32 to vector<16xi32>
        %gather3A_1224 = tpu.vector_load_idx %arg5[%broadcast_in_dim3A_1223, %add3A_1137] : memref<16x6400xf32, #tpu.memory_space<vmem>>[vector<16xi32>, vector<16xi32>], vector<16xf32>,
        %gather3A_1225 = tpu.vector_load_idx %arg5[%broadcast_in_dim3A_1223, %add3A_1141] : memref<16x6400xf32, #tpu.memory_space<vmem>>[vector<16xi32>, vector<16xi32>], vector<16xf32>,
        %gather3A_1226 = tpu.vector_load_idx %arg5[%broadcast_in_dim3A_1223, %add3A_1145] : memref<16x6400xf32, #tpu.memory_space<vmem>>[vector<16xi32>, vector<16xi32>], vector<16xf32>,
        %gather3A_1227 = tpu.vector_load_idx %arg5[%broadcast_in_dim3A_1223, %add3A_1149] : memref<16x6400xf32, #tpu.memory_space<vmem>>[vector<16xi32>, vector<16xi32>], vector<16xf32>,
        %mul3A_1228 = arith.mulf %gather3A_1224, %sub3A_1130 : vector<16xf32>
        %mul3A_1229 = arith.mulf %mul3A_1228, %sub3A_1133 : vector<16xf32>
        %mul3A_1230 = arith.mulf %gather3A_1225, %sub3A_1130 : vector<16xf32>
        %mul3A_1231 = arith.mulf %mul3A_1230, %gather3A_1127 : vector<16xf32>
        %add3A_1232 = arith.addf %mul3A_1229, %mul3A_1231 : vector<16xf32>
        %mul3A_1233 = arith.mulf %gather3A_1226, %gather3A_1124 : vector<16xf32>
        %mul3A_1234 = arith.mulf %mul3A_1233, %sub3A_1133 : vector<16xf32>
        %add3A_1235 = arith.addf %add3A_1232, %mul3A_1234 : vector<16xf32>
        %mul3A_1236 = arith.mulf %gather3A_1227, %gather3A_1124 : vector<16xf32>
        %mul3A_1237 = arith.mulf %mul3A_1236, %gather3A_1127 : vector<16xf32>
        %add3A_1238 = arith.addf %add3A_1235, %mul3A_1237 : vector<16xf32>
        %add3A_1239 = arith.addf %add3A_911, %add3A_1238 : vector<16xf32>
        %broadcast_in_dim3A_1240 = arith.constant 5 : i32
        %broadcast_in_dim3A_1241 = vector.broadcast %broadcast_in_dim3A_1240 : i32 to vector<16xi32>
        %gather3A_1242 = tpu.vector_load_idx %arg5[%broadcast_in_dim3A_1241, %add3A_1137] : memref<16x6400xf32, #tpu.memory_space<vmem>>[vector<16xi32>, vector<16xi32>], vector<16xf32>,
        %gather3A_1243 = tpu.vector_load_idx %arg5[%broadcast_in_dim3A_1241, %add3A_1141] : memref<16x6400xf32, #tpu.memory_space<vmem>>[vector<16xi32>, vector<16xi32>], vector<16xf32>,
        %gather3A_1244 = tpu.vector_load_idx %arg5[%broadcast_in_dim3A_1241, %add3A_1145] : memref<16x6400xf32, #tpu.memory_space<vmem>>[vector<16xi32>, vector<16xi32>], vector<16xf32>,
        %gather3A_1245 = tpu.vector_load_idx %arg5[%broadcast_in_dim3A_1241, %add3A_1149] : memref<16x6400xf32, #tpu.memory_space<vmem>>[vector<16xi32>, vector<16xi32>], vector<16xf32>,
        %mul3A_1246 = arith.mulf %gather3A_1242, %sub3A_1130 : vector<16xf32>
        %mul3A_1247 = arith.mulf %mul3A_1246, %sub3A_1133 : vector<16xf32>
        %mul3A_1248 = arith.mulf %gather3A_1243, %sub3A_1130 : vector<16xf32>
        %mul3A_1249 = arith.mulf %mul3A_1248, %gather3A_1127 : vector<16xf32>
        %add3A_1250 = arith.addf %mul3A_1247, %mul3A_1249 : vector<16xf32>
        %mul3A_1251 = arith.mulf %gather3A_1244, %gather3A_1124 : vector<16xf32>
        %mul3A_1252 = arith.mulf %mul3A_1251, %sub3A_1133 : vector<16xf32>
        %add3A_1253 = arith.addf %add3A_1250, %mul3A_1252 : vector<16xf32>
        %mul3A_1254 = arith.mulf %gather3A_1245, %gather3A_1124 : vector<16xf32>
        %mul3A_1255 = arith.mulf %mul3A_1254, %gather3A_1127 : vector<16xf32>
        %add3A_1256 = arith.addf %add3A_1253, %mul3A_1255 : vector<16xf32>
        %add3A_1257 = arith.addf %add3A_929, %add3A_1256 : vector<16xf32>
        %broadcast_in_dim3A_1258 = arith.constant 6 : i32
        %broadcast_in_dim3A_1259 = vector.broadcast %broadcast_in_dim3A_1258 : i32 to vector<16xi32>
        %gather3A_1260 = tpu.vector_load_idx %arg5[%broadcast_in_dim3A_1259, %add3A_1137] : memref<16x6400xf32, #tpu.memory_space<vmem>>[vector<16xi32>, vector<16xi32>], vector<16xf32>,
        %gather3A_1261 = tpu.vector_load_idx %arg5[%broadcast_in_dim3A_1259, %add3A_1141] : memref<16x6400xf32, #tpu.memory_space<vmem>>[vector<16xi32>, vector<16xi32>], vector<16xf32>,
        %gather3A_1262 = tpu.vector_load_idx %arg5[%broadcast_in_dim3A_1259, %add3A_1145] : memref<16x6400xf32, #tpu.memory_space<vmem>>[vector<16xi32>, vector<16xi32>], vector<16xf32>,
        %gather3A_1263 = tpu.vector_load_idx %arg5[%broadcast_in_dim3A_1259, %add3A_1149] : memref<16x6400xf32, #tpu.memory_space<vmem>>[vector<16xi32>, vector<16xi32>], vector<16xf32>,
        %mul3A_1264 = arith.mulf %gather3A_1260, %sub3A_1130 : vector<16xf32>
        %mul3A_1265 = arith.mulf %mul3A_1264, %sub3A_1133 : vector<16xf32>
        %mul3A_1266 = arith.mulf %gather3A_1261, %sub3A_1130 : vector<16xf32>
        %mul3A_1267 = arith.mulf %mul3A_1266, %gather3A_1127 : vector<16xf32>
        %add3A_1268 = arith.addf %mul3A_1265, %mul3A_1267 : vector<16xf32>
        %mul3A_1269 = arith.mulf %gather3A_1262, %gather3A_1124 : vector<16xf32>
        %mul3A_1270 = arith.mulf %mul3A_1269, %sub3A_1133 : vector<16xf32>
        %add3A_1271 = arith.addf %add3A_1268, %mul3A_1270 : vector<16xf32>
        %mul3A_1272 = arith.mulf %gather3A_1263, %gather3A_1124 : vector<16xf32>
        %mul3A_1273 = arith.mulf %mul3A_1272, %gather3A_1127 : vector<16xf32>
        %add3A_1274 = arith.addf %add3A_1271, %mul3A_1273 : vector<16xf32>
        %add3A_1275 = arith.addf %add3A_947, %add3A_1274 : vector<16xf32>
        %broadcast_in_dim3A_1276 = arith.constant 7 : i32
        %broadcast_in_dim3A_1277 = vector.broadcast %broadcast_in_dim3A_1276 : i32 to vector<16xi32>
        %gather3A_1278 = tpu.vector_load_idx %arg5[%broadcast_in_dim3A_1277, %add3A_1137] : memref<16x6400xf32, #tpu.memory_space<vmem>>[vector<16xi32>, vector<16xi32>], vector<16xf32>,
        %gather3A_1279 = tpu.vector_load_idx %arg5[%broadcast_in_dim3A_1277, %add3A_1141] : memref<16x6400xf32, #tpu.memory_space<vmem>>[vector<16xi32>, vector<16xi32>], vector<16xf32>,
        %gather3A_1280 = tpu.vector_load_idx %arg5[%broadcast_in_dim3A_1277, %add3A_1145] : memref<16x6400xf32, #tpu.memory_space<vmem>>[vector<16xi32>, vector<16xi32>], vector<16xf32>,
        %gather3A_1281 = tpu.vector_load_idx %arg5[%broadcast_in_dim3A_1277, %add3A_1149] : memref<16x6400xf32, #tpu.memory_space<vmem>>[vector<16xi32>, vector<16xi32>], vector<16xf32>,
        %mul3A_1282 = arith.mulf %gather3A_1278, %sub3A_1130 : vector<16xf32>
        %mul3A_1283 = arith.mulf %mul3A_1282, %sub3A_1133 : vector<16xf32>
        %mul3A_1284 = arith.mulf %gather3A_1279, %sub3A_1130 : vector<16xf32>
        %mul3A_1285 = arith.mulf %mul3A_1284, %gather3A_1127 : vector<16xf32>
        %add3A_1286 = arith.addf %mul3A_1283, %mul3A_1285 : vector<16xf32>
        %mul3A_1287 = arith.mulf %gather3A_1280, %gather3A_1124 : vector<16xf32>
        %mul3A_1288 = arith.mulf %mul3A_1287, %sub3A_1133 : vector<16xf32>
        %add3A_1289 = arith.addf %add3A_1286, %mul3A_1288 : vector<16xf32>
        %mul3A_1290 = arith.mulf %gather3A_1281, %gather3A_1124 : vector<16xf32>
        %mul3A_1291 = arith.mulf %mul3A_1290, %gather3A_1127 : vector<16xf32>
        %add3A_1292 = arith.addf %add3A_1289, %mul3A_1291 : vector<16xf32>
        %add3A_1293 = arith.addf %add3A_965, %add3A_1292 : vector<16xf32>
        %broadcast_in_dim3A_1294 = arith.constant 8 : i32
        %broadcast_in_dim3A_1295 = vector.broadcast %broadcast_in_dim3A_1294 : i32 to vector<16xi32>
        %gather3A_1296 = tpu.vector_load_idx %arg5[%broadcast_in_dim3A_1295, %add3A_1137] : memref<16x6400xf32, #tpu.memory_space<vmem>>[vector<16xi32>, vector<16xi32>], vector<16xf32>,
        %gather3A_1297 = tpu.vector_load_idx %arg5[%broadcast_in_dim3A_1295, %add3A_1141] : memref<16x6400xf32, #tpu.memory_space<vmem>>[vector<16xi32>, vector<16xi32>], vector<16xf32>,
        %gather3A_1298 = tpu.vector_load_idx %arg5[%broadcast_in_dim3A_1295, %add3A_1145] : memref<16x6400xf32, #tpu.memory_space<vmem>>[vector<16xi32>, vector<16xi32>], vector<16xf32>,
        %gather3A_1299 = tpu.vector_load_idx %arg5[%broadcast_in_dim3A_1295, %add3A_1149] : memref<16x6400xf32, #tpu.memory_space<vmem>>[vector<16xi32>, vector<16xi32>], vector<16xf32>,
        %mul3A_1300 = arith.mulf %gather3A_1296, %sub3A_1130 : vector<16xf32>
        %mul3A_1301 = arith.mulf %mul3A_1300, %sub3A_1133 : vector<16xf32>
        %mul3A_1302 = arith.mulf %gather3A_1297, %sub3A_1130 : vector<16xf32>
        %mul3A_1303 = arith.mulf %mul3A_1302, %gather3A_1127 : vector<16xf32>
        %add3A_1304 = arith.addf %mul3A_1301, %mul3A_1303 : vector<16xf32>
        %mul3A_1305 = arith.mulf %gather3A_1298, %gather3A_1124 : vector<16xf32>
        %mul3A_1306 = arith.mulf %mul3A_1305, %sub3A_1133 : vector<16xf32>
        %add3A_1307 = arith.addf %add3A_1304, %mul3A_1306 : vector<16xf32>
        %mul3A_1308 = arith.mulf %gather3A_1299, %gather3A_1124 : vector<16xf32>
        %mul3A_1309 = arith.mulf %mul3A_1308, %gather3A_1127 : vector<16xf32>
        %add3A_1310 = arith.addf %add3A_1307, %mul3A_1309 : vector<16xf32>
        %add3A_1311 = arith.addf %add3A_983, %add3A_1310 : vector<16xf32>
        %broadcast_in_dim3A_1312 = arith.constant 9 : i32
        %broadcast_in_dim3A_1313 = vector.broadcast %broadcast_in_dim3A_1312 : i32 to vector<16xi32>
        %gather3A_1314 = tpu.vector_load_idx %arg5[%broadcast_in_dim3A_1313, %add3A_1137] : memref<16x6400xf32, #tpu.memory_space<vmem>>[vector<16xi32>, vector<16xi32>], vector<16xf32>,
        %gather3A_1315 = tpu.vector_load_idx %arg5[%broadcast_in_dim3A_1313, %add3A_1141] : memref<16x6400xf32, #tpu.memory_space<vmem>>[vector<16xi32>, vector<16xi32>], vector<16xf32>,
        %gather3A_1316 = tpu.vector_load_idx %arg5[%broadcast_in_dim3A_1313, %add3A_1145] : memref<16x6400xf32, #tpu.memory_space<vmem>>[vector<16xi32>, vector<16xi32>], vector<16xf32>,
        %gather3A_1317 = tpu.vector_load_idx %arg5[%broadcast_in_dim3A_1313, %add3A_1149] : memref<16x6400xf32, #tpu.memory_space<vmem>>[vector<16xi32>, vector<16xi32>], vector<16xf32>,
        %mul3A_1318 = arith.mulf %gather3A_1314, %sub3A_1130 : vector<16xf32>
        %mul3A_1319 = arith.mulf %mul3A_1318, %sub3A_1133 : vector<16xf32>
        %mul3A_1320 = arith.mulf %gather3A_1315, %sub3A_1130 : vector<16xf32>
        %mul3A_1321 = arith.mulf %mul3A_1320, %gather3A_1127 : vector<16xf32>
        %add3A_1322 = arith.addf %mul3A_1319, %mul3A_1321 : vector<16xf32>
        %mul3A_1323 = arith.mulf %gather3A_1316, %gather3A_1124 : vector<16xf32>
        %mul3A_1324 = arith.mulf %mul3A_1323, %sub3A_1133 : vector<16xf32>
        %add3A_1325 = arith.addf %add3A_1322, %mul3A_1324 : vector<16xf32>
        %mul3A_1326 = arith.mulf %gather3A_1317, %gather3A_1124 : vector<16xf32>
        %mul3A_1327 = arith.mulf %mul3A_1326, %gather3A_1127 : vector<16xf32>
        %add3A_1328 = arith.addf %add3A_1325, %mul3A_1327 : vector<16xf32>
        %add3A_1329 = arith.addf %add3A_1001, %add3A_1328 : vector<16xf32>
        %broadcast_in_dim3A_1330 = arith.constant 10 : i32
        %broadcast_in_dim3A_1331 = vector.broadcast %broadcast_in_dim3A_1330 : i32 to vector<16xi32>
        %gather3A_1332 = tpu.vector_load_idx %arg5[%broadcast_in_dim3A_1331, %add3A_1137] : memref<16x6400xf32, #tpu.memory_space<vmem>>[vector<16xi32>, vector<16xi32>], vector<16xf32>,
        %gather3A_1333 = tpu.vector_load_idx %arg5[%broadcast_in_dim3A_1331, %add3A_1141] : memref<16x6400xf32, #tpu.memory_space<vmem>>[vector<16xi32>, vector<16xi32>], vector<16xf32>,
        %gather3A_1334 = tpu.vector_load_idx %arg5[%broadcast_in_dim3A_1331, %add3A_1145] : memref<16x6400xf32, #tpu.memory_space<vmem>>[vector<16xi32>, vector<16xi32>], vector<16xf32>,
        %gather3A_1335 = tpu.vector_load_idx %arg5[%broadcast_in_dim3A_1331, %add3A_1149] : memref<16x6400xf32, #tpu.memory_space<vmem>>[vector<16xi32>, vector<16xi32>], vector<16xf32>,
        %mul3A_1336 = arith.mulf %gather3A_1332, %sub3A_1130 : vector<16xf32>
        %mul3A_1337 = arith.mulf %mul3A_1336, %sub3A_1133 : vector<16xf32>
        %mul3A_1338 = arith.mulf %gather3A_1333, %sub3A_1130 : vector<16xf32>
        %mul3A_1339 = arith.mulf %mul3A_1338, %gather3A_1127 : vector<16xf32>
        %add3A_1340 = arith.addf %mul3A_1337, %mul3A_1339 : vector<16xf32>
        %mul3A_1341 = arith.mulf %gather3A_1334, %gather3A_1124 : vector<16xf32>
        %mul3A_1342 = arith.mulf %mul3A_1341, %sub3A_1133 : vector<16xf32>
        %add3A_1343 = arith.addf %add3A_1340, %mul3A_1342 : vector<16xf32>
        %mul3A_1344 = arith.mulf %gather3A_1335, %gather3A_1124 : vector<16xf32>
        %mul3A_1345 = arith.mulf %mul3A_1344, %gather3A_1127 : vector<16xf32>
        %add3A_1346 = arith.addf %add3A_1343, %mul3A_1345 : vector<16xf32>
        %add3A_1347 = arith.addf %add3A_1019, %add3A_1346 : vector<16xf32>
        %broadcast_in_dim3A_1348 = arith.constant 11 : i32
        %broadcast_in_dim3A_1349 = vector.broadcast %broadcast_in_dim3A_1348 : i32 to vector<16xi32>
        %gather3A_1350 = tpu.vector_load_idx %arg5[%broadcast_in_dim3A_1349, %add3A_1137] : memref<16x6400xf32, #tpu.memory_space<vmem>>[vector<16xi32>, vector<16xi32>], vector<16xf32>,
        %gather3A_1351 = tpu.vector_load_idx %arg5[%broadcast_in_dim3A_1349, %add3A_1141] : memref<16x6400xf32, #tpu.memory_space<vmem>>[vector<16xi32>, vector<16xi32>], vector<16xf32>,
        %gather3A_1352 = tpu.vector_load_idx %arg5[%broadcast_in_dim3A_1349, %add3A_1145] : memref<16x6400xf32, #tpu.memory_space<vmem>>[vector<16xi32>, vector<16xi32>], vector<16xf32>,
        %gather3A_1353 = tpu.vector_load_idx %arg5[%broadcast_in_dim3A_1349, %add3A_1149] : memref<16x6400xf32, #tpu.memory_space<vmem>>[vector<16xi32>, vector<16xi32>], vector<16xf32>,
        %mul3A_1354 = arith.mulf %gather3A_1350, %sub3A_1130 : vector<16xf32>
        %mul3A_1355 = arith.mulf %mul3A_1354, %sub3A_1133 : vector<16xf32>
        %mul3A_1356 = arith.mulf %gather3A_1351, %sub3A_1130 : vector<16xf32>
        %mul3A_1357 = arith.mulf %mul3A_1356, %gather3A_1127 : vector<16xf32>
        %add3A_1358 = arith.addf %mul3A_1355, %mul3A_1357 : vector<16xf32>
        %mul3A_1359 = arith.mulf %gather3A_1352, %gather3A_1124 : vector<16xf32>
        %mul3A_1360 = arith.mulf %mul3A_1359, %sub3A_1133 : vector<16xf32>
        %add3A_1361 = arith.addf %add3A_1358, %mul3A_1360 : vector<16xf32>
        %mul3A_1362 = arith.mulf %gather3A_1353, %gather3A_1124 : vector<16xf32>
        %mul3A_1363 = arith.mulf %mul3A_1362, %gather3A_1127 : vector<16xf32>
        %add3A_1364 = arith.addf %add3A_1361, %mul3A_1363 : vector<16xf32>
        %add3A_1365 = arith.addf %add3A_1037, %add3A_1364 : vector<16xf32>
        %broadcast_in_dim3A_1366 = arith.constant 12 : i32
        %broadcast_in_dim3A_1367 = vector.broadcast %broadcast_in_dim3A_1366 : i32 to vector<16xi32>
        %gather3A_1368 = tpu.vector_load_idx %arg5[%broadcast_in_dim3A_1367, %add3A_1137] : memref<16x6400xf32, #tpu.memory_space<vmem>>[vector<16xi32>, vector<16xi32>], vector<16xf32>,
        %gather3A_1369 = tpu.vector_load_idx %arg5[%broadcast_in_dim3A_1367, %add3A_1141] : memref<16x6400xf32, #tpu.memory_space<vmem>>[vector<16xi32>, vector<16xi32>], vector<16xf32>,
        %gather3A_1370 = tpu.vector_load_idx %arg5[%broadcast_in_dim3A_1367, %add3A_1145] : memref<16x6400xf32, #tpu.memory_space<vmem>>[vector<16xi32>, vector<16xi32>], vector<16xf32>,
        %gather3A_1371 = tpu.vector_load_idx %arg5[%broadcast_in_dim3A_1367, %add3A_1149] : memref<16x6400xf32, #tpu.memory_space<vmem>>[vector<16xi32>, vector<16xi32>], vector<16xf32>,
        %mul3A_1372 = arith.mulf %gather3A_1368, %sub3A_1130 : vector<16xf32>
        %mul3A_1373 = arith.mulf %mul3A_1372, %sub3A_1133 : vector<16xf32>
        %mul3A_1374 = arith.mulf %gather3A_1369, %sub3A_1130 : vector<16xf32>
        %mul3A_1375 = arith.mulf %mul3A_1374, %gather3A_1127 : vector<16xf32>
        %add3A_1376 = arith.addf %mul3A_1373, %mul3A_1375 : vector<16xf32>
        %mul3A_1377 = arith.mulf %gather3A_1370, %gather3A_1124 : vector<16xf32>
        %mul3A_1378 = arith.mulf %mul3A_1377, %sub3A_1133 : vector<16xf32>
        %add3A_1379 = arith.addf %add3A_1376, %mul3A_1378 : vector<16xf32>
        %mul3A_1380 = arith.mulf %gather3A_1371, %gather3A_1124 : vector<16xf32>
        %mul3A_1381 = arith.mulf %mul3A_1380, %gather3A_1127 : vector<16xf32>
        %add3A_1382 = arith.addf %add3A_1379, %mul3A_1381 : vector<16xf32>
        %add3A_1383 = arith.addf %add3A_1055, %add3A_1382 : vector<16xf32>
        %broadcast_in_dim3A_1384 = arith.constant 13 : i32
        %broadcast_in_dim3A_1385 = vector.broadcast %broadcast_in_dim3A_1384 : i32 to vector<16xi32>
        %gather3A_1386 = tpu.vector_load_idx %arg5[%broadcast_in_dim3A_1385, %add3A_1137] : memref<16x6400xf32, #tpu.memory_space<vmem>>[vector<16xi32>, vector<16xi32>], vector<16xf32>,
        %gather3A_1387 = tpu.vector_load_idx %arg5[%broadcast_in_dim3A_1385, %add3A_1141] : memref<16x6400xf32, #tpu.memory_space<vmem>>[vector<16xi32>, vector<16xi32>], vector<16xf32>,
        %gather3A_1388 = tpu.vector_load_idx %arg5[%broadcast_in_dim3A_1385, %add3A_1145] : memref<16x6400xf32, #tpu.memory_space<vmem>>[vector<16xi32>, vector<16xi32>], vector<16xf32>,
        %gather3A_1389 = tpu.vector_load_idx %arg5[%broadcast_in_dim3A_1385, %add3A_1149] : memref<16x6400xf32, #tpu.memory_space<vmem>>[vector<16xi32>, vector<16xi32>], vector<16xf32>,
        %mul3A_1390 = arith.mulf %gather3A_1386, %sub3A_1130 : vector<16xf32>
        %mul3A_1391 = arith.mulf %mul3A_1390, %sub3A_1133 : vector<16xf32>
        %mul3A_1392 = arith.mulf %gather3A_1387, %sub3A_1130 : vector<16xf32>
        %mul3A_1393 = arith.mulf %mul3A_1392, %gather3A_1127 : vector<16xf32>
        %add3A_1394 = arith.addf %mul3A_1391, %mul3A_1393 : vector<16xf32>
        %mul3A_1395 = arith.mulf %gather3A_1388, %gather3A_1124 : vector<16xf32>
        %mul3A_1396 = arith.mulf %mul3A_1395, %sub3A_1133 : vector<16xf32>
        %add3A_1397 = arith.addf %add3A_1394, %mul3A_1396 : vector<16xf32>
        %mul3A_1398 = arith.mulf %gather3A_1389, %gather3A_1124 : vector<16xf32>
        %mul3A_1399 = arith.mulf %mul3A_1398, %gather3A_1127 : vector<16xf32>
        %add3A_1400 = arith.addf %add3A_1397, %mul3A_1399 : vector<16xf32>
        %add3A_1401 = arith.addf %add3A_1073, %add3A_1400 : vector<16xf32>
        %broadcast_in_dim3A_1402 = arith.constant 14 : i32
        %broadcast_in_dim3A_1403 = vector.broadcast %broadcast_in_dim3A_1402 : i32 to vector<16xi32>
        %gather3A_1404 = tpu.vector_load_idx %arg5[%broadcast_in_dim3A_1403, %add3A_1137] : memref<16x6400xf32, #tpu.memory_space<vmem>>[vector<16xi32>, vector<16xi32>], vector<16xf32>,
        %gather3A_1405 = tpu.vector_load_idx %arg5[%broadcast_in_dim3A_1403, %add3A_1141] : memref<16x6400xf32, #tpu.memory_space<vmem>>[vector<16xi32>, vector<16xi32>], vector<16xf32>,
        %gather3A_1406 = tpu.vector_load_idx %arg5[%broadcast_in_dim3A_1403, %add3A_1145] : memref<16x6400xf32, #tpu.memory_space<vmem>>[vector<16xi32>, vector<16xi32>], vector<16xf32>,
        %gather3A_1407 = tpu.vector_load_idx %arg5[%broadcast_in_dim3A_1403, %add3A_1149] : memref<16x6400xf32, #tpu.memory_space<vmem>>[vector<16xi32>, vector<16xi32>], vector<16xf32>,
        %mul3A_1408 = arith.mulf %gather3A_1404, %sub3A_1130 : vector<16xf32>
        %mul3A_1409 = arith.mulf %mul3A_1408, %sub3A_1133 : vector<16xf32>
        %mul3A_1410 = arith.mulf %gather3A_1405, %sub3A_1130 : vector<16xf32>
        %mul3A_1411 = arith.mulf %mul3A_1410, %gather3A_1127 : vector<16xf32>
        %add3A_1412 = arith.addf %mul3A_1409, %mul3A_1411 : vector<16xf32>
        %mul3A_1413 = arith.mulf %gather3A_1406, %gather3A_1124 : vector<16xf32>
        %mul3A_1414 = arith.mulf %mul3A_1413, %sub3A_1133 : vector<16xf32>
        %add3A_1415 = arith.addf %add3A_1412, %mul3A_1414 : vector<16xf32>
        %mul3A_1416 = arith.mulf %gather3A_1407, %gather3A_1124 : vector<16xf32>
        %mul3A_1417 = arith.mulf %mul3A_1416, %gather3A_1127 : vector<16xf32>
        %add3A_1418 = arith.addf %add3A_1415, %mul3A_1417 : vector<16xf32>
        %add3A_1419 = arith.addf %add3A_1091, %add3A_1418 : vector<16xf32>
        %broadcast_in_dim3A_1420 = arith.constant 15 : i32
        %broadcast_in_dim3A_1421 = vector.broadcast %broadcast_in_dim3A_1420 : i32 to vector<16xi32>
        %gather3A_1422 = tpu.vector_load_idx %arg5[%broadcast_in_dim3A_1421, %add3A_1137] : memref<16x6400xf32, #tpu.memory_space<vmem>>[vector<16xi32>, vector<16xi32>], vector<16xf32>,
        %gather3A_1423 = tpu.vector_load_idx %arg5[%broadcast_in_dim3A_1421, %add3A_1141] : memref<16x6400xf32, #tpu.memory_space<vmem>>[vector<16xi32>, vector<16xi32>], vector<16xf32>,
        %gather3A_1424 = tpu.vector_load_idx %arg5[%broadcast_in_dim3A_1421, %add3A_1145] : memref<16x6400xf32, #tpu.memory_space<vmem>>[vector<16xi32>, vector<16xi32>], vector<16xf32>,
        %gather3A_1425 = tpu.vector_load_idx %arg5[%broadcast_in_dim3A_1421, %add3A_1149] : memref<16x6400xf32, #tpu.memory_space<vmem>>[vector<16xi32>, vector<16xi32>], vector<16xf32>,
        %mul3A_1426 = arith.mulf %gather3A_1422, %sub3A_1130 : vector<16xf32>
        %mul3A_1427 = arith.mulf %mul3A_1426, %sub3A_1133 : vector<16xf32>
        %mul3A_1428 = arith.mulf %gather3A_1423, %sub3A_1130 : vector<16xf32>
        %mul3A_1429 = arith.mulf %mul3A_1428, %gather3A_1127 : vector<16xf32>
        %add3A_1430 = arith.addf %mul3A_1427, %mul3A_1429 : vector<16xf32>
        %mul3A_1431 = arith.mulf %gather3A_1424, %gather3A_1124 : vector<16xf32>
        %mul3A_1432 = arith.mulf %mul3A_1431, %sub3A_1133 : vector<16xf32>
        %add3A_1433 = arith.addf %add3A_1430, %mul3A_1432 : vector<16xf32>
        %mul3A_1434 = arith.mulf %gather3A_1425, %gather3A_1124 : vector<16xf32>
        %mul3A_1435 = arith.mulf %mul3A_1434, %gather3A_1127 : vector<16xf32>
        %add3A_1436 = arith.addf %add3A_1433, %mul3A_1435 : vector<16xf32>
        %add3A_1437 = arith.addf %add3A_1109, %add3A_1436 : vector<16xf32>
        %broadcast_in_dim3A_1438 = arith.constant 0 : i32
        %broadcast_in_dim3A_1439 = vector.broadcast %broadcast_in_dim3A_1438 : i32 to vector<16xi32>
        %mul3A_1440 = arith.constant 2.500000e-01 : f32
        %mul3A_1441 = vector.broadcast %mul3A_1440 : f32 to vector<16xf32>
        %mul3A_1442 = arith.mulf %add3A_1167, %mul3A_1441 : vector<16xf32>
        tpu.vector_store_idx %arg13[%min3A_117, %broadcast_in_dim3A_1439], %mul3A_1442 : memref<64x16xf32, #tpu.memory_space<vmem>>[vector<16xi32>, vector<16xi32>], vector<16xf32>,
        %broadcast_in_dim3A_1443 = arith.constant 1 : i32
        %broadcast_in_dim3A_1444 = vector.broadcast %broadcast_in_dim3A_1443 : i32 to vector<16xi32>
        %mul3A_1445 = arith.constant 2.500000e-01 : f32
        %mul3A_1446 = vector.broadcast %mul3A_1445 : f32 to vector<16xf32>
        %mul3A_1447 = arith.mulf %add3A_1185, %mul3A_1446 : vector<16xf32>
        tpu.vector_store_idx %arg13[%min3A_117, %broadcast_in_dim3A_1444], %mul3A_1447 : memref<64x16xf32, #tpu.memory_space<vmem>>[vector<16xi32>, vector<16xi32>], vector<16xf32>,
        %broadcast_in_dim3A_1448 = arith.constant 2 : i32
        %broadcast_in_dim3A_1449 = vector.broadcast %broadcast_in_dim3A_1448 : i32 to vector<16xi32>
        %mul3A_1450 = arith.constant 2.500000e-01 : f32
        %mul3A_1451 = vector.broadcast %mul3A_1450 : f32 to vector<16xf32>
        %mul3A_1452 = arith.mulf %add3A_1203, %mul3A_1451 : vector<16xf32>
        tpu.vector_store_idx %arg13[%min3A_117, %broadcast_in_dim3A_1449], %mul3A_1452 : memref<64x16xf32, #tpu.memory_space<vmem>>[vector<16xi32>, vector<16xi32>], vector<16xf32>,
        %broadcast_in_dim3A_1453 = arith.constant 3 : i32
        %broadcast_in_dim3A_1454 = vector.broadcast %broadcast_in_dim3A_1453 : i32 to vector<16xi32>
        %mul3A_1455 = arith.constant 2.500000e-01 : f32
        %mul3A_1456 = vector.broadcast %mul3A_1455 : f32 to vector<16xf32>
        %mul3A_1457 = arith.mulf %add3A_1221, %mul3A_1456 : vector<16xf32>
        tpu.vector_store_idx %arg13[%min3A_117, %broadcast_in_dim3A_1454], %mul3A_1457 : memref<64x16xf32, #tpu.memory_space<vmem>>[vector<16xi32>, vector<16xi32>], vector<16xf32>,
        %broadcast_in_dim3A_1458 = arith.constant 4 : i32
        %broadcast_in_dim3A_1459 = vector.broadcast %broadcast_in_dim3A_1458 : i32 to vector<16xi32>
        %mul3A_1460 = arith.constant 2.500000e-01 : f32
        %mul3A_1461 = vector.broadcast %mul3A_1460 : f32 to vector<16xf32>
        %mul3A_1462 = arith.mulf %add3A_1239, %mul3A_1461 : vector<16xf32>
        tpu.vector_store_idx %arg13[%min3A_117, %broadcast_in_dim3A_1459], %mul3A_1462 : memref<64x16xf32, #tpu.memory_space<vmem>>[vector<16xi32>, vector<16xi32>], vector<16xf32>,
        %broadcast_in_dim3A_1463 = arith.constant 5 : i32
        %broadcast_in_dim3A_1464 = vector.broadcast %broadcast_in_dim3A_1463 : i32 to vector<16xi32>
        %mul3A_1465 = arith.constant 2.500000e-01 : f32
        %mul3A_1466 = vector.broadcast %mul3A_1465 : f32 to vector<16xf32>
        %mul3A_1467 = arith.mulf %add3A_1257, %mul3A_1466 : vector<16xf32>
        tpu.vector_store_idx %arg13[%min3A_117, %broadcast_in_dim3A_1464], %mul3A_1467 : memref<64x16xf32, #tpu.memory_space<vmem>>[vector<16xi32>, vector<16xi32>], vector<16xf32>,
        %broadcast_in_dim3A_1468 = arith.constant 6 : i32
        %broadcast_in_dim3A_1469 = vector.broadcast %broadcast_in_dim3A_1468 : i32 to vector<16xi32>
        %mul3A_1470 = arith.constant 2.500000e-01 : f32
        %mul3A_1471 = vector.broadcast %mul3A_1470 : f32 to vector<16xf32>
        %mul3A_1472 = arith.mulf %add3A_1275, %mul3A_1471 : vector<16xf32>
        tpu.vector_store_idx %arg13[%min3A_117, %broadcast_in_dim3A_1469], %mul3A_1472 : memref<64x16xf32, #tpu.memory_space<vmem>>[vector<16xi32>, vector<16xi32>], vector<16xf32>,
        %broadcast_in_dim3A_1473 = arith.constant 7 : i32
        %broadcast_in_dim3A_1474 = vector.broadcast %broadcast_in_dim3A_1473 : i32 to vector<16xi32>
        %mul3A_1475 = arith.constant 2.500000e-01 : f32
        %mul3A_1476 = vector.broadcast %mul3A_1475 : f32 to vector<16xf32>
        %mul3A_1477 = arith.mulf %add3A_1293, %mul3A_1476 : vector<16xf32>
        tpu.vector_store_idx %arg13[%min3A_117, %broadcast_in_dim3A_1474], %mul3A_1477 : memref<64x16xf32, #tpu.memory_space<vmem>>[vector<16xi32>, vector<16xi32>], vector<16xf32>,
        %broadcast_in_dim3A_1478 = arith.constant 8 : i32
        %broadcast_in_dim3A_1479 = vector.broadcast %broadcast_in_dim3A_1478 : i32 to vector<16xi32>
        %mul3A_1480 = arith.constant 2.500000e-01 : f32
        %mul3A_1481 = vector.broadcast %mul3A_1480 : f32 to vector<16xf32>
        %mul3A_1482 = arith.mulf %add3A_1311, %mul3A_1481 : vector<16xf32>
        tpu.vector_store_idx %arg13[%min3A_117, %broadcast_in_dim3A_1479], %mul3A_1482 : memref<64x16xf32, #tpu.memory_space<vmem>>[vector<16xi32>, vector<16xi32>], vector<16xf32>,
        %broadcast_in_dim3A_1483 = arith.constant 9 : i32
        %broadcast_in_dim3A_1484 = vector.broadcast %broadcast_in_dim3A_1483 : i32 to vector<16xi32>
        %mul3A_1485 = arith.constant 2.500000e-01 : f32
        %mul3A_1486 = vector.broadcast %mul3A_1485 : f32 to vector<16xf32>
        %mul3A_1487 = arith.mulf %add3A_1329, %mul3A_1486 : vector<16xf32>
        tpu.vector_store_idx %arg13[%min3A_117, %broadcast_in_dim3A_1484], %mul3A_1487 : memref<64x16xf32, #tpu.memory_space<vmem>>[vector<16xi32>, vector<16xi32>], vector<16xf32>,
        %broadcast_in_dim3A_1488 = arith.constant 10 : i32
        %broadcast_in_dim3A_1489 = vector.broadcast %broadcast_in_dim3A_1488 : i32 to vector<16xi32>
        %mul3A_1490 = arith.constant 2.500000e-01 : f32
        %mul3A_1491 = vector.broadcast %mul3A_1490 : f32 to vector<16xf32>
        %mul3A_1492 = arith.mulf %add3A_1347, %mul3A_1491 : vector<16xf32>
        tpu.vector_store_idx %arg13[%min3A_117, %broadcast_in_dim3A_1489], %mul3A_1492 : memref<64x16xf32, #tpu.memory_space<vmem>>[vector<16xi32>, vector<16xi32>], vector<16xf32>,
        %broadcast_in_dim3A_1493 = arith.constant 11 : i32
        %broadcast_in_dim3A_1494 = vector.broadcast %broadcast_in_dim3A_1493 : i32 to vector<16xi32>
        %mul3A_1495 = arith.constant 2.500000e-01 : f32
        %mul3A_1496 = vector.broadcast %mul3A_1495 : f32 to vector<16xf32>
        %mul3A_1497 = arith.mulf %add3A_1365, %mul3A_1496 : vector<16xf32>
        tpu.vector_store_idx %arg13[%min3A_117, %broadcast_in_dim3A_1494], %mul3A_1497 : memref<64x16xf32, #tpu.memory_space<vmem>>[vector<16xi32>, vector<16xi32>], vector<16xf32>,
        %broadcast_in_dim3A_1498 = arith.constant 12 : i32
        %broadcast_in_dim3A_1499 = vector.broadcast %broadcast_in_dim3A_1498 : i32 to vector<16xi32>
        %mul3A_1500 = arith.constant 2.500000e-01 : f32
        %mul3A_1501 = vector.broadcast %mul3A_1500 : f32 to vector<16xf32>
        %mul3A_1502 = arith.mulf %add3A_1383, %mul3A_1501 : vector<16xf32>
        tpu.vector_store_idx %arg13[%min3A_117, %broadcast_in_dim3A_1499], %mul3A_1502 : memref<64x16xf32, #tpu.memory_space<vmem>>[vector<16xi32>, vector<16xi32>], vector<16xf32>,
        %broadcast_in_dim3A_1503 = arith.constant 13 : i32
        %broadcast_in_dim3A_1504 = vector.broadcast %broadcast_in_dim3A_1503 : i32 to vector<16xi32>
        %mul3A_1505 = arith.constant 2.500000e-01 : f32
        %mul3A_1506 = vector.broadcast %mul3A_1505 : f32 to vector<16xf32>
        %mul3A_1507 = arith.mulf %add3A_1401, %mul3A_1506 : vector<16xf32>
        tpu.vector_store_idx %arg13[%min3A_117, %broadcast_in_dim3A_1504], %mul3A_1507 : memref<64x16xf32, #tpu.memory_space<vmem>>[vector<16xi32>, vector<16xi32>], vector<16xf32>,
        %broadcast_in_dim3A_1508 = arith.constant 14 : i32
        %broadcast_in_dim3A_1509 = vector.broadcast %broadcast_in_dim3A_1508 : i32 to vector<16xi32>
        %mul3A_1510 = arith.constant 2.500000e-01 : f32
        %mul3A_1511 = vector.broadcast %mul3A_1510 : f32 to vector<16xf32>
        %mul3A_1512 = arith.mulf %add3A_1419, %mul3A_1511 : vector<16xf32>
        tpu.vector_store_idx %arg13[%min3A_117, %broadcast_in_dim3A_1509], %mul3A_1512 : memref<64x16xf32, #tpu.memory_space<vmem>>[vector<16xi32>, vector<16xi32>], vector<16xf32>,
        %broadcast_in_dim3A_1513 = arith.constant 15 : i32
        %broadcast_in_dim3A_1514 = vector.broadcast %broadcast_in_dim3A_1513 : i32 to vector<16xi32>
        %mul3A_1515 = arith.constant 2.500000e-01 : f32
        %mul3A_1516 = vector.broadcast %mul3A_1515 : f32 to vector<16xf32>
        %mul3A_1517 = arith.mulf %add3A_1437, %mul3A_1516 : vector<16xf32>
        tpu.vector_store_idx %arg13[%min3A_117, %broadcast_in_dim3A_1514], %mul3A_1517 : memref<64x16xf32, #tpu.memory_space<vmem>>[vector<16xi32>, vector<16xi32>], vector<16xf32>,
      }
      %scan3A_104 = arith.constant 4 : i32
      %add3A_105 = arith.addi %mul3A_6, %add3A_21 : i32
      "tpu.region"() ({
        %run_scoped3A = tpu.sem_alloc : memref<!tpu.dma_semaphore, #tpu.memory_space<semaphore_mem>>
        %dma_start3A = arith.constant 0 : i32
        %dma_start3A_106 = arith.constant 0 : i32
        %dma_start3A_107 = tpu.memref_slice %arg13[%dma_start3A, %dma_start3A_106] : memref<64x16xf32, #tpu.memory_space<vmem>> -> memref<49x16xf32, #tpu.memory_space<vmem>>
        %dma_start3A_108 = arith.constant 0 : i32
        %dma_start3A_109 = arith.constant 0 : i32
        %dma_start3A_110 = tpu.memref_slice %arg4[%rem3A_1, %add3A_105, %dma_start3A_108, %dma_start3A_109] : memref<4x1024x49x16xf32, #tpu.memory_space<hbm>> -> memref<1x1x49x16xf32, #tpu.memory_space<hbm>>
        %dma_start3A_111 = tpu.memref_squeeze %dma_start3A_110 : memref<1x1x49x16xf32, #tpu.memory_space<hbm>> -> memref<49x16xf32, #tpu.memory_space<hbm>>
        %dma_start3A_112 = arith.constant 0 : i32
        %dma_start3A_113 = arith.constant 0 : i32
        %dma_start3A_114 = tpu.memref_slice %arg4[%rem3A_1, %add3A_105, %dma_start3A_112, %dma_start3A_113] : memref<4x1024x49x16xf32, #tpu.memory_space<hbm>> -> memref<1x1x49x16xf32, #tpu.memory_space<hbm>>
        %dma_start3A_115 = tpu.memref_squeeze %dma_start3A_114 : memref<1x1x49x16xf32, #tpu.memory_space<hbm>> -> memref<49x16xf32, #tpu.memory_space<hbm>>
        %dma_start3A_116 = arith.constant 0 : i32
        %dma_start3A_117 = arith.constant 0 : i32
        %dma_start3A_118 = tpu.memref_slice %arg13[%dma_start3A_116, %dma_start3A_117] : memref<64x16xf32, #tpu.memory_space<vmem>> -> memref<49x16xf32, #tpu.memory_space<vmem>>
        tpu.enqueue_dma source(%dma_start3A_118 : memref<49x16xf32, #tpu.memory_space<vmem>>) target(%dma_start3A_115 : memref<49x16xf32, #tpu.memory_space<hbm>>) target_semaphore(%run_scoped3A : memref<!tpu.dma_semaphore, #tpu.memory_space<semaphore_mem>>)
        %dma_wait3A = arith.constant 0 : i32
        %dma_wait3A_119 = arith.constant 0 : i32
        %dma_wait3A_120 = tpu.memref_slice %arg13[%dma_wait3A, %dma_wait3A_119] : memref<64x16xf32, #tpu.memory_space<vmem>> -> memref<49x16xf32, #tpu.memory_space<vmem>>
        %dma_wait3A_121 = arith.constant 0 : i32
        %dma_wait3A_122 = arith.constant 0 : i32
        %dma_wait3A_123 = tpu.memref_slice %arg4[%rem3A_1, %add3A_105, %dma_wait3A_121, %dma_wait3A_122] : memref<4x1024x49x16xf32, #tpu.memory_space<hbm>> -> memref<1x1x49x16xf32, #tpu.memory_space<hbm>>
        %dma_wait3A_124 = tpu.memref_squeeze %dma_wait3A_123 : memref<1x1x49x16xf32, #tpu.memory_space<hbm>> -> memref<49x16xf32, #tpu.memory_space<hbm>>
        %dma_wait3A_125 = arith.constant 0 : i32
        %dma_wait3A_126 = arith.constant 0 : i32
        %dma_wait3A_127 = tpu.memref_slice %arg4[%rem3A_1, %add3A_105, %dma_wait3A_125, %dma_wait3A_126] : memref<4x1024x49x16xf32, #tpu.memory_space<hbm>> -> memref<1x1x49x16xf32, #tpu.memory_space<hbm>>
        %dma_wait3A_128 = tpu.memref_squeeze %dma_wait3A_127 : memref<1x1x49x16xf32, #tpu.memory_space<hbm>> -> memref<49x16xf32, #tpu.memory_space<hbm>>
        %dma_wait3A_129 = arith.constant 0 : i32
        %dma_wait3A_130 = arith.constant 0 : i32
        %dma_wait3A_131 = tpu.memref_slice %arg13[%dma_wait3A_129, %dma_wait3A_130] : memref<64x16xf32, #tpu.memory_space<vmem>> -> memref<49x16xf32, #tpu.memory_space<vmem>>
        tpu.wait_dma2 semaphore(%run_scoped3A : memref<!tpu.dma_semaphore, #tpu.memory_space<semaphore_mem>>) src(%dma_wait3A_131 : memref<49x16xf32, #tpu.memory_space<vmem>>) dst(%dma_wait3A_128 : memref<49x16xf32, #tpu.memory_space<hbm>>)
        tpu.yield
      }) : () -> ()
    }
    %scan3A_16 = arith.constant 128 : i32
    return
  }
}

module attributes {stable_mosaic.version = 14 : i64} {
  func.func @_head_body(%arg0: i32, %arg1: memref<256x3136xf32, #tpu.memory_space<vmem>>, %arg2: memref<3136x1024xf32, #tpu.memory_space<vmem>>, %arg3: memref<1x1024xf32, #tpu.memory_space<vmem>>, %arg4: memref<1024x21xf32, #tpu.memory_space<vmem>>, %arg5: memref<1x21xf32, #tpu.memory_space<vmem>>, %arg6: memref<256x1024xf32, #tpu.memory_space<vmem>>, %arg7: memref<256x21xf32, #tpu.memory_space<vmem>>, %arg8: memref<256x1xf32, #tpu.memory_space<vmem>>) attributes {dimension_semantics = [#tpu.dimension_semantics<arbitrary>], iteration_bounds = array<i64: 4>, scalar_prefetch = 0 : i64, scratch_operands = 0 : i64, tpu.core_type = #tpu.core_type<tc>, window_params = [{transform_indices = @transform_0, window_bounds = array<i64: 256, 3136>}, {pipeline_mode = #tpu.pipeline_mode<synchronous>, transform_indices = @transform_1, window_bounds = array<i64: 3136, 1024>}, {pipeline_mode = #tpu.pipeline_mode<synchronous>, transform_indices = @transform_2, window_bounds = array<i64: 1, 1024>}, {pipeline_mode = #tpu.pipeline_mode<synchronous>, transform_indices = @transform_3, window_bounds = array<i64: 1024, 21>}, {pipeline_mode = #tpu.pipeline_mode<synchronous>, transform_indices = @transform_4, window_bounds = array<i64: 1, 21>}, {transform_indices = @transform_5, window_bounds = array<i64: 256, 1024>}, {transform_indices = @transform_6, window_bounds = array<i64: 256, 21>}, {transform_indices = @transform_7, window_bounds = array<i64: 256, 1>}]} {
    %get3A = arith.constant 0 : index
    %get3A_0 = arith.constant 0 : index
    %get3A_1 = vector.load %arg1[%get3A, %get3A_0] : memref<256x3136xf32, #tpu.memory_space<vmem>>, vector<256x3136xf32>
    %get3A_2 = arith.constant 0 : index
    %get3A_3 = arith.constant 0 : index
    %get3A_4 = vector.load %arg2[%get3A_2, %get3A_3] : memref<3136x1024xf32, #tpu.memory_space<vmem>>, vector<3136x1024xf32>
    %dot_general3A = arith.constant dense<0.000000e+00> : vector<256x1024xf32>
    %dot_general3A_5 = tpu.matmul %get3A_1, %get3A_4, %dot_general3A {dimension_numbers = #tpu.dot_dimension_numbers<[1], [0], [0], [1], [0, 0, 1, 1], [], []>, transpose_lhs_hint = false} : vector<256x3136xf32>, vector<3136x1024xf32>, vector<256x1024xf32> -> vector<256x1024xf32>
    %get3A_6 = arith.constant 0 : index
    %get3A_7 = arith.constant 0 : index
    %get3A_8 = vector.load %arg3[%get3A_6, %get3A_7] : memref<1x1024xf32, #tpu.memory_space<vmem>>, vector<1x1024xf32>
    %add3A = vector.broadcast %get3A_8 : vector<1x1024xf32> to vector<256x1024xf32>
    %add3A_9 = arith.addf %dot_general3A_5, %add3A : vector<256x1024xf32>
    %max3A = arith.constant 0.000000e+00 : f32
    %max3A_10 = vector.broadcast %max3A : f32 to vector<256x1024xf32>
    %max3A_11 = arith.maximumf %add3A_9, %max3A_10 : vector<256x1024xf32>
    %swap3A = arith.constant 0 : index
    %swap3A_12 = arith.constant 0 : index
    %swap3A_13 = vector.load %arg6[%swap3A, %swap3A_12] : memref<256x1024xf32, #tpu.memory_space<vmem>>, vector<256x1024xf32>
    tpu.vector_store %arg6[%swap3A, %swap3A_12], %max3A_11 {strides = array<i32>} : memref<256x1024xf32, #tpu.memory_space<vmem>>, vector<256x1024xf32>,
    %get3A_14 = arith.constant 0 : index
    %get3A_15 = arith.constant 0 : index
    %get3A_16 = vector.load %arg4[%get3A_14, %get3A_15] : memref<1024x21xf32, #tpu.memory_space<vmem>>, vector<1024x21xf32>
    %dot_general3A_17 = arith.constant dense<0.000000e+00> : vector<256x21xf32>
    %dot_general3A_18 = tpu.matmul %max3A_11, %get3A_16, %dot_general3A_17 {dimension_numbers = #tpu.dot_dimension_numbers<[1], [0], [0], [1], [0, 0, 1, 1], [], []>, transpose_lhs_hint = false} : vector<256x1024xf32>, vector<1024x21xf32>, vector<256x21xf32> -> vector<256x21xf32>
    %get3A_19 = arith.constant 0 : index
    %get3A_20 = arith.constant 0 : index
    %get3A_21 = vector.load %arg5[%get3A_19, %get3A_20] : memref<1x21xf32, #tpu.memory_space<vmem>>, vector<1x21xf32>
    %add3A_22 = vector.broadcast %get3A_21 : vector<1x21xf32> to vector<256x21xf32>
    %add3A_23 = arith.addf %dot_general3A_18, %add3A_22 : vector<256x21xf32>
    %reduce_max3A = arith.constant dense<0xFF800000> : vector<256xf32>
    %reduce_max3A_24 = vector.multi_reduction <maximumf>, %add3A_23, %reduce_max3A [1] : vector<256x21xf32> to vector<256xf32>
    %broadcast_in_dim3A = vector.shape_cast %reduce_max3A_24 : vector<256xf32> to vector<256x1xf32>
    %sub3A = vector.broadcast %broadcast_in_dim3A : vector<256x1xf32> to vector<256x21xf32>
    %sub3A_25 = arith.subf %add3A_23, %sub3A : vector<256x21xf32>
    %exp3A = math.exp %sub3A_25 : vector<256x21xf32>
    %reduce_sum3A = arith.constant dense<0.000000e+00> : vector<256xf32>
    %reduce_sum3A_26 = vector.multi_reduction <add>, %exp3A, %reduce_sum3A [1] : vector<256x21xf32> to vector<256xf32>
    %broadcast_in_dim3A_27 = vector.shape_cast %reduce_sum3A_26 : vector<256xf32> to vector<256x1xf32>
    %div3A = vector.broadcast %broadcast_in_dim3A_27 : vector<256x1xf32> to vector<256x21xf32>
    %div3A_28 = arith.divf %exp3A, %div3A : vector<256x21xf32>
    %swap3A_29 = arith.constant 0 : index
    %swap3A_30 = arith.constant 0 : index
    %swap3A_31 = vector.load %arg7[%swap3A_29, %swap3A_30] : memref<256x21xf32, #tpu.memory_space<vmem>>, vector<256x21xf32>
    tpu.vector_store %arg7[%swap3A_29, %swap3A_30], %div3A_28 {strides = array<i32>} : memref<256x21xf32, #tpu.memory_space<vmem>>, vector<256x21xf32>,
    %reduce_max3A_32 = arith.constant dense<0xFF800000> : vector<256xf32>
    %reduce_max3A_33 = vector.multi_reduction <maximumf>, %div3A_28, %reduce_max3A_32 [1] : vector<256x21xf32> to vector<256xf32>
    %broadcast_in_dim3A_34 = vector.shape_cast %reduce_max3A_33 : vector<256xf32> to vector<256x1xf32>
    %slice3A = vector.extract_strided_slice %div3A_28 {offsets = [0, 0], sizes = [256, 1], strides = [1, 1]} : vector<256x21xf32> to vector<256x1xf32>
    %lt3A = arith.cmpf olt, %slice3A, %broadcast_in_dim3A_34 : vector<256x1xf32>
    %gt3A = arith.constant 5.000000e-02 : f32
    %gt3A_35 = vector.broadcast %gt3A : f32 to vector<256x1xf32>
    %gt3A_36 = arith.cmpf ogt, %broadcast_in_dim3A_34, %gt3A_35 : vector<256x1xf32>
    %and3A = arith.andi %lt3A, %gt3A_36 : vector<256x1xi1>
    %jit3A = arith.constant -1.000000e+00 : f32
    %broadcast_in_dim3A_37 = vector.broadcast %jit3A : f32 to vector<256x1xf32>
    %select_n3A = arith.select %and3A, %broadcast_in_dim3A_34, %broadcast_in_dim3A_37 : vector<256x1xi1>, vector<256x1xf32>
    %swap3A_38 = arith.constant 0 : index
    %swap3A_39 = arith.constant 0 : index
    %swap3A_40 = vector.load %arg8[%swap3A_38, %swap3A_39] : memref<256x1xf32, #tpu.memory_space<vmem>>, vector<256x1xf32>
    tpu.vector_store %arg8[%swap3A_38, %swap3A_39], %select_n3A {strides = array<i32>} : memref<256x1xf32, #tpu.memory_space<vmem>>, vector<256x1xf32>,
    return
  }
  func.func @transform_0(%arg0: i32) -> (i32, i32) {
    %c0_i32 = arith.constant 0 : i32
    %c0_i32_0 = arith.constant 0 : i32
    return %arg0, %c0_i32 : i32, i32
  }
  func.func @transform_1(%arg0: i32) -> (i32, i32) {
    %c0_i32 = arith.constant 0 : i32
    %c0_i32_0 = arith.constant 0 : i32
    %c0_i32_1 = arith.constant 0 : i32
    return %c0_i32, %c0_i32_0 : i32, i32
  }
  func.func @transform_2(%arg0: i32) -> (i32, i32) {
    %c0_i32 = arith.constant 0 : i32
    %c0_i32_0 = arith.constant 0 : i32
    %c0_i32_1 = arith.constant 0 : i32
    return %c0_i32, %c0_i32_0 : i32, i32
  }
  func.func @transform_3(%arg0: i32) -> (i32, i32) {
    %c0_i32 = arith.constant 0 : i32
    %c0_i32_0 = arith.constant 0 : i32
    %c0_i32_1 = arith.constant 0 : i32
    return %c0_i32, %c0_i32_0 : i32, i32
  }
  func.func @transform_4(%arg0: i32) -> (i32, i32) {
    %c0_i32 = arith.constant 0 : i32
    %c0_i32_0 = arith.constant 0 : i32
    %c0_i32_1 = arith.constant 0 : i32
    return %c0_i32, %c0_i32_0 : i32, i32
  }
  func.func @transform_5(%arg0: i32) -> (i32, i32) {
    %c0_i32 = arith.constant 0 : i32
    %c0_i32_0 = arith.constant 0 : i32
    return %arg0, %c0_i32 : i32, i32
  }
  func.func @transform_6(%arg0: i32) -> (i32, i32) {
    %c0_i32 = arith.constant 0 : i32
    %c0_i32_0 = arith.constant 0 : i32
    return %arg0, %c0_i32 : i32, i32
  }
  func.func @transform_7(%arg0: i32) -> (i32, i32) {
    %c0_i32 = arith.constant 0 : i32
    %c0_i32_0 = arith.constant 0 : i32
    return %arg0, %c0_i32 : i32, i32
  }
}

module attributes {stable_mosaic.version = 14 : i64} {
  func.func @_topk_body(%arg0: memref<1024x1xf32, #tpu.memory_space<vmem>>, %arg1: memref<1024x5xf32, #tpu.memory_space<vmem>>, %arg2: memref<1024x1024xf32, #tpu.memory_space<vmem>>, %arg3: memref<1024x21xf32, #tpu.memory_space<vmem>>, %arg4: memref<100x5xf32, #tpu.memory_space<vmem>>, %arg5: memref<100x1024xf32, #tpu.memory_space<vmem>>, %arg6: memref<100x21xf32, #tpu.memory_space<vmem>>) attributes {dimension_semantics = [], scalar_prefetch = 0 : i64, scratch_operands = 0 : i64, tpu.core_type = #tpu.core_type<tc>} {
    %get3A = arith.constant 0 : index
    %get3A_0 = arith.constant 0 : index
    %get3A_1 = vector.load %arg0[%get3A, %get3A_0] : memref<1024x1xf32, #tpu.memory_space<vmem>>, vector<1024x1xf32>
    %transpose3A = tpu.transpose %get3A_1, [1, 0] : vector<1024x1xf32> -> vector<1x1024xf32>
    %iota3A = tpu.iota {dimensions = array<i32: 1>} : vector<1x1024xi32>
    %scan3A = arith.constant 0 : i32
    %scan3A_2 = arith.constant 100 : i32
    %scan3A_3 = arith.addi %scan3A, %scan3A_2 : i32
    %scan3A_4 = arith.constant 1 : i32
    %scan3A_5 = scf.for %scan3A_7 = %scan3A to %scan3A_3 step %scan3A_4 iter_args(%scan3A_8 = %transpose3A) -> (vector<1x1024xf32>)  : i32 {
      %reduce_max3A = vector.shape_cast %scan3A_8 : vector<1x1024xf32> to vector<1x1x1024xf32>
      %reduce_max3A_9 = arith.constant dense<0xFF800000> : vector<1xf32>
      %reduce_max3A_10 = vector.multi_reduction <maximumf>, %reduce_max3A, %reduce_max3A_9 [1, 2] : vector<1x1x1024xf32> to vector<1xf32>
      %reduce_max3A_11 = vector.shape_cast %reduce_max3A_10 : vector<1xf32> to vector<1x1x1xf32>
      %reduce_max3A_12 = vector.extract %reduce_max3A_11[0, 0, 0] : f32 from vector<1x1x1xf32>
      %eq3A = vector.broadcast %reduce_max3A_12 : f32 to vector<1x1024xf32>
      %eq3A_13 = arith.cmpf oeq, %scan3A_8, %eq3A : vector<1x1024xf32>
      %jit3A = arith.constant 1024 : i32
      %broadcast_in_dim3A = vector.broadcast %jit3A : i32 to vector<1x1024xi32>
      %select_n3A = arith.select %eq3A_13, %iota3A, %broadcast_in_dim3A : vector<1x1024xi1>, vector<1x1024xi32>
      %reduce_min3A = vector.shape_cast %select_n3A : vector<1x1024xi32> to vector<1x1x1024xi32>
      %reduce_min3A_14 = arith.constant dense<2147483647> : vector<1xi32>
      %reduce_min3A_15 = vector.multi_reduction <minsi>, %reduce_min3A, %reduce_min3A_14 [1, 2] : vector<1x1x1024xi32> to vector<1xi32>
      %reduce_min3A_16 = vector.shape_cast %reduce_min3A_15 : vector<1xi32> to vector<1x1x1xi32>
      %reduce_min3A_17 = vector.extract %reduce_min3A_16[0, 0, 0] : i32 from vector<1x1x1xi32>
      %get3A_18 = arith.index_cast %reduce_min3A_17 : i32 to index
      %get3A_19 = arith.constant 0 : index
      %get3A_20 = vector.load %arg1[%get3A_18, %get3A_19] : memref<1024x5xf32, #tpu.memory_space<vmem>>, vector<1x5xf32>
      %swap3A = arith.index_cast %scan3A_7 : i32 to index
      %swap3A_21 = arith.constant 0 : index
      %swap3A_22 = vector.load %arg4[%swap3A, %swap3A_21] : memref<100x5xf32, #tpu.memory_space<vmem>>, vector<1x5xf32>
      tpu.vector_store %arg4[%swap3A, %swap3A_21], %get3A_20 {strides = array<i32>} : memref<100x5xf32, #tpu.memory_space<vmem>>, vector<1x5xf32>,
      %get3A_23 = arith.index_cast %reduce_min3A_17 : i32 to index
      %get3A_24 = arith.constant 0 : index
      %get3A_25 = vector.load %arg2[%get3A_23, %get3A_24] : memref<1024x1024xf32, #tpu.memory_space<vmem>>, vector<1x1024xf32>
      %swap3A_26 = arith.index_cast %scan3A_7 : i32 to index
      %swap3A_27 = arith.constant 0 : index
      %swap3A_28 = vector.load %arg5[%swap3A_26, %swap3A_27] : memref<100x1024xf32, #tpu.memory_space<vmem>>, vector<1x1024xf32>
      tpu.vector_store %arg5[%swap3A_26, %swap3A_27], %get3A_25 {strides = array<i32>} : memref<100x1024xf32, #tpu.memory_space<vmem>>, vector<1x1024xf32>,
      %get3A_29 = arith.index_cast %reduce_min3A_17 : i32 to index
      %get3A_30 = arith.constant 0 : index
      %get3A_31 = vector.load %arg3[%get3A_29, %get3A_30] : memref<1024x21xf32, #tpu.memory_space<vmem>>, vector<1x21xf32>
      %swap3A_32 = arith.index_cast %scan3A_7 : i32 to index
      %swap3A_33 = arith.constant 0 : index
      %swap3A_34 = vector.load %arg6[%swap3A_32, %swap3A_33] : memref<100x21xf32, #tpu.memory_space<vmem>>, vector<1x21xf32>
      tpu.vector_store %arg6[%swap3A_32, %swap3A_33], %get3A_31 {strides = array<i32>} : memref<100x21xf32, #tpu.memory_space<vmem>>, vector<1x21xf32>,
      %eq3A_35 = vector.broadcast %reduce_min3A_17 : i32 to vector<1x1024xi32>
      %eq3A_36 = arith.cmpi eq, %iota3A, %eq3A_35 : vector<1x1024xi32>
      %jit3A_37 = arith.constant -2.000000e+00 : f32
      %broadcast_in_dim3A_38 = vector.broadcast %jit3A_37 : f32 to vector<1x1024xf32>
      %select_n3A_39 = arith.select %eq3A_36, %broadcast_in_dim3A_38, %scan3A_8 : vector<1x1024xi1>, vector<1x1024xf32>
      scf.yield %select_n3A_39 : vector<1x1024xf32>
    }
    %scan3A_6 = arith.constant 100 : i32
    return
  }
}

</mosaic_0001>

<sc_bundles>
// kernel: kernel.5.cloned.1.call-start
scs
__scs_entry_jumppad:
0x0: {  	(pc) =	sbr.rel $0x88, $3  }
0x1: {  	(tag) =	ssettag $0x0;
	lr =	simm.s32 $0x1  }
0x2: {  	[smem:$0x3F9B] =	sst lr;
	_ =	strace $0xD0000000  }
0x3: {  	_ = 	snop  }
0x4: {  	_ = 	snop  }
0x5: {  	_ = 	snop  }
0x6: {  	_ = 	snop  }
0x7: {  	_ = 	snop  }
__scs_overlays_trampoline_lowered:
0x8: {  	[smem:$0x3FAA] =	sst s0  }
0x9: {  	[smem:$0x3FAB] =	sst s1  }
0xa: {  	[smem:$0x3FAC] =	sst s2  }
0xb: {  	[smem:$0x3FAD] =	sst s3  }
0xc: {  	[smem:$0x3FAE] =	sst s4  }
0xd: {  	[smem:$0x3FAF] =	sst s5  }
0xe: {  	[smem:$0x3FB0] =	sst s6  }
0xf: {  	[smem:$0x3FB1] =	sst s7  }
0x10: {  	[smem:$0x3FB2] =	sst s8  }
0x11: {  	[smem:$0x3FB3] =	sst s9;
	s0 =	simm.s32 @!p0 $0x0  }
0x12: {  	s1 =	sld [smem:$0x3F99];
	s0 =	simm.s32 @p0 $0x1  }
0x13: {  	[smem:$0x3FB4] =	sst s0;
	s0 =	simm.s32 @!p1 $0x0  }
0x14: {  	s2 =	sld [smem:$0x3F98];
	s0 =	simm.s32 @p1 $0x1  }
0x15: {  	[smem:$0x3FB5] =	sst s0;
	s0 =	simm.s32 @!p2 $0x0  }
0x16: {  	s3 =	sld [smem:$0x3FDB];
	s0 =	simm.s32 @p2 $0x1  }
0x17: {  	s4 =	simm.s32 $0x1BF5;
	[smem:$0x3FB7] =	sst s0  }
0x18: {  	s0 =	sld [smem:$0x3F9A];
	_ =	swait.ge [sflag:s4], $0x0  }
0x19: {  	s7 =	sld [smem:$0x3F9B]  }
0x1a: {  	s8 =	sadd.s32 $0xFFFFE003, lr  }
0x1b: {  	s9 =	sadd.s32 $0xFFFFFEF7, lr;
	s5 =	simm.s32 $0xFFFFFFFF;
	p2 =	slt.u32 s8, $0xFFFFF086  }
0x1c: {  	p1 =	slt.u32 s9, $0xF7A;
	s5 =	simm.s32 @!p2 $0x0  }
0x1d: {  	s5 =	simm.s32 @p1 $0x1;
	p0 =	seq.s32 s7, s2  }
0x1e: {  	s7 =	smul.u32 @!p0 $0xF7A, s2;
	p2 =	seq.s32 @!p0 s5, $0x0  }
0x1f: {  	s9 =	smul.u32 $0xF7A, s1;
	s8 =	simm.s32 @!p0 $0x1BF5;
	p2 =	por !p2, p0  }
0x20: {  	[sflag:s8] =	ssyncset.s32 @!p0 $0xFFFFF086;
	s6 =	sadd.s32 @!p0 s3, s7;
	s7 =	simm.s32 @!p0 $0x108  }
0x21: {  	s3 =	sadd.s32 s3, s9;
	s6 =	sadd.s32 @!p0 $0x88, s6;
	s7 =	simm.s32 @p2 $0x1082  }
0x22: {  	[simem:s7], [sflag:s8] =	dma.local @!p0 [hbm:s6], $0xF7A  }
0x23: {  	s9 =	sor.u32 $0xD0000000, s2;
	s6 =	simm.s32 $0x108;
	_ =	swait.ge @!p0 [sflag:s8], $0x0  }
0x24: {  	s3 =	sadd.s32 $0x88, s3;
	s6 =	simm.s32 @!p1 $0x1082;
	[sflag:s4] =	ssyncset.s32 $0xFFFFF086  }
0x25: {  	[simem:s6], [sflag:s4] =	dma.local [hbm:s3], $0xF7A  }
0x26: {  	[smem:$0x3F9B] =	sst s1;
	(tag) =	ssettag s2;
	_ =	strace s9  }
0x27: {  	s1 =	sld [smem:$0x3FAB]  }
0x28: {  	s2 =	sld [smem:$0x3FAC]  }
0x29: {  	s4 =	sld [smem:$0x3FAE]  }
0x2a: {  	p0 =	seq.s32 s5, $0x0;
	s5 =	sld [smem:$0x3FAF]  }
0x2b: {  	s6 =	sld [smem:$0x3FB0]  }
0x2c: {  	s7 =	sld [smem:$0x3FB1]  }
0x2d: {  	s3 =	simm.s32 $0x108;
	s8 =	sld [smem:$0x3FB2]  }
0x2e: {  	s3 =	simm.s32 @!p0 $0x1082;
	s9 =	sld [smem:$0x3FB3]  }
0x2f: {  	lr =	sadd.s32 s0, s3;
	s0 =	sld [smem:$0x3FAA]  }
0x30: {  	s3 =	sld [smem:$0x3FAD]  }
0x31: {  	[smem:$0x3FB6] =	sst s10  }
0x32: {  	s10 =	sld [smem:$0x3FB4];
	_ =	sdelay $0x3  }
0x33: {  	p0 =	seq.s32 s10, $0x1;
	s10 =	sld [smem:$0x3FB6];
	_ =	sdelay $0x3  }
0x34: {  	[smem:$0x3FB6] =	sst s10  }
0x35: {  	s10 =	sld [smem:$0x3FB5];
	_ =	sdelay $0x3  }
0x36: {  	p1 =	seq.s32 s10, $0x1;
	s10 =	sld [smem:$0x3FB6];
	_ =	sdelay $0x3  }
0x37: {  	[smem:$0x3FB6] =	sst s10  }
0x38: {  	s10 =	sld [smem:$0x3FB7]  }
0x39: {  	_ = 	snop;
	(pc) =	sbr.ind lr, $3  }
0x3a: {  	_ = 	snop  }
0x3b: {  	_ = 	snop  }
0x3c: {  	p2 =	seq.s32 s10, $0x1;
	s10 =	sld [smem:$0x3FB6]  }
0x3d: {  	_ =	shalt  }
0x3e: {  	_ =	shalt  }
0x3f: {  	_ =	shalt  }
0x40: {  	_ =	shalt  }
0x41: {  	_ =	shalt  }
0x42: {  	_ =	shalt  }
0x43: {  	_ =	shalt  }
0x44: {  	_ =	shalt  }
0x45: {  	_ =	shalt  }
0x46: {  	_ =	shalt  }
0x47: {  	_ =	shalt  }
0x48: {  	_ =	shalt  }
0x49: {  	_ =	shalt  }
0x4a: {  	_ =	shalt  }
0x4b: {  	_ =	shalt  }
0x4c: {  	_ =	shalt  }
0x4d: {  	_ =	shalt  }
0x4e: {  	_ =	shalt  }
0x4f: {  	_ =	shalt  }
0x50: {  	_ =	shalt  }
0x51: {  	_ =	shalt  }
0x52: {  	_ =	shalt  }
0x53: {  	_ =	shalt  }
0x54: {  	_ =	shalt  }
0x55: {  	_ =	shalt  }
0x56: {  	_ =	shalt  }
0x57: {  	_ =	shalt  }
0x58: {  	_ =	shalt  }
0x59: {  	_ =	shalt  }
0x5a: {  	_ =	shalt  }
0x5b: {  	_ =	shalt  }
0x5c: {  	_ =	shalt  }
0x5d: {  	_ =	shalt  }
0x5e: {  	_ =	shalt  }
0x5f: {  	_ =	shalt  }
0x60: {  	_ =	shalt  }
0x61: {  	_ =	shalt  }
0x62: {  	_ =	shalt  }
0x63: {  	_ =	shalt  }
0x64: {  	_ =	shalt  }
0x65: {  	_ =	shalt  }
0x66: {  	_ =	shalt  }
0x67: {  	_ =	shalt  }
0x68: {  	_ =	shalt  }
0x69: {  	_ =	shalt  }
0x6a: {  	_ =	shalt  }
0x6b: {  	_ =	shalt  }
0x6c: {  	_ =	shalt  }
0x6d: {  	_ =	shalt  }
0x6e: {  	_ =	shalt  }
0x6f: {  	_ =	shalt  }
0x70: {  	_ =	shalt  }
0x71: {  	_ =	shalt  }
0x72: {  	_ =	shalt  }
0x73: {  	_ =	shalt  }
0x74: {  	_ =	shalt  }
0x75: {  	_ =	shalt  }
0x76: {  	_ =	shalt  }
0x77: {  	_ =	shalt  }
0x78: {  	_ =	shalt  }
0x79: {  	_ =	shalt  }
0x7a: {  	_ =	shalt  }
0x7b: {  	_ =	shalt  }
0x7c: {  	_ =	shalt  }
0x7d: {  	_ =	shalt  }
0x7e: {  	_ =	shalt  }
0x7f: {  	_ =	shalt  }
0x80: {  	_ =	shalt  }
0x81: {  	_ =	shalt  }
0x82: {  	_ =	shalt  }
0x83: {  	_ =	shalt  }
0x84: {  	_ =	shalt  }
0x85: {  	_ =	shalt  }
0x86: {  	_ =	shalt  }
0x87: {  	_ =	shalt  }
.Lfunc_end0:
.L_simem_size_0:
called_computation_lowered:
.L_overlay_start_0:
0x88: {  	s2 =	sld [smem:$0x3FD9]  }
0x89: {  	s3 =	sld [smem:$0x3FFE];
	_ =	sdelay $0x1  }
0x8a: {  	s1 =	srdreg.scid  }
0x8b: {  	s0 =	sand.u32 $0x1, s1  }
0x8c: {  	s16 =	sshll.u32 s0, $0xA;
	s2 =	sadd.s32 s3, s2  }
0x8d: {  	s2 =	sadd.s32 s2, s16  }
0x8e: {  	[smem:$0x3FC2] =	sst s2  }
0x8f: {  	_ = 	snop  }
0x90: {  	(tm) =	ssettm $0x1  }
0x91: {  	s17 =	sld [smem:$0x3FFB];
	_ =	sdelay $0x3  }
0x92: {  	_ =	strace s17  }
0x93: {  	s2 =	sld [smem:$0x3FFC];
	_ =	sdelay $0x3  }
0x94: {  	_ =	strace s2  }
0x95: {  	s2 =	sld [smem:$0x3FFD];
	_ =	sdelay $0x3  }
0x96: {  	_ =	strace s2  }
0x97: {  	_ =	strace $0x8FFFFFFF  }
0x98: {  	s18 =	sld [smem:$0x3FDB];
	_ =	sdelay $0x1  }
0x99: {  	s19 =	simm.s32 $_scs_section_size  }
0x9a: {  	s4 =	simm.s32 $_size__tile_overlayer_lowered;
	s5 =	simm.s32 $_tile_overlayer_lowered  }
0x9b: {  	s22 =	simm.s32 $0x1BFF;
	s21 =	sshll.u32 s5, $0x1;
	s2 =	sadd.s32 s19, s18  }
0x9c: {  	s6 =	simm.s32 $0x0;
	s20 =	sshll.u32 s4, $0x1;
	s4 =	sadd.s32 s21, s2  }
0x9d: {  	[timem:s6], [sflag:s22] =	dma.local [hbm:s4], s20  }
0x9e: {  	_ =	swait.ge [sflag:s22], s20  }
0x9f: {  	s3 =	ssub.s32 $0x0, s20;
	[sflag:s22] =	ssyncset.done $0x0  }
0xa0: {  	[sflag:s22] =	ssyncadd.s32 s3;
	_ =	sdelay $0x1  }
0xa1: {  	s23 =	simm.s32 $0x1B8B  }
0xa2: {  	_ =	swait.ge [sflag:s23], $0x1  }
0xa3: {  	[sflag:s23] =	ssyncset.done $0x0  }
0xa4: {  	s25 =	simm.s32 $0x1B8E;
	s24 =	sld [smem:$0x3FFE];
	[sflag:s23] =	ssyncadd.s32 $0xFFFFFFFF  }
0xa5: {  	s26 =	simm.s32 $execute0_lowered;
	[smem:$0x3FD2] =	sst s25  }
0xa6: {  	s4 =	sshll.u32 s26, $0x1;
	_ =	strace $0x80000046;
	[dreg:$0x1] =	wrdreg $0xFFFFFFFF  }
0xa7: {  	s28 =	simm.s32 $_size_execute0_lowered;
	s2 =	sadd.s32 s2, s4;
	[dreg:$0x0] =	wrdreg $0x0  }
0xa8: {  	s4 =	sshll.u32 s28, $0x1;
	[dreg:$0x2] =	wrdreg s2  }
0xa9: {  	[dreg:$0x3] =	wrdreg s4  }
0xaa: {  	[dreg:$0x4] =	wrdreg $0xC0  }
0xab: {  	_ =	task [dreg:s6], $0x5FFFF  }
0xac: {  	[dreg:$0x1] =	wrdreg $0xFFFFFFFF  }
0xad: {  	[dreg:$0x0] =	wrdreg $0x60  }
0xae: {  	[dreg:$0x2] =	wrdreg s24  }
0xaf: {  	[dreg:$0x3] =	wrdreg $0x9  }
0xb0: {  	_ =	task.clear_ibuf [dreg:s6], $0x4FFFF;
	_ =	strace $0x90000046  }
0xb1: {  	s29 =	simm.s32 $0x9;
	_ =	strace $0x80000048  }
0xb2: {  	_ =	swait.ge [sflag:s29], $0x1  }
0xb3: {  	[sflag:s29] =	ssyncadd.s32 $0xFFFFFFFF  }
0xb4: {  	_ =	strace $0x90000048  }
0xb5: {  	_ =	sfence  }
0xb6: {  	s30 =	sld [smem:$0x0];
	_ =	sdelay $0x2  }
0xb7: {  	s31 =	sshll.u32 s1, $0xD;
	s1 =	sshrl.u32 s1, $0x2  }
0xb8: {  	s3 =	sand.u32 $0x4000, s31;
	s1 =	sadd.s32 s1, s30  }
0xb9: {  	s0 =	sor.u32 s3, s0;
	s1 =	sshll.u32 s1, $0x11  }
0xba: {  	s0 =	sor.u32 s1, s0  }
0xbb: {  	s0 =	sadd.s32 $0x8F2B, s0  }
0xbc: {  	[sflag:s0] =	ssyncadd.remote.s32 $0x1  }
0xbd: {  	_ =	sfence.sel $0xFFFF  }
0xbe: {  	[dreg:$0x0] =	wrdreg $0xFFFFFFFF;
	(pc) =	sbr.abs _section_cstart, $3  }
0xbf: {  	[dreg:$0x1] =	wrdreg $0xFFFFFFFF  }
0xc0: {  	_ =	task.clear_ibuf [dreg:s6], $0x2FFFF;
	_ =	strace $0x9FFFFFFF  }
0xc1: {  	(tm) =	ssettm $0x7FFFFFFF  }
tec
execute0_lowered:
.L_overlay_start_1:
0x0: {  	(tag) =	ssettag $0x1  }
0x1: {  	v0 =	vimm.f32 $7.750000000e+00;
	vm0 =	vcmask $0x300  }
0x2: {  	vm14 =	vcmask $0x704;
	v0 =	vsel vm0, $0x3E800000, v0  }
0x3: {  	vm15 =	vcmask $0xB08;
	v0 =	vsel vm14, $0x3F400000, v0  }
0x4: {  	vm4 =	vcmask $0xF0C;
	v0 =	vsel vm15, $0x3FA00000, v0  }
0x5: {  	s3 =	rddreg [dreg:$0x0];
	s2 =	simm.s32 $0x0;
	vm5 =	vcmask $0x1310;
	v0 =	vsel vm4, $0x3FE00000, v0  }
0x6: {  	vm6 =	vcmask $0x1714;
	[smem:$0x7FF] =	sst s2;
	v0 =	vsel vm5, $0x40100000, v0  }
0x7: {  	s0 =	rddreg [dreg:$0x1];
	v1 =	vimm.f32 $7.000000000e+00;
	vm7 =	vcmask $0x1B18;
	_ =	strace $0x80000047;
	v0 =	vsel vm6, $0x40300000, v0  }
0x8: {  	s1 =	stileid.u32;
	s4 =	srdreg.scid;
	vm8 =	vcmask $0x1F1C;
	s10 =	simm.s32 $0x19000;
	(erf) = vrcp.f32 v1;
	v0 =	vsel vm7, $0x40500000, v0  }
0x9: {  	vm9 =	vcmask $0x2320;
	s11 =	simm.s32 $0x1D000;
	s12 =	simm.s32 $0x1D080;
	s13 =	simm.s32 $0x1D100;
	v0 =	vsel vm8, $0x40700000, v0  }
0xa: {  	vm10 =	vcmask $0x2724;
	s14 =	simm.s32 $0x1D180;
	s15 =	simm.s32 $0x1D200;
	s16 =	simm.s32 $0x1D280;
	v0 =	vsel vm9, $0x40880000, v0  }
0xb: {  	vm11 =	vcmask $0x2B28;
	s17 =	simm.s32 $0x1D300;
	s18 =	simm.s32 $0x0;
	s5 =	sshll.u32 s1, $0x1;
	v0 =	vsel vm10, $0x40980000, v0  }
0xc: {  	vm12 =	vcmask $0x2F2C;
	s4 =	sand.u32 $0x1, s4;
	s6 =	sshrl.u32 s1, $0x1;
	s5 =	sand.u32 $0x2, s5;
	v0 =	vsel vm11, $0x40A80000, v0  }
0xd: {  	vm13 =	vcmask $0x3330;
	s8 =	sshll.u32 s6, $0xB;
	s7 =	sor.u32 s4, s5;
	s4 =	ssub.s32 $0x2, s4;
	v0 =	vsel vm12, $0x40B80000, v0  }
0xe: {  	s8 =	sadd.s32 s8, s3;
	s5 =	smul.u32 $0x3200, s7;
	s9 =	sshrl.u32 s4, $0x1;
	v0 =	vsel vm13, $0x40C80000, v0  }
0xf: {  	vm14 =	vcmask $0x3734;
	s7 =	smul.u32 $0x700000, s7;
	s9 =	ssub.s32 s4, s9;
	s4 =	sshll.u32 s6, $0x7  }
0x10: {  	vm15 =	vcmask $0x3B38;
	s6 =	sadd.s32 $0x2000, s8;
	s5 =	sadd.s32 s5, s3;
	s3 =	sadd.s32 $0x12800, s3;
	v1 =	vsel vm14, $0x40D80000, v0  }
0x11: {  	v2 =	vlaneseq.u32;
	s8 =	smax.u32 s9, $0x1;
	s9 =	simm.s32 $0x1;
	s5 =	sadd.s32 $0x6000, s5;
	v1 =	vsel vm15, $0x40E80000, v1;
	v0 =	vpop (erf)  }
.LBB2_1:
0x12: {  	[tilespmem:s2], [sflag:$0x1] =	stream.linear.gather [hbm4b:s5+s2], $0x19000, $0x38;
	[tilespmem:$0x1F300] =	vst v63  }
0x13: {  	_ =	swait.ge [sflag:s9], $0x19000  }
0x14: {  	[sflag:s9] =	ssyncset.done $0x0  }
0x15: {  	[sflag:s9] =	ssyncadd.s32 $0xFFFE7000  }
0x16: {  	[tilespmem:s10], [sflag:$0x1] =	stream.linear.gather [hbm4b:s6+s2], $0x4000, $0x38;
	[tilespmem:$0x1F300] =	vst v63  }
0x17: {  	_ =	swait.ge [sflag:s9], $0x4000  }
0x18: {  	[sflag:s9] =	ssyncset.done $0x0  }
0x19: {  	s19 =	simm.s32 $0x0;
	[sflag:s9] =	ssyncadd.s32 $0xFFFFC000  }
.LBB2_2:
0x1a: {  	s20 =	sshll.u32 s19, $0x7  }
0x1b: {  	v3 =	vmov s20  }
0x1c: {  	v4 =	vor.u32 $0x2, v3  }
0x1d: {  	v5 =	vor.u32 $0x4, v3  }
0x1e: {  	v6 =	vor.u32 $0x1, v3  }
0x1f: {  	v3 =	vor.u32 $0x3, v3;
	_ =	sdelay $0x1  }
0x20: {  	v4 =	vld.idx.msk [tilespmem:v4+s10+$0x0], $0xffff  }
0x21: {  	v5 =	vld.idx.msk [tilespmem:v5+s10+$0x0], $0xffff  }
0x22: {  	v6 =	vld.idx.msk [tilespmem:v6+s10+$0x0], $0xffff  }
0x23: {  	v3 =	vld.idx.msk [tilespmem:v3+s10+$0x0], $0xffff;
	_ =	sdelay $0x3  }
0x24: {  	v4 =	vmul.f32 $6.250000000e-02, v4;
	v5 =	vmul.f32 $6.250000000e-02, v5  }
0x25: {  	v6 =	vmul.f32 $6.250000000e-02, v6;
	v3 =	vmul.f32 $6.250000000e-02, v3  }
0x26: {  	v5 =	vsub.f32 v5, v4  }
0x27: {  	v3 =	vsub.f32 v3, v6  }
0x28: {  	v5 =	vmax.f32 v5, $1.000000000e+00  }
0x29: {  	v3 =	vmax.f32 v3, $1.000000000e+00;
	v5 =	vmul.f32 v5, v0  }
0x2a: {  	v3 =	vmul.f32 v3, v0  }
0x2b: {  	v5 =	vmul.f32 v1, v5  }
0x2c: {  	v3 =	vmul.f32 v1, v3  }
0x2d: {  	v4 =	vadd.f32 v5, v4  }
0x2e: {  	v3 =	vadd.f32 v3, v6  }
0x2f: {  	v4 =	vmax.f32 v4, $0.0e+00  }
0x30: {  	v3 =	vmax.f32 v3, $0.0e+00;
	v4 =	vmin.f32 v4, $4.900000000e+01  }
0x31: {  	v3 =	vmin.f32 v3, $7.400000000e+01;
	v58 =	vtrunc.f32 v4  }
0x32: {  	v59 =	vtrunc.f32 v3;
	v5 =	vcvt.f32.s32 v58  }
0x33: {  	v6 =	vcvt.f32.s32 v59  }
0x34: {  	v8 =	vadd.s32 $0x1, v5  }
0x35: {  	v7 =	vcvt.s32.f32 v5;
	[tilespmem:$0x1D000] =	vst v5;
	v62 =	vadd.s32 $0x1, v6;
	vm0 =	vlt.s32 v8, $0x31  }
0x36: {  	v61 =	vcvt.s32.f32 v6;
	[tilespmem:$0x1D180] =	vst v6;
	vm15 =	vlt.s32 v62, $0x4A;
	v60 =	vnsel vm0, $0x31, v8  }
0x37: {  	v4 =	vsub.f32 v4, v7;
	v63 =	vnsel vm15, $0x4A, v62;
	[tilespmem:$0x1D080] =	vst v60  }
0x38: {  	v3 =	vsub.f32 v3, v61;
	[tilespmem:$0x1D200] =	vst v63  }
0x39: {  	[tilespmem:$0x1D100] =	vst v4  }
0x3a: {  	s20 =	simm.s32 $0x0;
	[tilespmem:$0x1D280] =	vst v3  }
.LBB2_3:
0x3b: {  	v3 =	vor.u32 s20, v2  }
0x3c: {  	vm0 =	vlt.s32 v3, $0x30  }
0x3d: {  	v3 =	vnsel vm0, $0x30, v3  }
0x3e: {  	v4 =	vmulhi.u32 $0x24924925, v3;
	_ =	sdelay $0x1  }
0x3f: {  	v5 =	vsub.s32 v3, v4  }
0x40: {  	v5 =	vshrl.u32 v5, $0x1  }
0x41: {  	v4 =	vadd.s32 v4, v5  }
0x42: {  	v4 =	vshrl.u32 v4, $0x2  }
0x43: {  	v48 =	vmul.u32 $0xFFFFFFF9, v4  }
0x44: {  	v27 =	vshll.u32 v4, $0x1  }
0x45: {  	v49 =	vadd.s32 v3, v48  }
0x46: {  	v14 =	vshll.u32 v49, $0x1;
	_ =	sdelay $0x2  }
0x47: {  	v50 =	vld.idx.msk [tilespmem:v27+s11+$0x0], $0xffff  }
0x48: {  	v6 =	vld.idx.msk [tilespmem:v27+s12+$0x0], $0xffff  }
0x49: {  	v4 =	vld.idx.msk [tilespmem:v14+s14+$0x0], $0xffff  }
0x4a: {  	v15 =	vld.idx.msk [tilespmem:v14+s15+$0x0], $0xffff;
	_ =	sdelay $0x3  }
0x4b: {  	v13 =	vshll.u32 v50, $0x7;
	v9 =	vshll.u32 v6, $0x7  }
0x4c: {  	v5 =	vadd.s32 v13, v4;
	v7 =	vadd.s32 v13, v15;
	v19 =	vand.u32 $0x7F, v4  }
0x4d: {  	v53 =	vadd.s32 v9, v4;
	v8 =	vadd.s32 v9, v15;
	v5 =	vshll.u32 v5, $0x3  }
0x4e: {  	v51 =	vshll.u32 v7, $0x3;
	v7 =	vand.u32 $0x7F, v15;
	v5 =	vand.u32 $0xFFFFFC00, v5  }
0x4f: {  	v6 =	vshll.u32 v53, $0x3;
	v52 =	vand.u32 $0xFFFFFC00, v51;
	v10 =	vor.u32 v19, v5  }
0x50: {  	v12 =	vshll.u32 v8, $0x3;
	v6 =	vand.u32 $0xFFFFFC00, v6;
	v11 =	vor.u32 v7, v52  }
0x51: {  	v54 =	vand.u32 $0xFFFFFC00, v12;
	v25 =	vor.u32 v19, v6  }
0x52: {  	v8 =	vld.idx.msk [tilespmem:v14+s16+$0x0], $0xffff;
	v26 =	vor.u32 v7, v54  }
0x53: {  	v5 =	vld.idx.msk [tilespmem:v27+s13+$0x0], $0xffff;
	v18 =	vor.u32 $0x80, v10  }
0x54: {  	v20 =	vor.u32 $0x80, v11;
	v16 =	vld.idx.msk [tilespmem:v10+s2+$0x0], $0xffff  }
0x55: {  	v24 =	vor.u32 $0x100, v10;
	v17 =	vld.idx.msk [tilespmem:v11+s2+$0x0], $0xffff  }
0x56: {  	v28 =	vor.u32 $0x100, v11;
	v21 =	vld.idx.msk [tilespmem:v25+s2+$0x0], $0xffff  }
0x57: {  	v29 =	vor.u32 $0x80, v26;
	v22 =	vld.idx.msk [tilespmem:v26+s2+$0x0], $0xffff  }
0x58: {  	v31 =	vor.u32 $0x180, v11;
	v18 =	vld.idx.msk [tilespmem:v18+s2+$0x0], $0xffff  }
0x59: {  	v59 =	vor.u32 $0x100, v26;
	v20 =	vld.idx.msk [tilespmem:v20+s2+$0x0], $0xffff  }
0x5a: {  	v61 =	vor.u32 $0x180, v25;
	v24 =	vld.idx.msk [tilespmem:v24+s2+$0x0], $0xffff  }
0x5b: {  	v32 =	vor.u32 $0x200, v10;
	v28 =	vld.idx.msk [tilespmem:v28+s2+$0x0], $0xffff  }
0x5c: {  	v33 =	vor.u32 $0x200, v11;
	v58 =	vld.idx.msk [tilespmem:v29+s2+$0x0], $0xffff  }
0x5d: {  	v35 =	vor.u32 $0x200, v26;
	v31 =	vld.idx.msk [tilespmem:v31+s2+$0x0], $0xffff  }
0x5e: {  	v53 =	vor.u32 $0x300, v11;
	v29 =	vld.idx.msk [tilespmem:v59+s2+$0x0], $0xffff  }
0x5f: {  	v6 =	vsub.f32 $1.000000000e+00, v5;
	v37 =	vld.idx.msk [tilespmem:v61+s2+$0x0], $0xffff  }
0x60: {  	v42 =	vld.idx.msk [tilespmem:v32+s2+$0x0], $0xffff  }
0x61: {  	v40 =	vor.u32 $0x200, v25;
	v33 =	vld.idx.msk [tilespmem:v33+s2+$0x0], $0xffff;
	v16 =	vmul.f32 v16, v6  }
0x62: {  	v35 =	vld.idx.msk [tilespmem:v35+s2+$0x0], $0xffff;
	v17 =	vmul.f32 v17, v6;
	v21 =	vmul.f32 v21, v5  }
0x63: {  	v43 =	vor.u32 $0x280, v10;
	v61 =	vld.idx.msk [tilespmem:v53+s2+$0x0], $0xffff;
	v22 =	vmul.f32 v22, v5;
	v18 =	vmul.f32 v18, v6  }
0x64: {  	v23 =	vor.u32 $0x80, v25;
	v20 =	vmul.f32 v20, v6;
	v24 =	vmul.f32 v24, v6  }
0x65: {  	v56 =	vor.u32 $0x100, v25;
	v28 =	vmul.f32 v28, v6;
	v41 =	vmul.f32 v31, v6  }
0x66: {  	v30 =	vor.u32 $0x180, v10;
	v47 =	vld.idx.msk [tilespmem:v40+s2+$0x0], $0xffff;
	v29 =	vmul.f32 v29, v5;
	v45 =	vmul.f32 v37, v5  }
0x67: {  	v12 =	vsub.f32 $1.000000000e+00, v8;
	v31 =	vmul.f32 v42, v6;
	v51 =	vmul.f32 v33, v6  }
0x68: {  	v63 =	vor.u32 $0x180, v26;
	v49 =	vld.idx.msk [tilespmem:v43+s2+$0x0], $0xffff;
	v35 =	vmul.f32 v35, v5;
	v43 =	vmul.f32 v61, v6  }
0x69: {  	v48 =	vor.u32 $0x280, v25;
	v16 =	vmul.f32 v16, v12;
	v17 =	vmul.f32 v17, v8  }
0x6a: {  	v27 =	vor.u32 $0x1, v27;
	v55 =	vld.idx.msk [tilespmem:v23+s2+$0x0], $0xffff;
	v21 =	vmul.f32 v21, v12;
	v57 =	vmul.f32 v22, v8  }
0x6b: {  	v34 =	vor.u32 $0x280, v11;
	v60 =	vld.idx.msk [tilespmem:v56+s2+$0x0], $0xffff;
	v22 =	vmul.f32 v58, v5;
	v58 =	vmul.f32 v47, v5  }
0x6c: {  	v50 =	vor.u32 $0x300, v10;
	v62 =	vld.idx.msk [tilespmem:v30+s2+$0x0], $0xffff;
	v18 =	vmul.f32 v18, v12;
	v20 =	vmul.f32 v20, v8  }
0x6d: {  	v39 =	vld.idx.msk [tilespmem:v63+s2+$0x0], $0xffff;
	v59 =	vor.u32 $0x300, v26;
	v24 =	vmul.f32 v24, v12;
	v28 =	vmul.f32 v28, v8  }
0x6e: {  	v56 =	vld.idx.msk [tilespmem:v48+s2+$0x0], $0xffff;
	v48 =	vadd.s32 $0xC800, v11;
	v30 =	vmul.f32 v41, v8;
	v46 =	vmul.f32 v29, v8  }
0x6f: {  	v53 =	vadd.s32 $0xC800, v25;
	v54 =	vmul.f32 v31, v12;
	v29 =	vmul.f32 v49, v6  }
0x70: {  	v52 =	vld.idx.msk [tilespmem:v34+s2+$0x0], $0xffff;
	v42 =	vor.u32 $0x380, v25;
	v40 =	vmul.f32 v35, v8;
	v32 =	vmul.f32 v43, v8  }
0x71: {  	v16 =	vadd.f32 v17, v16;
	v17 =	vmul.f32 v55, v5;
	v36 =	vmul.f32 v22, v8  }
0x72: {  	v55 =	vmul.f32 v51, v8;
	v37 =	vmul.f32 v58, v12;
	v18 =	vadd.f32 v20, v18  }
0x73: {  	v41 =	vld.idx.msk [tilespmem:v59+s2+$0x0], $0xffff;
	v38 =	vadd.f32 v28, v24;
	v20 =	vmul.f32 v62, v6;
	v24 =	vmul.f32 v39, v5  }
0x74: {  	v49 =	vor.u32 $0x380, v26;
	v63 =	vmul.f32 v29, v12;
	v17 =	vmul.f32 v17, v12  }
0x75: {  	v16 =	vadd.f32 v21, v16;
	v21 =	vmul.f32 v60, v5;
	v60 =	vmul.f32 v52, v6  }
0x76: {  	v62 =	vor.u32 $0x380, v10;
	v20 =	vmul.f32 v20, v12;
	v24 =	vmul.f32 v24, v8  }
0x77: {  	v31 =	vld.idx.msk [tilespmem:v42+s2+$0x0], $0xffff;
	v16 =	vadd.f32 v57, v16;
	v17 =	vadd.f32 v17, v18;
	v21 =	vmul.f32 v21, v12  }
0x78: {  	v57 =	vor.u32 $0x300, v25;
	v39 =	vmul.f32 v60, v8;
	v29 =	vmul.f32 v41, v5  }
0x79: {  	v41 =	vadd.s32 $0xC980, v26;
	v20 =	vadd.f32 v30, v20;
	v16 =	vadd.f32 $0.0e+00, v16  }
0x7a: {  	v17 =	vadd.f32 v36, v17;
	v44 =	vadd.f32 v21, v38;
	v21 =	vmul.f32 v45, v12  }
0x7b: {  	v30 =	vld.idx.msk [tilespmem:v50+s2+$0x0], $0xffff;
	v36 =	vor.u32 $0x280, v26;
	v38 =	vor.u32 $0x380, v11;
	v45 =	vadd.s32 $0xC800, v10  }
0x7c: {  	v60 =	vld.idx.msk [tilespmem:v53+s2+$0x0], $0xffff;
	v61 =	vmul.f32 v31, v5;
	v21 =	vadd.f32 v21, v20;
	v18 =	vadd.f32 v46, v44  }
0x7d: {  	v20 =	vadd.f32 $0.0e+00, v17;
	v17 =	vadd.f32 v55, v54;
	v44 =	vld.idx.msk [tilespmem:v62+s2+$0x0], $0xffff;
	v54 =	vadd.s32 $0xC800, v26  }
0x7e: {  	v55 =	vmul.f32 v29, v8;
	v28 =	vld.idx.msk [tilespmem:v57+s2+$0x0], $0xffff;
	v21 =	vadd.f32 v24, v21;
	v23 =	vadd.f32 $0.0e+00, v18  }
0x7f: {  	v57 =	vadd.s32 $0xC880, v11;
	v17 =	vadd.f32 v37, v17;
	v18 =	vadd.f32 v39, v63;
	v37 =	vld.idx.msk [tilespmem:v48+s2+$0x0], $0xffff  }
0x80: {  	v24 =	vmul.f32 v56, v5;
	v30 =	vmul.f32 v30, v6;
	v39 =	vadd.s32 $0xC880, v10;
	v56 =	vld.idx.msk [tilespmem:v49+s2+$0x0], $0xffff  }
0x81: {  	v63 =	vadd.s32 $0xC880, v25;
	v48 =	vadd.s32 $0xC900, v11;
	v34 =	vld.idx.msk [tilespmem:v45+s2+$0x0], $0xffff;
	v45 =	vadd.s32 $0xC880, v26  }
0x82: {  	v36 =	vld.idx.msk [tilespmem:v36+s2+$0x0], $0xffff;
	v22 =	vadd.f32 $0.0e+00, v21;
	v24 =	vmul.f32 v24, v12;
	v30 =	vmul.f32 v30, v12  }
0x83: {  	v47 =	vld.idx.msk [tilespmem:v38+s2+$0x0], $0xffff;
	v17 =	vadd.f32 v40, v17;
	v40 =	vadd.s32 $0xCA00, v11;
	v33 =	vmul.f32 v44, v6  }
0x84: {  	v18 =	vadd.f32 v24, v18;
	v50 =	vmul.f32 v28, v5;
	v28 =	vmul.f32 v61, v12  }
0x85: {  	v52 =	vadd.f32 v32, v30;
	v24 =	vmul.f32 v60, v5;
	v58 =	vmul.f32 v33, v12  }
0x86: {  	v30 =	vadd.f32 $0.0e+00, v17;
	v43 =	vmul.f32 v37, v6;
	v29 =	vmul.f32 v56, v5  }
0x87: {  	v62 =	vld.idx.msk [tilespmem:v54+s2+$0x0], $0xffff;
	v60 =	vadd.s32 $0xC980, v11;
	v46 =	vmul.f32 v36, v5;
	v21 =	vmul.f32 v50, v12  }
0x88: {  	v32 =	vld.idx.msk [tilespmem:v63+s2+$0x0], $0xffff;
	v63 =	vadd.s32 $0xCA00, v10;
	v36 =	vmul.f32 v47, v6;
	v42 =	vmul.f32 v34, v6  }
0x89: {  	v41 =	vld.idx.msk [tilespmem:v41+s2+$0x0], $0xffff;
	v47 =	vadd.s32 $0xC900, v10;
	v24 =	vmul.f32 v24, v12;
	v34 =	vmul.f32 v43, v8  }
0x8a: {  	v44 =	vld.idx.msk [tilespmem:v39+s2+$0x0], $0xffff;
	v49 =	vmul.f32 v29, v8;
	v43 =	vadd.s32 $0xCA80, v25;
	v51 =	vmul.f32 v46, v8  }
0x8b: {  	v56 =	vld.idx.msk [tilespmem:v48+s2+$0x0], $0xffff;
	v21 =	vadd.f32 v21, v52;
	v59 =	vmul.f32 v36, v8;
	v33 =	vmul.f32 v42, v12  }
0x8c: {  	v46 =	vld.idx.msk [tilespmem:v57+s2+$0x0], $0xffff;
	v31 =	vmul.f32 v62, v5;
	v52 =	vadd.s32 $0xC900, v25;
	v57 =	vadd.s32 $0xC900, v26  }
0x8d: {  	v62 =	vadd.s32 $0xC980, v25;
	v18 =	vadd.f32 v51, v18;
	v21 =	vadd.f32 v55, v21  }
0x8e: {  	v42 =	vadd.s32 $0xCA00, v25;
	v17 =	vadd.f32 v59, v58;
	v50 =	vadd.f32 v34, v33  }
0x8f: {  	v51 =	vld.idx.msk [tilespmem:v45+s2+$0x0], $0xffff;
	v53 =	vmul.f32 v44, v6;
	v31 =	vmul.f32 v31, v8;
	v58 =	vadd.s32 $0xC980, v10  }
0x90: {  	v59 =	vmul.f32 v32, v5;
	v37 =	vmul.f32 v56, v6;
	v32 =	vld.idx.msk [tilespmem:v60+s2+$0x0], $0xffff;
	v44 =	vadd.s32 $0xCB00, v11  }
0x91: {  	v56 =	vmul.f32 v41, v5;
	v55 =	vld.idx.msk [tilespmem:v47+s2+$0x0], $0xffff;
	v47 =	vadd.s32 $0xCA80, v10;
	v18 =	vadd.f32 $0.0e+00, v18  }
0x92: {  	v21 =	vadd.f32 $0.0e+00, v21;
	v17 =	vadd.f32 v28, v17;
	v54 =	vmul.f32 v46, v6;
	v61 =	vld.idx.msk [tilespmem:v52+s2+$0x0], $0xffff  }
0x93: {  	v29 =	vadd.f32 v24, v50;
	v28 =	vmul.f32 v53, v12;
	v37 =	vmul.f32 v37, v8;
	v38 =	vld.idx.msk [tilespmem:v57+s2+$0x0], $0xffff  }
0x94: {  	v46 =	vld.idx.msk [tilespmem:v62+s2+$0x0], $0xffff;
	v52 =	vadd.s32 $0xCA00, v26;
	v17 =	vadd.f32 v49, v17;
	v35 =	vmul.f32 v54, v8  }
0x95: {  	v29 =	vadd.f32 v31, v29;
	v33 =	vmul.f32 v51, v5;
	v39 =	vld.idx.msk [tilespmem:v58+s2+$0x0], $0xffff;
	v32 =	vmul.f32 v32, v6  }
0x96: {  	v51 =	vld.idx.msk [tilespmem:v40+s2+$0x0], $0xffff;
	v24 =	vadd.f32 $0.0e+00, v17;
	v17 =	vmul.f32 v59, v12;
	v36 =	vmul.f32 v55, v6  }
0x97: {  	v49 =	vadd.s32 $0xCA80, v11;
	v54 =	vld.idx.msk [tilespmem:v42+s2+$0x0], $0xffff;
	v33 =	vmul.f32 v33, v8;
	v32 =	vmul.f32 v32, v8  }
0x98: {  	v60 =	vld.idx.msk [tilespmem:v44+s2+$0x0], $0xffff;
	v28 =	vadd.f32 v35, v28;
	v36 =	vmul.f32 v36, v12;
	v45 =	vmul.f32 v61, v5  }
0x99: {  	v55 =	vadd.s32 $0xCB00, v10;
	v50 =	vmul.f32 v38, v5;
	v31 =	vmul.f32 v46, v5  }
0x9a: {  	v34 =	vld.idx.msk [tilespmem:v47+s2+$0x0], $0xffff;
	v17 =	vadd.f32 v17, v28;
	v28 =	vadd.f32 $0.0e+00, v29;
	v29 =	vmul.f32 v45, v12  }
0x9b: {  	v62 =	vadd.s32 $0xCB00, v25;
	v35 =	vld.idx.msk [tilespmem:v63+s2+$0x0], $0xffff;
	v39 =	vmul.f32 v39, v6;
	v53 =	vmul.f32 v50, v8  }
0x9c: {  	v57 =	vld.idx.msk [tilespmem:v43+s2+$0x0], $0xffff;
	v48 =	vadd.f32 v37, v36;
	v31 =	vmul.f32 v31, v12;
	v38 =	vmul.f32 v51, v6  }
0x9d: {  	v40 =	vld.idx.msk [tilespmem:v52+s2+$0x0], $0xffff;
	v45 =	vadd.s32 $0xCA80, v26;
	v37 =	vmul.f32 v54, v5;
	v52 =	vmul.f32 v60, v6  }
0x9e: {  	v36 =	vld.idx.msk [tilespmem:v49+s2+$0x0], $0xffff;
	v60 =	vadd.s32 $0xCB80, v25;
	v17 =	vadd.f32 v33, v17;
	v33 =	vmul.f32 v56, v8  }
0x9f: {  	v34 =	vmul.f32 v34, v6;
	v58 =	vld.idx.msk [tilespmem:v55+s2+$0x0], $0xffff;
	v55 =	vadd.s32 $0xCB00, v26;
	v56 =	vadd.s32 $0xCB80, v10  }
0xa0: {  	v26 =	vadd.s32 $0xCB80, v26;
	v39 =	vmul.f32 v39, v12;
	v35 =	vmul.f32 v35, v6  }
0xa1: {  	v29 =	vadd.f32 v29, v48;
	v38 =	vmul.f32 v38, v8;
	v59 =	vmul.f32 v37, v12  }
0xa2: {  	v48 =	vld.idx.msk [tilespmem:v27+s11+$0x0], $0xffff;
	v17 =	vadd.f32 $0.0e+00, v17;
	v40 =	vmul.f32 v40, v5;
	v35 =	vmul.f32 v35, v12  }
0xa3: {  	v54 =	vld.idx.msk [tilespmem:v62+s2+$0x0], $0xffff;
	v34 =	vmul.f32 v34, v12;
	v29 =	vadd.f32 v53, v29;
	v32 =	vadd.f32 v32, v39  }
0xa4: {  	v36 =	vmul.f32 v36, v6;
	v61 =	vld.idx.msk [tilespmem:v45+s2+$0x0], $0xffff;
	v45 =	vmul.f32 v57, v5;
	v35 =	vadd.f32 v38, v35  }
0xa5: {  	v47 =	vmul.f32 v40, v8;
	v31 =	vadd.f32 v31, v32;
	v37 =	vadd.f32 $0.0e+00, v29  }
0xa6: {  	v51 =	vmul.f32 v58, v6;
	v58 =	vadd.s32 $0xCB80, v11;
	v63 =	vmul.f32 v36, v8  }
0xa7: {  	v57 =	vld.idx.msk [tilespmem:v27+s12+$0x0], $0xffff;
	v49 =	vmul.f32 v45, v12;
	v10 =	vshll.u32 v48, $0x7;
	v46 =	vadd.f32 v59, v35  }
0xa8: {  	v40 =	vld.idx.msk [tilespmem:v56+s2+$0x0], $0xffff;
	v31 =	vadd.f32 v33, v31;
	v29 =	vmul.f32 v51, v12;
	v35 =	vmul.f32 v52, v8  }
0xa9: {  	v26 =	vld.idx.msk [tilespmem:v26+s2+$0x0], $0xffff;
	v62 =	vadd.s32 v15, v10;
	v32 =	vadd.f32 v63, v34;
	v63 =	vmul.f32 v54, v5  }
0xaa: {  	v39 =	vld.idx.msk [tilespmem:v55+s2+$0x0], $0xffff;
	v45 =	vshll.u32 v62, $0x3;
	v50 =	vadd.f32 v47, v46;
	v53 =	vmul.f32 v61, v5  }
0xab: {  	v48 =	vld.idx.msk [tilespmem:v60+s2+$0x0], $0xffff;
	v59 =	vadd.f32 v35, v29;
	v61 =	vadd.s32 v4, v10;
	v46 =	vand.u32 $0xFFFFFC00, v45  }
0xac: {  	v29 =	vadd.f32 $0.0e+00, v31;
	v32 =	vadd.f32 v49, v32;
	v11 =	vshll.u32 v61, $0x3  }
0xad: {  	v47 =	vmul.f32 v63, v12;
	v35 =	vor.u32 v7, v46;
	v51 =	vmul.f32 v40, v6  }
0xae: {  	v26 =	vmul.f32 v26, v5;
	v33 =	vmul.f32 v53, v8;
	v44 =	vand.u32 $0xFFFFFC00, v11  }
0xaf: {  	v42 =	vld.idx.msk [tilespmem:v58+s2+$0x0], $0xffff;
	v11 =	vshll.u32 v57, $0x7;
	v36 =	vadd.f32 $0.0e+00, v50;
	v50 =	vmul.f32 v39, v5  }
0xb0: {  	v56 =	vor.u32 $0x80, v35;
	v31 =	vmul.f32 v48, v5;
	v4 =	vadd.s32 v4, v11  }
0xb1: {  	v25 =	vor.u32 v19, v44;
	v15 =	vadd.s32 v15, v11;
	v4 =	vshll.u32 v4, $0x3  }
0xb2: {  	v15 =	vshll.u32 v15, $0x3;
	v53 =	vor.u32 $0x80, v25;
	v49 =	vand.u32 $0xFFFFFC00, v4  }
0xb3: {  	v46 =	vor.u32 $0x100, v35;
	v4 =	vld.idx.msk [tilespmem:v27+s13+$0x0], $0xffff;
	v15 =	vand.u32 $0xFFFFFC00, v15;
	v38 =	vor.u32 v19, v49  }
0xb4: {  	v41 =	vadd.f32 v47, v59;
	v54 =	vmul.f32 v42, v6;
	v55 =	vld.idx.msk [tilespmem:v35+s2+$0x0], $0xffff;
	v34 =	vor.u32 v7, v15  }
0xb5: {  	v26 =	vmul.f32 v26, v8;
	v57 =	vmul.f32 v50, v8;
	v61 =	vor.u32 $0x80, v38;
	v49 =	vld.idx.msk [tilespmem:v56+s2+$0x0], $0xffff  }
0xb6: {  	v19 =	vmul.f32 v51, v12;
	v50 =	vor.u32 $0x80, v34;
	v52 =	vld.idx.msk [tilespmem:v25+s2+$0x0], $0xffff;
	v58 =	vmul.f32 v54, v8  }
0xb7: {  	v32 =	vadd.f32 v33, v32;
	v62 =	vmul.f32 v31, v12;
	v59 =	vadd.f32 v57, v41;
	v63 =	vld.idx.msk [tilespmem:v53+s2+$0x0], $0xffff  }
0xb8: {  	v54 =	vor.u32 $0x100, v38;
	v7 =	vsub.f32 $1.000000000e+00, v4;
	v15 =	vadd.f32 v58, v19;
	v60 =	vld.idx.msk [tilespmem:v38+s2+$0x0], $0xffff  }
0xb9: {  	v33 =	vadd.f32 $0.0e+00, v32;
	v56 =	vor.u32 $0x180, v25;
	v58 =	vor.u32 $0x180, v35;
	v51 =	vld.idx.msk [tilespmem:v34+s2+$0x0], $0xffff  }
0xba: {  	v19 =	vadd.f32 $0.0e+00, v59;
	v48 =	vmul.f32 v55, v7;
	v15 =	vadd.f32 v62, v15;
	v53 =	vld.idx.msk [tilespmem:v61+s2+$0x0], $0xffff  }
0xbb: {  	v57 =	vld.idx.msk [tilespmem:v50+s2+$0x0], $0xffff;
	v42 =	vmul.f32 v49, v7;
	v62 =	vor.u32 $0x180, v38;
	v27 =	vmul.f32 v7, v52  }
0xbc: {  	v61 =	vld.idx.msk [tilespmem:v46+s2+$0x0], $0xffff;
	v52 =	vor.u32 $0x100, v25;
	v39 =	vmul.f32 v48, v8;
	v15 =	vadd.f32 v26, v15  }
0xbd: {  	v41 =	vld.idx.msk [tilespmem:v54+s2+$0x0], $0xffff;
	v31 =	vmul.f32 v63, v7;
	v48 =	vor.u32 $0x100, v34;
	v27 =	vmul.f32 v27, v12  }
0xbe: {  	v43 =	vld.idx.msk [tilespmem:v58+s2+$0x0], $0xffff;
	v58 =	vor.u32 $0x200, v38;
	v55 =	vmul.f32 v60, v4;
	v44 =	vmul.f32 v51, v4  }
0xbf: {  	v26 =	vadd.f32 $0.0e+00, v15;
	v59 =	vmul.f32 v31, v12;
	v60 =	vmul.f32 v42, v8  }
0xc0: {  	v63 =	vld.idx.msk [tilespmem:v56+s2+$0x0], $0xffff;
	v51 =	vor.u32 $0x280, v25;
	v27 =	vadd.f32 v39, v27;
	v32 =	vmul.f32 v53, v4  }
0xc1: {  	v40 =	vmul.f32 v57, v4;
	v53 =	vor.u32 $0x200, v35;
	v42 =	vmul.f32 v61, v7  }
0xc2: {  	v57 =	vld.idx.msk [tilespmem:v62+s2+$0x0], $0xffff;
	v62 =	vor.u32 $0x200, v34;
	v47 =	vmul.f32 v55, v12;
	v44 =	vmul.f32 v44, v8  }
0xc3: {  	v45 =	vld.idx.msk [tilespmem:v52+s2+$0x0], $0xffff;
	v15 =	vadd.f32 v60, v59;
	v52 =	vor.u32 $0x200, v25;
	v41 =	vmul.f32 v41, v4  }
0xc4: {  	v55 =	vor.u32 $0x180, v34;
	v32 =	vmul.f32 v32, v12;
	v40 =	vmul.f32 v40, v8  }
0xc5: {  	v54 =	vld.idx.msk [tilespmem:v48+s2+$0x0], $0xffff;
	v31 =	vmul.f32 v63, v7;
	v27 =	vadd.f32 v47, v27;
	v60 =	vmul.f32 v43, v7  }
0xc6: {  	v59 =	vmul.f32 v42, v8;
	v63 =	vmul.f32 v41, v12;
	v32 =	vadd.f32 v32, v15  }
0xc7: {  	v31 =	vmul.f32 v31, v12;
	v27 =	vadd.f32 v44, v27;
	v61 =	vld.idx.msk [tilespmem:v53+s2+$0x0], $0xffff;
	v42 =	vmul.f32 v60, v8  }
0xc8: {  	v53 =	vor.u32 $0x280, v35;
	v60 =	vor.u32 $0x300, v38;
	v45 =	vmul.f32 v45, v7;
	v39 =	vld.idx.msk [tilespmem:v52+s2+$0x0], $0xffff  }
0xc9: {  	v32 =	vadd.f32 v40, v32;
	v50 =	vld.idx.msk [tilespmem:v55+s2+$0x0], $0xffff;
	v55 =	vor.u32 $0x280, v38;
	v15 =	vadd.f32 v27, v16  }
0xca: {  	v52 =	vld.idx.msk [tilespmem:v58+s2+$0x0], $0xffff;
	v49 =	vmul.f32 v54, v4;
	v31 =	vadd.f32 v42, v31;
	v27 =	vmul.f32 v57, v4  }
0xcb: {  	v54 =	vld.idx.msk [tilespmem:v62+s2+$0x0], $0xffff;
	v57 =	vor.u32 $0x300, v35;
	v56 =	vmul.f32 v45, v12;
	v20 =	vadd.f32 v32, v20  }
0xcc: {  	v41 =	vmul.f32 v49, v8;
	v27 =	vmul.f32 v27, v12;
	v49 =	vor.u32 $0x280, v34  }
0xcd: {  	v16 =	vadd.f32 v59, v56;
	v43 =	vmul.f32 v61, v7;
	v56 =	vor.u32 $0x300, v25  }
0xce: {  	v47 =	vld.idx.msk [tilespmem:v51+s2+$0x0], $0xffff;
	v61 =	vor.u32 $0x300, v34;
	v39 =	vmul.f32 v39, v7;
	v44 =	vmul.f32 v50, v4  }
0xcf: {  	v40 =	vld.idx.msk [tilespmem:v53+s2+$0x0], $0xffff;
	v27 =	vadd.f32 v27, v31;
	v58 =	vmul.f32 v52, v4;
	v50 =	vadd.s32 $0xC900, v34  }
0xd0: {  	v16 =	vadd.f32 v63, v16;
	v43 =	vmul.f32 v43, v8;
	v42 =	vmul.f32 v54, v4;
	v53 =	vld.idx.msk [tilespmem:v57+s2+$0x0], $0xffff  }
0xd1: {  	v63 =	vor.u32 $0x380, v25;
	v54 =	vor.u32 $0x380, v35;
	v57 =	vld.idx.msk [tilespmem:v60+s2+$0x0], $0xffff;
	v39 =	vmul.f32 v39, v12  }
0xd2: {  	v60 =	vadd.s32 $0xC800, v25;
	v59 =	vmul.f32 v44, v8;
	v31 =	vmul.f32 v58, v12;
	v44 =	vld.idx.msk [tilespmem:v55+s2+$0x0], $0xffff  }
0xd3: {  	v55 =	vmul.f32 v47, v7;
	v16 =	vadd.f32 v41, v16;
	v52 =	vmul.f32 v42, v8  }
0xd4: {  	v39 =	vadd.f32 v43, v39;
	v27 =	vadd.f32 v59, v27;
	v62 =	vld.idx.msk [tilespmem:v56+s2+$0x0], $0xffff;
	v40 =	vmul.f32 v40, v7  }
0xd5: {  	v58 =	vmul.f32 v55, v12;
	v59 =	vld.idx.msk [tilespmem:v61+s2+$0x0], $0xffff;
	v55 =	vor.u32 $0x380, v34;
	v32 =	vadd.f32 v16, v23  }
0xd6: {  	v23 =	vld.idx.msk [tilespmem:v49+s2+$0x0], $0xffff;
	v31 =	vadd.f32 v31, v39;
	v40 =	vmul.f32 v40, v8;
	v51 =	vmul.f32 v53, v7  }
0xd7: {  	v49 =	vor.u32 $0x1, v14;
	v53 =	vor.u32 $0x380, v38;
	v44 =	vmul.f32 v44, v4  }
0xd8: {  	v45 =	vld.idx.msk [tilespmem:v60+s2+$0x0], $0xffff;
	v56 =	vadd.f32 v52, v31;
	v39 =	vadd.f32 v40, v58;
	v40 =	vmul.f32 v51, v8  }
0xd9: {  	v52 =	vld.idx.msk [tilespmem:v54+s2+$0x0], $0xffff;
	v54 =	vadd.s32 $0xC800, v38;
	v31 =	vmul.f32 v57, v4;
	v61 =	vmul.f32 v62, v7  }
0xda: {  	v62 =	vld.idx.msk [tilespmem:v63+s2+$0x0], $0xffff;
	v63 =	vadd.s32 $0xC800, v35;
	v44 =	vmul.f32 v44, v12;
	v57 =	vmul.f32 v59, v4  }
0xdb: {  	v16 =	vadd.f32 v56, v30;
	v23 =	vmul.f32 v23, v4;
	v56 =	vadd.s32 $0xC800, v34  }
0xdc: {  	v27 =	vadd.f32 v27, v22;
	v31 =	vmul.f32 v31, v12;
	v22 =	vmul.f32 v61, v12;
	v58 =	vld.idx.msk [tilespmem:v53+s2+$0x0], $0xffff  }
0xdd: {  	v39 =	vadd.f32 v44, v39;
	v59 =	vmul.f32 v57, v8;
	v61 =	vld.idx.msk [tilespmem:v55+s2+$0x0], $0xffff;
	v45 =	vmul.f32 v45, v7  }
0xde: {  	v23 =	vmul.f32 v23, v8;
	v42 =	vmul.f32 v52, v7;
	v60 =	vld.idx.msk [tilespmem:v54+s2+$0x0], $0xffff;
	v52 =	vadd.s32 $0xC880, v35  }
0xdf: {  	v22 =	vadd.f32 v40, v22;
	v41 =	vld.idx.msk [tilespmem:v63+s2+$0x0], $0xffff;
	v30 =	vmul.f32 v62, v7;
	v62 =	vadd.s32 $0xC880, v25  }
0xe0: {  	v57 =	vadd.s32 $0xC900, v35;
	v23 =	vadd.f32 v23, v39;
	v63 =	vld.idx.msk [tilespmem:v56+s2+$0x0], $0xffff;
	v56 =	vadd.s32 $0xC900, v25  }
0xe1: {  	v22 =	vadd.f32 v31, v22;
	v42 =	vmul.f32 v42, v8;
	v30 =	vmul.f32 v30, v12  }
0xe2: {  	v54 =	vmul.f32 v58, v4;
	v44 =	vmul.f32 v61, v4;
	v58 =	vadd.s32 $0xC880, v38  }
0xe3: {  	v55 =	vmul.f32 v45, v12;
	v22 =	vadd.f32 v59, v22;
	v30 =	vadd.f32 v42, v30;
	v59 =	vld.idx.msk [tilespmem:v52+s2+$0x0], $0xffff  }
0xe4: {  	v40 =	vmul.f32 v60, v4;
	v44 =	vmul.f32 v44, v8;
	v60 =	vadd.s32 $0xC900, v38;
	v46 =	vld.idx.msk [tilespmem:v62+s2+$0x0], $0xffff  }
0xe5: {  	v53 =	vmul.f32 v41, v7;
	v41 =	vmul.f32 v54, v12;
	v62 =	vadd.s32 $0xC880, v34;
	v43 =	vld.idx.msk [tilespmem:v56+s2+$0x0], $0xffff  }
0xe6: {  	v40 =	vmul.f32 v40, v12;
	v39 =	vmul.f32 v63, v4;
	v63 =	vld.idx.msk [tilespmem:v57+s2+$0x0], $0xffff;
	v56 =	vadd.s32 $0xC980, v25  }
0xe7: {  	v31 =	vmul.f32 v53, v8;
	v41 =	vadd.f32 v41, v30;
	v30 =	vadd.f32 v22, v21;
	v53 =	vld.idx.msk [tilespmem:v58+s2+$0x0], $0xffff  }
0xe8: {  	v58 =	vadd.s32 $0xC980, v35;
	v61 =	vmul.f32 v39, v8;
	v39 =	vadd.f32 v23, v18;
	v23 =	vld.idx.msk [tilespmem:v50+s2+$0x0], $0xffff  }
0xe9: {  	v31 =	vadd.f32 v31, v55;
	v51 =	vadd.f32 v44, v41;
	v55 =	vmul.f32 v59, v7;
	v57 =	vld.idx.msk [tilespmem:v60+s2+$0x0], $0xffff  }
0xea: {  	v60 =	vadd.s32 $0xC980, v38;
	v54 =	vmul.f32 v46, v7;
	v59 =	vld.idx.msk [tilespmem:v62+s2+$0x0], $0xffff;
	v62 =	vadd.s32 $0xCA00, v25  }
0xeb: {  	v31 =	vadd.f32 v40, v31;
	v21 =	vadd.f32 v51, v24;
	v41 =	vmul.f32 v55, v8  }
0xec: {  	v43 =	vmul.f32 v43, v7;
	v18 =	vmul.f32 v63, v7;
	v63 =	vadd.s32 $0xCA00, v35  }
0xed: {  	v55 =	vadd.s32 $0xCA80, v35;
	v40 =	vmul.f32 v54, v12;
	v54 =	vadd.s32 $0xCA80, v25  }
0xee: {  	v42 =	vld.idx.msk [tilespmem:v56+s2+$0x0], $0xffff;
	v52 =	vadd.f32 v61, v31;
	v31 =	vmul.f32 v53, v4;
	v43 =	vmul.f32 v43, v12  }
0xef: {  	v61 =	vadd.s32 $0xC980, v34;
	v18 =	vmul.f32 v18, v8;
	v23 =	vmul.f32 v23, v4;
	v53 =	vld.idx.msk [tilespmem:v60+s2+$0x0], $0xffff  }
0xf0: {  	v40 =	vadd.f32 v41, v40;
	v24 =	vmul.f32 v57, v4;
	v22 =	vadd.f32 v52, v28;
	v28 =	vld.idx.msk [tilespmem:v58+s2+$0x0], $0xffff  }
0xf1: {  	v57 =	vadd.s32 $0xCA00, v34;
	v31 =	vmul.f32 v31, v12;
	v52 =	vadd.s32 $0xCA00, v38;
	v41 =	vld.idx.msk [tilespmem:v62+s2+$0x0], $0xffff  }
0xf2: {  	v44 =	vmul.f32 v59, v4;
	v18 =	vadd.f32 v18, v43;
	v24 =	vmul.f32 v24, v12;
	v58 =	vld.idx.msk [tilespmem:v63+s2+$0x0], $0xffff  }
0xf3: {  	v23 =	vmul.f32 v23, v8;
	v59 =	vadd.s32 $0xCA80, v38;
	v60 =	vmul.f32 v42, v7;
	v63 =	vld.idx.msk [tilespmem:v54+s2+$0x0], $0xffff  }
0xf4: {  	v31 =	vadd.f32 v31, v40;
	v56 =	vmul.f32 v44, v8;
	v46 =	vld.idx.msk [tilespmem:v61+s2+$0x0], $0xffff;
	v18 =	vadd.f32 v24, v18  }
0xf5: {  	v40 =	vmul.f32 v60, v12;
	v60 =	vadd.s32 $0xCB00, v35;
	v62 =	vmul.f32 v53, v4;
	v53 =	vld.idx.msk [tilespmem:v55+s2+$0x0], $0xffff  }
0xf6: {  	v31 =	vadd.f32 v56, v31;
	v55 =	vld.idx.msk [tilespmem:v57+s2+$0x0], $0xffff;
	v28 =	vmul.f32 v28, v7;
	v18 =	vadd.f32 v23, v18  }
0xf7: {  	v61 =	vld.idx.msk [tilespmem:v52+s2+$0x0], $0xffff;
	v52 =	vadd.s32 $0xCA80, v34;
	v56 =	vmul.f32 v41, v7;
	v54 =	vmul.f32 v62, v12  }
0xf8: {  	v31 =	vadd.f32 v31, v17;
	v24 =	vmul.f32 v58, v7;
	v28 =	vmul.f32 v28, v8  }
0xf9: {  	v17 =	vadd.f32 v18, v37;
	v37 =	vmul.f32 v56, v12;
	v43 =	vmul.f32 v63, v7  }
0xfa: {  	v58 =	vld.idx.msk [tilespmem:v59+s2+$0x0], $0xffff;
	v57 =	vmul.f32 v46, v4;
	v24 =	vmul.f32 v24, v8  }
0xfb: {  	v59 =	vadd.s32 $0xCB00, v25;
	v63 =	vmul.f32 v53, v7;
	v23 =	vmul.f32 v55, v4  }
0xfc: {  	v14 =	vld.idx.msk [tilespmem:v49+s14+$0x0], $0xffff;
	v25 =	vadd.s32 $0xCB80, v25;
	v48 =	vmul.f32 v43, v12;
	v42 =	vmul.f32 v61, v4  }
0xfd: {  	v53 =	vld.idx.msk [tilespmem:v60+s2+$0x0], $0xffff;
	v61 =	vadd.f32 v28, v40;
	v24 =	vadd.f32 v24, v37;
	v41 =	vmul.f32 v57, v8  }
0xfe: {  	v45 =	vld.idx.msk [tilespmem:v52+s2+$0x0], $0xffff;
	v57 =	vadd.s32 $0xCB00, v38;
	v38 =	vadd.s32 $0xCB80, v38;
	v50 =	vmul.f32 v63, v8  }
0xff: {  	v51 =	vmul.f32 v58, v4;
	v23 =	vmul.f32 v23, v8;
	v58 =	vadd.s32 $0xCB80, v35  }
0x100: {  	v52 =	vld.idx.msk [tilespmem:v59+s2+$0x0], $0xffff;
	v59 =	vadd.s32 $0xCB00, v34;
	v62 =	vmul.f32 v42, v12;
	v18 =	vadd.f32 v54, v61  }
0x101: {  	v34 =	vadd.s32 $0xCB80, v34;
	v54 =	vadd.f32 v50, v48;
	v55 =	vmul.f32 v51, v12  }
0x102: {  	v48 =	vadd.s32 v9, v14;
	v50 =	vld.idx.msk [tilespmem:v25+s2+$0x0], $0xffff;
	v24 =	vadd.f32 v62, v24;
	v41 =	vadd.f32 v41, v18  }
0x103: {  	v18 =	vld.idx.msk [tilespmem:v49+s15+$0x0], $0xffff;
	v61 =	vmul.f32 v53, v7;
	v62 =	vadd.s32 v13, v14;
	v56 =	vmul.f32 v45, v4  }
0x104: {  	v37 =	vadd.f32 v55, v54;
	v35 =	vshll.u32 v62, $0x3;
	v54 =	vshll.u32 v48, $0x3  }
0x105: {  	v63 =	vld.idx.msk [tilespmem:v57+s2+$0x0], $0xffff;
	v23 =	vadd.f32 v23, v24;
	v29 =	vadd.f32 v41, v29;
	v60 =	vmul.f32 v52, v7  }
0x106: {  	v24 =	vand.u32 $0x7F, v14;
	v51 =	vand.u32 $0xFFFFFC00, v35;
	v40 =	vmul.f32 v56, v8  }
0x107: {  	v41 =	vmul.f32 v61, v8;
	v35 =	vor.u32 v24, v51;
	v28 =	vadd.f32 v23, v36  }
0x108: {  	v52 =	vld.idx.msk [tilespmem:v58+s2+$0x0], $0xffff;
	v58 =	vmul.f32 v50, v7;
	v37 =	vadd.f32 v40, v37;
	v13 =	vadd.s32 v13, v18  }
0x109: {  	v25 =	vand.u32 $0x7F, v18;
	v40 =	vmul.f32 v60, v12;
	v13 =	vshll.u32 v13, $0x3  }
0x10a: {  	v55 =	vadd.s32 v9, v18;
	v57 =	vmul.f32 v63, v4;
	v13 =	vand.u32 $0xFFFFFC00, v13  }
0x10b: {  	v53 =	vld.idx.msk [tilespmem:v59+s2+$0x0], $0xffff;
	v23 =	vadd.f32 v37, v33;
	v56 =	vadd.f32 v41, v40;
	v36 =	vor.u32 v25, v13  }
0x10c: {  	v33 =	vld.idx.msk [tilespmem:v38+s2+$0x0], $0xffff;
	v38 =	vshll.u32 v55, $0x3;
	v13 =	vand.u32 $0xFFFFFC00, v54;
	v54 =	vor.u32 $0x80, v35  }
0x10d: {  	v34 =	vld.idx.msk [tilespmem:v34+s2+$0x0], $0xffff;
	v59 =	vmul.f32 v52, v7;
	v52 =	vmul.f32 v58, v12;
	v58 =	vor.u32 $0x100, v35  }
0x10e: {  	v9 =	vld.idx.msk [tilespmem:v49+s16+$0x0], $0xffff;
	v38 =	vand.u32 $0xFFFFFC00, v38;
	v61 =	vmul.f32 v57, v12;
	v37 =	vor.u32 v24, v13  }
0x10f: {  	v48 =	vadd.s32 $0xC880, v35;
	v60 =	vld.idx.msk [tilespmem:v35+s2+$0x0], $0xffff;
	v40 =	vor.u32 v25, v38  }
0x110: {  	v62 =	vmul.f32 v53, v4;
	v44 =	vadd.f32 v61, v56;
	v56 =	vor.u32 $0x80, v36;
	v63 =	vld.idx.msk [tilespmem:v36+s2+$0x0], $0xffff  }
0x111: {  	v53 =	vmul.f32 v59, v8;
	v57 =	vor.u32 $0x80, v37;
	v33 =	vmul.f32 v33, v4;
	v42 =	vld.idx.msk [tilespmem:v54+s2+$0x0], $0xffff  }
0x112: {  	v34 =	vmul.f32 v34, v4;
	v45 =	vmul.f32 v62, v8;
	v50 =	vor.u32 $0x100, v36;
	v54 =	vld.idx.msk [tilespmem:v58+s2+$0x0], $0xffff  }
0x113: {  	v13 =	vsub.f32 $1.000000000e+00, v9;
	v38 =	vadd.f32 v53, v52;
	v55 =	vld.idx.msk [tilespmem:v37+s2+$0x0], $0xffff;
	v12 =	vmul.f32 v33, v12  }
0x114: {  	v51 =	vor.u32 $0x80, v40;
	v44 =	vadd.f32 v45, v44;
	v43 =	vmul.f32 v60, v6;
	v59 =	vld.idx.msk [tilespmem:v40+s2+$0x0], $0xffff  }
0x115: {  	v8 =	vmul.f32 v34, v8;
	v58 =	vor.u32 $0x180, v36;
	v62 =	vld.idx.msk [tilespmem:v56+s2+$0x0], $0xffff;
	v12 =	vadd.f32 v12, v38  }
0x116: {  	v34 =	vadd.f32 v44, v19;
	v43 =	vmul.f32 v43, v13;
	v38 =	vld.idx.msk [tilespmem:v57+s2+$0x0], $0xffff;
	v46 =	vmul.f32 v63, v6  }
0x117: {  	v57 =	vld.idx.msk [tilespmem:v50+s2+$0x0], $0xffff;
	v63 =	vor.u32 $0x100, v37;
	v8 =	vadd.f32 v8, v12;
	v42 =	vmul.f32 v42, v6  }
0x118: {  	v54 =	vmul.f32 v54, v6;
	v61 =	vmul.f32 v55, v5;
	v55 =	vor.u32 $0x180, v35  }
0x119: {  	v56 =	vmul.f32 v59, v5;
	v59 =	vld.idx.msk [tilespmem:v51+s2+$0x0], $0xffff;
	v51 =	vadd.s32 $0xCB80, v36;
	v60 =	vmul.f32 v46, v9  }
0x11a: {  	v47 =	vmul.f32 v62, v6;
	v53 =	vmul.f32 v61, v13;
	v61 =	vor.u32 $0x180, v37  }
0x11b: {  	v12 =	vmul.f32 v56, v9;
	v56 =	vor.u32 $0x180, v40;
	v52 =	vadd.f32 v60, v43  }
0x11c: {  	v38 =	vmul.f32 v38, v5;
	v33 =	vmul.f32 v57, v6;
	v60 =	vor.u32 $0x100, v40;
	v63 =	vld.idx.msk [tilespmem:v63+s2+$0x0], $0xffff  }
0x11d: {  	v62 =	vmul.f32 v42, v13;
	v43 =	vadd.f32 v53, v52;
	v52 =	vmul.f32 v47, v9;
	v53 =	vld.idx.msk [tilespmem:v55+s2+$0x0], $0xffff  }
0x11e: {  	v26 =	vadd.f32 v8, v26;
	v38 =	vmul.f32 v38, v13;
	v33 =	vmul.f32 v33, v9;
	v55 =	vld.idx.msk [tilespmem:v58+s2+$0x0], $0xffff  }
0x11f: {  	v57 =	vmul.f32 v59, v5;
	v8 =	vadd.f32 v52, v62;
	v59 =	vld.idx.msk [tilespmem:v61+s2+$0x0], $0xffff;
	v62 =	vor.u32 $0x200, v37  }
0x120: {  	v12 =	vadd.f32 v12, v43;
	v43 =	vmul.f32 v54, v13;
	v45 =	vld.idx.msk [tilespmem:v56+s2+$0x0], $0xffff;
	v56 =	vor.u32 $0x280, v36  }
0x121: {  	v41 =	vmul.f32 v57, v9;
	v61 =	vor.u32 $0x200, v36;
	v58 =	vld.idx.msk [tilespmem:v60+s2+$0x0], $0xffff;
	v60 =	vor.u32 $0x200, v35  }
0x122: {  	v52 =	vor.u32 $0x300, v36;
	v19 =	vmul.f32 v63, v5;
	v42 =	vmul.f32 v53, v6  }
0x123: {  	v33 =	vadd.f32 v33, v43;
	v63 =	vor.u32 $0x280, v35;
	v44 =	vmul.f32 v55, v6  }
0x124: {  	v8 =	vadd.f32 v38, v8;
	v19 =	vmul.f32 v19, v13;
	v42 =	vmul.f32 v42, v13;
	v43 =	vld.idx.msk [tilespmem:v62+s2+$0x0], $0xffff  }
0x125: {  	v53 =	vmul.f32 v44, v9;
	v54 =	vmul.f32 v59, v5;
	v59 =	vor.u32 $0x200, v40;
	v56 =	vld.idx.msk [tilespmem:v56+s2+$0x0], $0xffff  }
0x126: {  	v8 =	vadd.f32 v41, v8;
	v62 =	vmul.f32 v45, v5;
	v46 =	vmul.f32 v58, v5;
	v55 =	vld.idx.msk [tilespmem:v60+s2+$0x0], $0xffff  }
0x127: {  	v58 =	vld.idx.msk [tilespmem:v61+s2+$0x0], $0xffff;
	v61 =	vor.u32 $0x280, v37;
	v38 =	vadd.f32 v53, v42;
	v60 =	vmul.f32 v54, v13  }
0x128: {  	v19 =	vadd.f32 v19, v33;
	v45 =	vld.idx.msk [tilespmem:v63+s2+$0x0], $0xffff;
	v63 =	vor.u32 $0x280, v40;
	v57 =	vmul.f32 v46, v9  }
0x129: {  	v33 =	vadd.f32 v8, v20;
	v41 =	vmul.f32 v62, v9;
	v42 =	vadd.f32 v60, v38  }
0x12a: {  	v62 =	vor.u32 $0x300, v37;
	v38 =	vadd.f32 v12, v15;
	v19 =	vadd.f32 v57, v19;
	v8 =	vld.idx.msk [tilespmem:v59+s2+$0x0], $0xffff  }
0x12b: {  	v57 =	vor.u32 $0x300, v35;
	v53 =	vmul.f32 v56, v6;
	v56 =	vld.idx.msk [tilespmem:v52+s2+$0x0], $0xffff;
	v47 =	vmul.f32 v55, v6  }
0x12c: {  	v58 =	vmul.f32 v58, v6;
	v15 =	vadd.f32 v41, v42;
	v60 =	vld.idx.msk [tilespmem:v61+s2+$0x0], $0xffff;
	v61 =	vmul.f32 v43, v5  }
0x12d: {  	v55 =	vor.u32 $0x300, v40;
	v42 =	vld.idx.msk [tilespmem:v63+s2+$0x0], $0xffff;
	v63 =	vmul.f32 v45, v6;
	v45 =	vmul.f32 v53, v9  }
0x12e: {  	v32 =	vadd.f32 v19, v32;
	v59 =	vmul.f32 v47, v13;
	v12 =	vmul.f32 v58, v9  }
0x12f: {  	v41 =	vmul.f32 v61, v13;
	v58 =	vor.u32 $0x380, v36;
	v19 =	vadd.f32 v15, v27  }
0x130: {  	v61 =	vld.idx.msk [tilespmem:v62+s2+$0x0], $0xffff;
	v62 =	vor.u32 $0x380, v37;
	v44 =	vmul.f32 v63, v13;
	v63 =	vadd.s32 $0xC800, v35  }
0x131: {  	v54 =	vld.idx.msk [tilespmem:v57+s2+$0x0], $0xffff;
	v12 =	vadd.f32 v12, v59;
	v57 =	vor.u32 $0x380, v35;
	v8 =	vmul.f32 v8, v5  }
0x132: {  	v53 =	vmul.f32 v56, v6;
	v59 =	vmul.f32 v60, v5;
	v60 =	vadd.f32 v45, v44  }
0x133: {  	v43 =	vld.idx.msk [tilespmem:v55+s2+$0x0], $0xffff;
	v55 =	vadd.s32 $0xC800, v36;
	v42 =	vmul.f32 v42, v5;
	v8 =	vmul.f32 v8, v9  }
0x134: {  	v12 =	vadd.f32 v41, v12;
	v15 =	vmul.f32 v59, v13;
	v56 =	vld.idx.msk [tilespmem:v58+s2+$0x0], $0xffff;
	v59 =	vmul.f32 v53, v9  }
0x135: {  	v41 =	vld.idx.msk [tilespmem:v62+s2+$0x0], $0xffff;
	v62 =	vadd.s32 $0xC800, v40;
	v53 =	vadd.s32 $0xC880, v40;
	v42 =	vmul.f32 v42, v9  }
0x136: {  	v52 =	vmul.f32 v54, v6;
	v54 =	vld.idx.msk [tilespmem:v57+s2+$0x0], $0xffff;
	v57 =	vor.u32 $0x380, v40;
	v15 =	vadd.f32 v15, v60  }
0x137: {  	v8 =	vadd.f32 v8, v12;
	v60 =	vmul.f32 v61, v5;
	v61 =	vadd.s32 $0xC800, v37  }
0x138: {  	v43 =	vmul.f32 v43, v5;
	v58 =	vmul.f32 v52, v13;
	v15 =	vadd.f32 v42, v15;
	v42 =	vld.idx.msk [tilespmem:v63+s2+$0x0], $0xffff  }
0x139: {  	v27 =	vadd.f32 v8, v16;
	v12 =	vmul.f32 v60, v13;
	v63 =	vld.idx.msk [tilespmem:v55+s2+$0x0], $0xffff;
	v49 =	vmul.f32 v56, v6  }
0x13a: {  	v55 =	vmul.f32 v43, v9;
	v60 =	vld.idx.msk [tilespmem:v62+s2+$0x0], $0xffff;
	v20 =	vadd.f32 v59, v58;
	v8 =	vadd.f32 v15, v39  }
0x13b: {  	v59 =	vmul.f32 v41, v5;
	v50 =	vld.idx.msk [tilespmem:v57+s2+$0x0], $0xffff;
	v47 =	vmul.f32 v54, v6;
	v54 =	vadd.s32 $0xC880, v36  }
0x13c: {  	v57 =	vmul.f32 v49, v9;
	v58 =	vld.idx.msk [tilespmem:v61+s2+$0x0], $0xffff;
	v61 =	vadd.s32 $0xC880, v37;
	v12 =	vadd.f32 v12, v20  }
0x13d: {  	v49 =	vld.idx.msk [tilespmem:v48+s2+$0x0], $0xffff;
	v16 =	vmul.f32 v59, v13;
	v59 =	vadd.s32 $0xC900, v36;
	v56 =	vmul.f32 v47, v13  }
0x13e: {  	v62 =	vmul.f32 v42, v6;
	v63 =	vmul.f32 v63, v6;
	v12 =	vadd.f32 v55, v12  }
0x13f: {  	v41 =	vmul.f32 v60, v5;
	v60 =	vadd.s32 $0xC900, v37;
	v15 =	vadd.f32 v57, v56  }
0x140: {  	v47 =	vld.idx.msk [tilespmem:v53+s2+$0x0], $0xffff;
	v20 =	vmul.f32 v62, v13;
	v56 =	vadd.s32 $0xC900, v35;
	v50 =	vmul.f32 v50, v5  }
0x141: {  	v52 =	vld.idx.msk [tilespmem:v54+s2+$0x0], $0xffff;
	v12 =	vadd.f32 v12, v30;
	v54 =	vmul.f32 v63, v9;
	v55 =	vmul.f32 v58, v5  }
0x142: {  	v58 =	vld.idx.msk [tilespmem:v61+s2+$0x0], $0xffff;
	v44 =	vmul.f32 v49, v6;
	v61 =	vadd.s32 $0xC900, v40;
	v15 =	vadd.f32 v16, v15  }
0x143: {  	v20 =	vadd.f32 v54, v20;
	v16 =	vmul.f32 v55, v13;
	v54 =	vadd.s32 $0xC980, v37  }
0x144: {  	v62 =	vmul.f32 v41, v9;
	v63 =	vadd.s32 $0xC980, v35;
	v53 =	vld.idx.msk [tilespmem:v59+s2+$0x0], $0xffff;
	v57 =	vmul.f32 v50, v9  }
0x145: {  	v44 =	vmul.f32 v44, v13;
	v16 =	vadd.f32 v16, v20;
	v39 =	vld.idx.msk [tilespmem:v56+s2+$0x0], $0xffff;
	v56 =	vadd.s32 $0xCA00, v35  }
0x146: {  	v47 =	vmul.f32 v47, v5;
	v45 =	vld.idx.msk [tilespmem:v60+s2+$0x0], $0xffff;
	v15 =	vadd.f32 v57, v15;
	v57 =	vadd.s32 $0xCA00, v36  }
0x147: {  	v46 =	vmul.f32 v52, v6;
	v52 =	vadd.s32 $0xC980, v36;
	v48 =	vld.idx.msk [tilespmem:v61+s2+$0x0], $0xffff;
	v16 =	vadd.f32 v62, v16  }
0x148: {  	v55 =	vadd.s32 $0xC980, v40;
	v59 =	vmul.f32 v47, v9;
	v30 =	vmul.f32 v58, v5;
	v43 =	vld.idx.msk [tilespmem:v54+s2+$0x0], $0xffff  }
0x149: {  	v61 =	vadd.s32 $0xCA00, v37;
	v46 =	vmul.f32 v46, v9;
	v20 =	vadd.f32 v16, v22;
	v16 =	vld.idx.msk [tilespmem:v63+s2+$0x0], $0xffff  }
0x14a: {  	v21 =	vadd.f32 v15, v21;
	v42 =	vmul.f32 v53, v6;
	v62 =	vadd.s32 $0xCA00, v40;
	v54 =	vld.idx.msk [tilespmem:v56+s2+$0x0], $0xffff  }
0x14b: {  	v30 =	vmul.f32 v30, v13;
	v44 =	vadd.f32 v46, v44;
	v39 =	vmul.f32 v39, v6;
	v22 =	vld.idx.msk [tilespmem:v57+s2+$0x0], $0xffff  }
0x14c: {  	v53 =	vadd.s32 $0xCA80, v35;
	v63 =	vmul.f32 v45, v5;
	v42 =	vmul.f32 v42, v9;
	v60 =	vld.idx.msk [tilespmem:v52+s2+$0x0], $0xffff  }
0x14d: {  	v52 =	vld.idx.msk [tilespmem:v55+s2+$0x0], $0xffff;
	v56 =	vmul.f32 v48, v5;
	v58 =	vadd.f32 v30, v44;
	v39 =	vmul.f32 v39, v13  }
0x14e: {  	v55 =	vadd.s32 $0xCA80, v36;
	v57 =	vld.idx.msk [tilespmem:v61+s2+$0x0], $0xffff;
	v30 =	vmul.f32 v63, v13;
	v43 =	vmul.f32 v43, v5  }
0x14f: {  	v63 =	vadd.s32 $0xCA80, v40;
	v15 =	vadd.f32 v59, v58;
	v16 =	vmul.f32 v16, v6  }
0x150: {  	v39 =	vadd.f32 v42, v39;
	v43 =	vmul.f32 v43, v13;
	v49 =	vmul.f32 v54, v6  }
0x151: {  	v61 =	vld.idx.msk [tilespmem:v53+s2+$0x0], $0xffff;
	v59 =	vadd.s32 $0xCA80, v37;
	v22 =	vmul.f32 v22, v6;
	v41 =	vmul.f32 v60, v6  }
0x152: {  	v58 =	vld.idx.msk [tilespmem:v62+s2+$0x0], $0xffff;
	v15 =	vadd.f32 v15, v31;
	v31 =	vmul.f32 v56, v9;
	v16 =	vmul.f32 v16, v13  }
0x153: {  	v30 =	vadd.f32 v30, v39;
	v45 =	vmul.f32 v52, v5;
	v62 =	vld.idx.msk [tilespmem:v55+s2+$0x0], $0xffff;
	v42 =	vmul.f32 v57, v5  }
0x154: {  	v52 =	vadd.s32 $0xCB00, v35;
	v54 =	vmul.f32 v49, v13;
	v22 =	vmul.f32 v22, v9  }
0x155: {  	v55 =	vadd.s32 $0xCB00, v36;
	v60 =	vmul.f32 v41, v9;
	v53 =	vmul.f32 v45, v9  }
0x156: {  	v35 =	vadd.s32 $0xCB80, v35;
	v57 =	vld.idx.msk [tilespmem:v63+s2+$0x0], $0xffff;
	v42 =	vmul.f32 v42, v13;
	v41 =	vmul.f32 v61, v6  }
0x157: {  	v30 =	vadd.f32 v31, v30;
	v56 =	vmul.f32 v58, v5;
	v22 =	vadd.f32 v22, v54  }
0x158: {  	v47 =	vld.idx.msk [tilespmem:v59+s2+$0x0], $0xffff;
	v16 =	vadd.f32 v60, v16;
	v41 =	vmul.f32 v41, v13;
	v58 =	vmul.f32 v62, v6  }
0x159: {  	v59 =	vmul.f32 v56, v9;
	v42 =	vadd.f32 v42, v22;
	v22 =	vadd.f32 v30, v17  }
0x15a: {  	v63 =	vld.idx.msk [tilespmem:v55+s2+$0x0], $0xffff;
	v55 =	vadd.s32 v10, v14;
	v10 =	vadd.s32 v10, v18;
	v14 =	vadd.s32 v11, v14  }
0x15b: {  	v11 =	vadd.s32 v11, v18;
	v16 =	vadd.f32 v43, v16;
	v49 =	vmul.f32 v57, v5  }
0x15c: {  	v10 =	vshll.u32 v10, $0x3;
	v56 =	vshll.u32 v14, $0x3;
	v61 =	vmul.f32 v58, v9  }
0x15d: {  	v45 =	vadd.f32 v59, v42;
	v62 =	vmul.f32 v47, v5;
	v47 =	vadd.s32 $0xCB00, v37  }
0x15e: {  	v60 =	vld.idx.msk [tilespmem:v52+s2+$0x0], $0xffff;
	v10 =	vand.u32 $0xFFFFFC00, v10;
	v16 =	vadd.f32 v53, v16;
	v53 =	vadd.s32 $0xCB00, v40  }
0x15f: {  	v35 =	vld.idx.msk [tilespmem:v35+s2+$0x0], $0xffff;
	v58 =	vshll.u32 v11, $0x3;
	v52 =	vmul.f32 v49, v9;
	v37 =	vadd.s32 $0xCB80, v37  }
0x160: {  	v40 =	vadd.s32 $0xCB80, v40;
	v18 =	vor.u32 v25, v10;
	v10 =	vand.u32 $0xFFFFFC00, v56  }
0x161: {  	v30 =	vld.idx.msk [tilespmem:v51+s2+$0x0], $0xffff;
	v46 =	vadd.f32 v61, v41;
	v11 =	vor.u32 v24, v10;
	v49 =	vor.u32 $0x80, v18  }
0x162: {  	v56 =	vor.u32 $0x100, v18;
	v17 =	vadd.f32 v16, v29;
	v48 =	vmul.f32 v62, v13;
	v41 =	vld.idx.msk [tilespmem:v47+s2+$0x0], $0xffff  }
0x163: {  	v16 =	vadd.f32 v45, v28;
	v50 =	vmul.f32 v60, v6;
	v29 =	vmul.f32 v63, v6;
	v39 =	vld.idx.msk [tilespmem:v53+s2+$0x0], $0xffff  }
0x164: {  	v28 =	vshll.u32 v55, $0x3;
	v60 =	vand.u32 $0xFFFFFC00, v58;
	v44 =	vmul.f32 v35, v6;
	v59 =	vld.idx.msk [tilespmem:v37+s2+$0x0], $0xffff  }
0x165: {  	v28 =	vand.u32 $0xFFFFFC00, v28;
	v10 =	vor.u32 v25, v60;
	v31 =	vadd.f32 v48, v46;
	v63 =	vld.idx.msk [tilespmem:v40+s2+$0x0], $0xffff  }
0x166: {  	v6 =	vmul.f32 v30, v6;
	v54 =	vmul.f32 v50, v13;
	v28 =	vor.u32 v24, v28;
	v48 =	vld.idx.msk [tilespmem:v18+s2+$0x0], $0xffff  }
0x167: {  	v57 =	vmul.f32 v29, v9;
	v46 =	vor.u32 $0x80, v28;
	v31 =	vadd.f32 v52, v31;
	v52 =	vld.idx.msk [tilespmem:v11+s2+$0x0], $0xffff  }
0x168: {  	v50 =	vmul.f32 v44, v13;
	v6 =	vmul.f32 v6, v9;
	v53 =	vor.u32 $0x100, v28;
	v60 =	vld.idx.msk [tilespmem:v49+s2+$0x0], $0xffff  }
0x169: {  	v3 =	vshll.u32 v3, $0x7;
	v58 =	vor.u32 $0x80, v11;
	v44 =	vld.idx.msk [tilespmem:v56+s2+$0x0], $0xffff  }
0x16a: {  	v61 =	vadd.f32 v57, v54;
	v6 =	vadd.f32 v6, v50;
	v50 =	vor.u32 $0x180, v18;
	v55 =	vld.idx.msk [tilespmem:v10+s2+$0x0], $0xffff  }
0x16b: {  	v56 =	vor.u32 $0x200, v18;
	v45 =	vld.idx.msk [tilespmem:v28+s2+$0x0], $0xffff;
	v62 =	vmul.f32 v41, v5;
	v39 =	vmul.f32 v39, v5  }
0x16c: {  	v14 =	vadd.f32 v31, v23;
	v51 =	vmul.f32 v59, v5;
	v5 =	vmul.f32 v63, v5;
	v57 =	vld.idx.msk [tilespmem:v46+s2+$0x0], $0xffff  }
0x16d: {  	v59 =	vmul.f32 v48, v7;
	v63 =	vor.u32 $0x80, v10;
	v36 =	vld.idx.msk [tilespmem:v53+s2+$0x0], $0xffff;
	v48 =	vor.u32 $0x180, v28  }
0x16e: {  	v46 =	vld.idx.msk [tilespmem:v58+s2+$0x0], $0xffff;
	v53 =	vor.u32 $0x180, v11;
	v58 =	vor.u32 $0x200, v11;
	v31 =	vmul.f32 v52, v4  }
0x16f: {  	v41 =	vor.u32 $0x4, v3;
	v47 =	vmul.f32 v62, v13;
	v54 =	vmul.f32 v39, v9  }
0x170: {  	v25 =	vmul.f32 v51, v13;
	v62 =	vor.u32 $0x100, v11;
	v37 =	vmul.f32 v59, v9  }
0x171: {  	v23 =	vmul.f32 v55, v4;
	v31 =	vmul.f32 v31, v13;
	v55 =	vor.u32 $0x200, v28  }
0x172: {  	v24 =	vadd.f32 v47, v61;
	v30 =	vmul.f32 v45, v7;
	v61 =	vmul.f32 v5, v9  }
0x173: {  	v40 =	vld.idx.msk [tilespmem:v50+s2+$0x0], $0xffff;
	v6 =	vadd.f32 v25, v6;
	v47 =	vmul.f32 v60, v7;
	v29 =	vmul.f32 v57, v7  }
0x174: {  	v45 =	vor.u32 $0x100, v10;
	v23 =	vmul.f32 v23, v9;
	v51 =	vld.idx.msk [tilespmem:v63+s2+$0x0], $0xffff;
	v52 =	vmul.f32 v36, v7  }
0x175: {  	v57 =	vor.u32 $0x180, v10;
	v63 =	vld.idx.msk [tilespmem:v56+s2+$0x0], $0xffff;
	v56 =	vor.u32 $0x300, v18;
	v24 =	vadd.f32 v54, v24  }
0x176: {  	v30 =	vmul.f32 v30, v13;
	v6 =	vadd.f32 v61, v6;
	v35 =	vmul.f32 v47, v9  }
0x177: {  	v59 =	vld.idx.msk [tilespmem:v53+s2+$0x0], $0xffff;
	v61 =	vor.u32 $0x200, v10;
	v29 =	vmul.f32 v29, v13;
	v5 =	vadd.f32 v24, v34  }
0x178: {  	v49 =	vld.idx.msk [tilespmem:v62+s2+$0x0], $0xffff;
	v62 =	vmul.f32 v40, v7;
	v30 =	vadd.f32 v37, v30;
	v6 =	vadd.f32 v6, v26  }
0x179: {  	v54 =	vld.idx.msk [tilespmem:v48+s2+$0x0], $0xffff;
	v24 =	vmul.f32 v44, v7;
	v34 =	vmul.f32 v46, v4;
	v44 =	vor.u32 $0x280, v28  }
0x17a: {  	v60 =	vld.idx.msk [tilespmem:v55+s2+$0x0], $0xffff;
	v46 =	vor.u32 $0x280, v18;
	v55 =	vor.u32 $0x300, v28;
	v37 =	vmul.f32 v62, v9  }
0x17b: {  	v30 =	vadd.f32 v31, v30;
	v31 =	vmul.f32 v52, v13;
	v24 =	vmul.f32 v24, v9  }
0x17c: {  	v25 =	vld.idx.msk [tilespmem:v45+s2+$0x0], $0xffff;
	v29 =	vadd.f32 v35, v29;
	v34 =	vmul.f32 v34, v13;
	v26 =	vmul.f32 v51, v4  }
0x17d: {  	v45 =	vld.idx.msk [tilespmem:v57+s2+$0x0], $0xffff;
	v48 =	vmul.f32 v59, v4;
	v52 =	vmul.f32 v63, v7;
	v57 =	vor.u32 $0x300, v11  }
0x17e: {  	v59 =	vor.u32 $0x380, v28;
	v63 =	vor.u32 $0x300, v10;
	v36 =	vmul.f32 v54, v7  }
0x17f: {  	v54 =	vor.u32 $0x280, v10;
	v39 =	vmul.f32 v49, v4;
	v24 =	vadd.f32 v24, v31  }
0x180: {  	v47 =	vld.idx.msk [tilespmem:v58+s2+$0x0], $0xffff;
	v23 =	vadd.f32 v23, v30;
	v29 =	vadd.f32 v34, v29;
	v26 =	vmul.f32 v26, v9  }
0x181: {  	v49 =	vor.u32 $0x280, v11;
	v35 =	vmul.f32 v52, v9;
	v52 =	vadd.s32 $0xC800, v11  }
0x182: {  	v36 =	vmul.f32 v36, v13;
	v34 =	vmul.f32 v60, v7;
	v31 =	vld.idx.msk [tilespmem:v46+s2+$0x0], $0xffff;
	v60 =	vor.u32 $0x380, v18  }
0x183: {  	v62 =	vld.idx.msk [tilespmem:v55+s2+$0x0], $0xffff;
	v46 =	vadd.s32 $0xC800, v28;
	v55 =	vadd.s32 $0xC800, v10;
	v39 =	vmul.f32 v39, v13  }
0x184: {  	v51 =	vld.idx.msk [tilespmem:v61+s2+$0x0], $0xffff;
	v25 =	vmul.f32 v25, v4;
	v23 =	vadd.f32 v23, v38;
	v26 =	vadd.f32 v26, v29  }
0x185: {  	v53 =	vld.idx.msk [tilespmem:v44+s2+$0x0], $0xffff;
	v38 =	vmul.f32 v47, v4;
	v50 =	vadd.f32 v37, v36;
	v29 =	vmul.f32 v45, v4  }
0x186: {  	v34 =	vmul.f32 v34, v13;
	v45 =	vld.idx.msk [tilespmem:v56+s2+$0x0], $0xffff;
	v24 =	vadd.f32 v39, v24;
	v25 =	vmul.f32 v25, v9  }
0x187: {  	v58 =	vmul.f32 v38, v13;
	v37 =	vld.idx.msk [tilespmem:v54+s2+$0x0], $0xffff;
	v54 =	vor.u32 $0x380, v10;
	v23 =	vmul.f32 $2.500000000e-01, v23  }
0x188: {  	v39 =	vld.idx.msk [tilespmem:v63+s2+$0x0], $0xffff;
	v29 =	vmul.f32 v29, v9;
	v34 =	vadd.f32 v35, v34;
	v24 =	vadd.f32 v25, v24  }
0x189: {  	v30 =	vld.idx.msk [tilespmem:v49+s2+$0x0], $0xffff;
	v25 =	vadd.f32 v26, v33;
	v26 =	vmul.f32 v48, v13;
	v33 =	vmul.f32 v51, v4  }
0x18a: {  	v49 =	vadd.s32 $0xC800, v18;
	v36 =	vmul.f32 v53, v7;
	v61 =	vmul.f32 v31, v7;
	v48 =	vld.idx.msk [tilespmem:v59+s2+$0x0], $0xffff  }
0x18b: {  	v51 =	vor.u32 $0x380, v11;
	v31 =	vmul.f32 v62, v7;
	v40 =	vld.idx.msk [tilespmem:v46+s2+$0x0], $0xffff;
	v62 =	vadd.s32 $0xC880, v28  }
0x18c: {  	v63 =	vld.idx.msk [tilespmem:v55+s2+$0x0], $0xffff;
	v46 =	vadd.s32 $0xC880, v18;
	v55 =	vadd.s32 $0xC880, v10;
	v34 =	vadd.f32 v58, v34  }
0x18d: {  	v24 =	vadd.f32 v24, v32;
	v33 =	vmul.f32 v33, v9;
	v44 =	vmul.f32 v36, v13;
	v32 =	vld.idx.msk [tilespmem:v57+s2+$0x0], $0xffff  }
0x18e: {  	v26 =	vadd.f32 v26, v50;
	v50 =	vld.idx.msk [tilespmem:v60+s2+$0x0], $0xffff;
	v53 =	vmul.f32 v45, v7;
	v31 =	vmul.f32 v31, v13  }
0x18f: {  	v37 =	vmul.f32 v37, v4;
	v60 =	vmul.f32 v39, v4;
	v36 =	vld.idx.msk [tilespmem:v54+s2+$0x0], $0xffff;
	v54 =	vadd.s32 $0xC900, v11  }
0x190: {  	v26 =	vadd.f32 v29, v26;
	v29 =	vmul.f32 v61, v9;
	v30 =	vmul.f32 v30, v4;
	v58 =	vld.idx.msk [tilespmem:v49+s2+$0x0], $0xffff  }
0x191: {  	v47 =	vadd.f32 v33, v34;
	v56 =	vmul.f32 v53, v9;
	v61 =	vld.idx.msk [tilespmem:v52+s2+$0x0], $0xffff;
	v37 =	vmul.f32 v37, v9  }
0x192: {  	v49 =	vadd.s32 $0xC900, v18;
	v33 =	vmul.f32 v48, v7;
	v45 =	vmul.f32 v40, v7;
	v38 =	vld.idx.msk [tilespmem:v62+s2+$0x0], $0xffff  }
0x193: {  	v48 =	vadd.s32 $0xC900, v28;
	v52 =	vld.idx.msk [tilespmem:v46+s2+$0x0], $0xffff;
	v62 =	vadd.s32 $0xC980, v18;
	v46 =	vadd.s32 $0xC980, v10  }
0x194: {  	v19 =	vadd.f32 v26, v19;
	v29 =	vadd.f32 v29, v44;
	v30 =	vmul.f32 v30, v13  }
0x195: {  	v59 =	vld.idx.msk [tilespmem:v51+s2+$0x0], $0xffff;
	v26 =	vadd.f32 v47, v27;
	v27 =	vadd.f32 v56, v31;
	v31 =	vmul.f32 v60, v9  }
0x196: {  	v60 =	vadd.s32 $0xC980, v28;
	v57 =	vmul.f32 v32, v4;
	v35 =	vmul.f32 v50, v7  }
0x197: {  	v33 =	vmul.f32 v33, v13;
	v47 =	vmul.f32 v45, v13;
	v50 =	vadd.s32 $0xC880, v11  }
0x198: {  	v29 =	vadd.f32 v30, v29;
	v36 =	vmul.f32 v36, v4;
	v30 =	vmul.f32 v57, v13  }
0x199: {  	v45 =	vadd.s32 $0xC980, v11;
	v35 =	vmul.f32 v35, v9;
	v32 =	vmul.f32 v58, v7  }
0x19a: {  	v56 =	vld.idx.msk [tilespmem:v49+s2+$0x0], $0xffff;
	v57 =	vadd.s32 $0xC900, v10;
	v49 =	vadd.s32 $0xCA80, v28;
	v34 =	vmul.f32 v59, v4  }
0x19b: {  	v29 =	vadd.f32 v37, v29;
	v37 =	vmul.f32 v61, v4;
	v53 =	vmul.f32 v36, v9;
	v39 =	vld.idx.msk [tilespmem:v48+s2+$0x0], $0xffff  }
0x19c: {  	v59 =	vmul.f32 v38, v7;
	v61 =	vld.idx.msk [tilespmem:v54+s2+$0x0], $0xffff;
	v48 =	vadd.s32 $0xCA00, v18;
	v54 =	vadd.s32 $0xCA00, v10  }
0x19d: {  	v27 =	vadd.f32 v30, v27;
	v33 =	vadd.f32 v35, v33;
	v30 =	vmul.f32 v63, v4;
	v63 =	vld.idx.msk [tilespmem:v55+s2+$0x0], $0xffff  }
0x19e: {  	v32 =	vmul.f32 v32, v9;
	v38 =	vld.idx.msk [tilespmem:v60+s2+$0x0], $0xffff;
	v55 =	vadd.s32 $0xCA80, v11;
	v60 =	vadd.s32 $0xCB00, v28  }
0x19f: {  	v36 =	vld.idx.msk [tilespmem:v62+s2+$0x0], $0xffff;
	v34 =	vmul.f32 v34, v13;
	v51 =	vmul.f32 v37, v13;
	v8 =	vadd.f32 v29, v8  }
0x1a0: {  	v58 =	vld.idx.msk [tilespmem:v50+s2+$0x0], $0xffff;
	v37 =	vmul.f32 v52, v7;
	v42 =	vmul.f32 v59, v13;
	v50 =	vadd.s32 $0xCA80, v18  }
0x1a1: {  	v52 =	vadd.s32 $0xCA00, v11;
	v32 =	vadd.f32 v32, v47;
	v30 =	vmul.f32 v30, v9  }
0x1a2: {  	v27 =	vadd.f32 v31, v27;
	v47 =	vadd.s32 $0xCA00, v28;
	v28 =	vadd.s32 $0xCB80, v28  }
0x1a3: {  	v33 =	vadd.f32 v34, v33;
	v43 =	vmul.f32 v37, v9;
	v29 =	vmul.f32 v56, v7  }
0x1a4: {  	v31 =	vld.idx.msk [tilespmem:v57+s2+$0x0], $0xffff;
	v57 =	vadd.s32 $0xCA80, v10;
	v8 =	vmul.f32 $2.500000000e-01, v8;
	v32 =	vadd.f32 v51, v32  }
0x1a5: {  	v27 =	vadd.f32 v27, v12;
	v44 =	vmul.f32 v39, v7;
	v36 =	vmul.f32 v36, v7  }
0x1a6: {  	v40 =	vld.idx.msk [tilespmem:v48+s2+$0x0], $0xffff;
	v48 =	vadd.s32 $0xCB00, v11;
	v11 =	vadd.s32 $0xCB80, v11;
	v39 =	vor.u32 $0x3, v3  }
0x1a7: {  	v33 =	vadd.f32 v53, v33;
	v29 =	vmul.f32 v29, v9;
	v38 =	vmul.f32 v38, v7  }
0x1a8: {  	v37 =	vld.idx.msk [tilespmem:v45+s2+$0x0], $0xffff;
	v30 =	vadd.f32 v30, v32;
	v32 =	vmul.f32 v58, v4;
	v35 =	vmul.f32 v44, v13  }
0x1a9: {  	v36 =	vmul.f32 v36, v9;
	v34 =	vld.idx.msk [tilespmem:v52+s2+$0x0], $0xffff;
	v52 =	vadd.s32 $0xCB00, v10;
	v10 =	vadd.s32 $0xCB80, v10  }
0x1aa: {  	v21 =	vadd.f32 v33, v21;
	v33 =	vmul.f32 v61, v4;
	v58 =	vmul.f32 v38, v13  }
0x1ab: {  	v56 =	vld.idx.msk [tilespmem:v49+s2+$0x0], $0xffff;
	v61 =	vadd.s32 $0xCB00, v18;
	v18 =	vadd.s32 $0xCB80, v18;
	v38 =	vor.u32 $0x2, v3  }
0x1ac: {  	v51 =	vld.idx.msk [tilespmem:v46+s2+$0x0], $0xffff;
	v12 =	vadd.f32 v30, v20;
	v30 =	vadd.f32 v43, v42;
	v32 =	vmul.f32 v32, v13  }
0x1ad: {  	v46 =	vld.idx.msk [tilespmem:v55+s2+$0x0], $0xffff;
	v20 =	vmul.f32 v63, v4;
	v29 =	vadd.f32 v29, v35;
	v31 =	vmul.f32 v31, v4  }
0x1ae: {  	v59 =	vld.idx.msk [tilespmem:v50+s2+$0x0], $0xffff;
	v37 =	vmul.f32 v37, v4;
	v42 =	vmul.f32 $2.500000000e-01, v24;
	v43 =	vor.u32 $0x5, v3  }
0x1af: {  	v53 =	vld.idx.msk [tilespmem:v47+s2+$0x0], $0xffff;
	v33 =	vmul.f32 v33, v13;
	v44 =	vadd.f32 v36, v58;
	v47 =	vmul.f32 v40, v7  }
0x1b0: {  	v62 =	vld.idx.msk [tilespmem:v54+s2+$0x0], $0xffff;
	v36 =	vor.u32 $0x1, v3;
	v40 =	vmul.f32 $2.500000000e-01, v25;
	v20 =	vmul.f32 v20, v9  }
0x1b1: {  	v28 =	vld.idx.msk [tilespmem:v28+s2+$0x0], $0xffff;
	v30 =	vadd.f32 v32, v30;
	v31 =	vmul.f32 v31, v9;
	v32 =	vmul.f32 v51, v4  }
0x1b2: {  	v55 =	vld.idx.msk [tilespmem:v48+s2+$0x0], $0xffff;
	v48 =	vor.u32 $0x8, v3;
	v45 =	vmul.f32 v37, v13;
	v54 =	vmul.f32 v46, v4  }
0x1b3: {  	v50 =	vld.idx.msk [tilespmem:v60+s2+$0x0], $0xffff;
	v46 =	vmul.f32 $2.500000000e-01, v26;
	v29 =	vadd.f32 v33, v29;
	v49 =	vmul.f32 v59, v7  }
0x1b4: {  	v11 =	vld.idx.msk [tilespmem:v11+s2+$0x0], $0xffff;
	v37 =	vmul.f32 v47, v9;
	v34 =	vmul.f32 v34, v4;
	v47 =	vor.u32 $0x7, v3  }
0x1b5: {  	v10 =	vld.idx.msk [tilespmem:v10+s2+$0x0], $0xffff;
	v20 =	vadd.f32 v20, v30;
	v63 =	vmul.f32 v53, v7;
	v32 =	vmul.f32 v32, v9  }
0x1b6: {  	v33 =	vadd.f32 v45, v44;
	v30 =	vmul.f32 v56, v7;
	v51 =	vld.idx.msk [tilespmem:v61+s2+$0x0], $0xffff;
	v35 =	vmul.f32 v54, v13  }
0x1b7: {  	v56 =	vld.idx.msk [tilespmem:v52+s2+$0x0], $0xffff;
	v28 =	vmul.f32 v28, v7;
	v44 =	vmul.f32 $2.500000000e-01, v19;
	v45 =	vor.u32 $0x6, v3  }
0x1b8: {  	v18 =	vld.idx.msk [tilespmem:v18+s2+$0x0], $0xffff;
	v29 =	vadd.f32 v31, v29;
	v53 =	vmul.f32 v49, v9;
	v34 =	vmul.f32 v34, v13  }
0x1b9: {  	v52 =	vor.u32 $0xA, v3;
	v31 =	vld.idx.msk [tilespmem:v57+s2+$0x0], $0xffff;
	v57 =	vmul.f32 v50, v7;
	[tilespmem:v3+s17+$0x0] =	vst.idx.msk $0xffff, v23;
	v49 =	vmul.f32 $2.500000000e-01, v27  }
0x1ba: {  	v15 =	vadd.f32 v20, v15;
	v30 =	vmul.f32 v30, v13;
	v61 =	vmul.f32 v55, v4  }
0x1bb: {  	v32 =	vadd.f32 v32, v33;
	v28 =	vmul.f32 v28, v13;
	v11 =	vmul.f32 v11, v4  }
0x1bc: {  	v20 =	vadd.f32 v29, v22;
	v29 =	vmul.f32 v63, v13;
	v22 =	vmul.f32 v62, v4  }
0x1bd: {  	v54 =	vor.u32 $0xB, v3;
	[tilespmem:v36+s17+$0x0] =	vst.idx.msk $0xffff, v40;
	v59 =	vmul.f32 v57, v13;
	v11 =	vmul.f32 v11, v13  }
0x1be: {  	[tilespmem:v38+s17+$0x0] =	vst.idx.msk $0xffff, v42;
	v30 =	vadd.f32 v53, v30;
	v53 =	vmul.f32 $2.500000000e-01, v12;
	v55 =	vmul.f32 $2.500000000e-01, v15  }
0x1bf: {  	v50 =	vor.u32 $0x9, v3;
	[tilespmem:v39+s17+$0x0] =	vst.idx.msk $0xffff, v44;
	v58 =	vmul.f32 v51, v7;
	v22 =	vmul.f32 v22, v9  }
0x1c0: {  	v29 =	vadd.f32 v37, v29;
	v63 =	vmul.f32 v56, v4;
	v7 =	vmul.f32 v18, v7  }
0x1c1: {  	v17 =	vadd.f32 v32, v17;
	[tilespmem:v41+s17+$0x0] =	vst.idx.msk $0xffff, v46;
	v51 =	vmul.f32 $2.500000000e-01, v21;
	v31 =	vmul.f32 v31, v4  }
0x1c2: {  	v30 =	vadd.f32 v35, v30;
	v29 =	vadd.f32 v34, v29;
	v60 =	vmul.f32 v58, v9  }
0x1c3: {  	v56 =	vor.u32 $0xC, v3;
	v4 =	vmul.f32 v10, v4;
	[tilespmem:v43+s17+$0x0] =	vst.idx.msk $0xffff, v8;
	v7 =	vmul.f32 v7, v9  }
0x1c4: {  	v22 =	vadd.f32 v22, v29;
	v62 =	vadd.f32 v60, v59;
	v29 =	vmul.f32 v61, v13  }
0x1c5: {  	v37 =	vmul.f32 v63, v9;
	v31 =	vmul.f32 v31, v9;
	v7 =	vadd.f32 v7, v28  }
0x1c6: {  	[tilespmem:v45+s17+$0x0] =	vst.idx.msk $0xffff, v49;
	v58 =	vmul.f32 $2.500000000e-01, v20;
	v4 =	vmul.f32 v4, v9;
	v29 =	vadd.f32 v29, v62  }
0x1c7: {  	[tilespmem:v47+s17+$0x0] =	vst.idx.msk $0xffff, v51;
	v59 =	vor.u32 $0xD, v3;
	v30 =	vadd.f32 v31, v30;
	v7 =	vadd.f32 v11, v7  }
0x1c8: {  	[tilespmem:v48+s17+$0x0] =	vst.idx.msk $0xffff, v53;
	v60 =	vmul.f32 $2.500000000e-01, v17;
	v16 =	vadd.f32 v22, v16;
	v57 =	vadd.f32 v37, v29  }
0x1c9: {  	v61 =	vor.u32 $0xE, v3;
	[tilespmem:v50+s17+$0x0] =	vst.idx.msk $0xffff, v55;
	v14 =	vadd.f32 v30, v14;
	v4 =	vadd.f32 v4, v7  }
0x1ca: {  	p0 =	sne.s32 s20, $0x30;
	v3 =	vor.u32 $0xF, v3;
	[tilespmem:v52+s17+$0x0] =	vst.idx.msk $0xffff, v58;
	v62 =	vmul.f32 $2.500000000e-01, v16;
	v5 =	vadd.f32 v57, v5  }
.Ltmp0:
0x1cb: {  	[tilespmem:v54+s17+$0x0] =	vst.idx.msk $0xffff, v60;
	v63 =	vmul.f32 $2.500000000e-01, v14;
	v4 =	vadd.f32 v4, v6;
	(pc) =	sbr.rel @p0 .LBB2_3-.Ltmp0, $4  }
0x1cc: {  	[tilespmem:v56+s17+$0x0] =	vst.idx.msk $0xffff, v62;
	v5 =	vmul.f32 $2.500000000e-01, v5  }
0x1cd: {  	[tilespmem:v59+s17+$0x0] =	vst.idx.msk $0xffff, v63;
	v4 =	vmul.f32 $2.500000000e-01, v4  }
0x1ce: {  	[tilespmem:v61+s17+$0x0] =	vst.idx.msk $0xffff, v5  }
0x1cf: {  	s20 =	sadd.s32 $0x10, s20;
	[tilespmem:v3+s17+$0x0] =	vst.idx.msk $0xffff, v4  }
0x1d0: {  	s20 =	sadd.s32 s4, s19  }
0x1d1: {  	s20 =	smul.u32 $0x1C00, s20;
	_ =	sdelay $0x1  }
0x1d2: {  	s19 =	sadd.s32 $0x1, s19;
	s20 =	sadd.s32 s7, s20  }
0x1d3: {  	p0 =	sne.s32 s19, $0x80;
	s20 =	sshrl.u32 s20, $0x3  }
.Ltmp1:
0x1d4: {  	s20 =	sadd.s32 s3, s20;
	(pc) =	sbr.rel @p0 .LBB2_2-.Ltmp1, $4  }
0x1d5: {  	[hbm4b:s20+s2] =	stream.linear.scatter [tilespmem:s17], [sflag:$0x1], $0x1880, $0x38;
	[tilespmem:$0x1F300] =	vst v63  }
0x1d6: {  	_ =	swait.ge [sflag:s9], $0x1880  }
0x1d7: {  	[sflag:s9] =	ssyncset.done $0x0  }
0x1d8: {  	[sflag:s9] =	ssyncadd.s32 $0xFFFFE780  }
0x1d9: {  	s18 =	sadd.s32 $0x1, s18  }
0x1da: {  	p0 =	sne.s32 s18, s8  }
.Ltmp2:
0x1db: {  	_ = 	snop;
	(pc) =	sbr.rel @p0 .LBB2_1-.Ltmp2, $1  }
0x1dc: {  	_ =	sdelay $0x3  }
0x1dd: {  	_ =	sfence.sel $0x180000  }
0x1de: {  	[bflag:$0x0] =	sbarrier.arrive $0xFFFF  }
0x1df: {  	p0 =	sne.s32 s1, $0x0;
	_ =	strace $0x90000047  }
0x1e0: {  	s0 =	sadd.s32 @!p0 $0x100000, s0;
	[bflag:$0x2] =	sbarrier.arrive $0xFFFF  }
0x1e1: {  	[sflag:s0] =	ssyncadd.tile.s32 @!p0 $0x1;
	_ =	shalt  }
.Lfunc_end2:
_tile_overlayer_lowered:
.L_overlay_start_2:
0x1e2: {  	(tag) =	ssettag $0x2  }
0x1e3: {  	s0 =	rddreg [dreg:$0x0];
	s2 =	stileid.u32  }
0x1e4: {  	s1 =	rddreg [dreg:$0x1];
	p0 =	sne.s32 s2, $0x0  }
0x1e5: {  	s3 =	rddreg [dreg:$0x2];
	[bflag:$0x3] =	sbarrier.arrive $0xFFFF;
	s2 =	simm.s32 @!p0 $0x1C01  }
0x1e6: {  	[timem:s3], [sflag:s2] =	dma.local @!p0 [hbm:s0], s1  }
0x1e7: {  	s0 =	simm.s32 @!p0 $0x1  }
0x1e8: {  	_ =	swait.ge @!p0 [sflag:s0], s1  }
0x1e9: {  	s1 =	ssub.s32 @!p0 $0x0, s1;
	[sflag:s0] =	ssyncset.done @!p0 $0x0  }
0x1ea: {  	[sflag:s0] =	ssyncadd.s32 @!p0 s1  }
0x1eb: {  	[bflag:$0x3] =	sbarrier.arrive $0xFFFF  }
0x1ec: {  	_ =	shalt  }

</sc_bundles>
